<compile_context>
chip_gen: v7x
topology: tpu7x:2x2x1
jax: 0.10.2.dev20260603
libtpu: 0.0.44.dev20260713+nightly
codegen_flags: <defaults>
</compile_context>

<pallas_src>
import functools

import jax
import jax.numpy as jnp
import numpy as np
from jax import lax
from jax.experimental import pallas as pl
from jax.experimental.pallas import tpu as pltpu
from jax.experimental.pallas import tpu_sc as plsc

NUM_Q = 20000
NUM_S = 500
EMB = 128
B = 1024
S = 20
RANK_K = 10
T = S - 1
BQ = 1024
NSP = 512
GRID_Q = (NUM_Q + BQ - 1) // BQ
NC, NS_SC = 2, 16
NW = NC * NS_SC
HI = lax.Precision.HIGHEST
F32 = jnp.float32


def _dot(a, b):
    return jnp.dot(a, b, preferred_element_type=F32)


def _dot_bt(a, b):
    return lax.dot_general(a, b, (((1,), (1,)), ((), ())),
                           preferred_element_type=F32)




def _sc_gather(table, idx, rows, chunk, width=EMB):
    per_w = rows // NW
    n_chunks = per_w // chunk
    nb = min(3, n_chunks)
    mesh = plsc.VectorSubcoreMesh(core_axis_name="c", subcore_axis_name="s")

    @functools.partial(
        pl.kernel,
        out_type=jax.ShapeDtypeStruct((rows, width), F32),
        mesh=mesh,
        scratch_types=(
            [pltpu.VMEM((chunk,), jnp.int32) for _ in range(nb)]
            + [pltpu.VMEM((chunk, width), F32) for _ in range(nb)]
            + [pltpu.SemaphoreType.DMA, pltpu.SemaphoreType.DMA]
        ),
    )
    def gather(table_hbm, idx_hbm, out_hbm, *rest):
        ibufs = rest[:nb]
        bufs = rest[nb:2 * nb]
        gsem, wsem = rest[2 * nb], rest[2 * nb + 1]
        wid = lax.axis_index("s") * NC + lax.axis_index("c")
        base = wid * per_w

        def start(k):
            pltpu.sync_copy(idx_hbm.at[pl.ds(base + k * chunk, chunk)],
                            ibufs[k % nb])
            return pltpu.async_copy(table_hbm.at[ibufs[k % nb]],
                                    bufs[k % nb], gsem)

        gps = {0: start(0)}
        wps = {}
        for k in range(n_chunks):
            if k + 1 < n_chunks:
                if k + 1 >= nb:
                    wps[k + 1 - nb].wait()
                gps[k + 1] = start(k + 1)
            gps[k].wait()
            wps[k] = pltpu.async_copy(
                bufs[k % nb], out_hbm.at[pl.ds(base + k * chunk, chunk)], wsem)
        for k in range(max(0, n_chunks - nb), n_chunks):
            wps[k].wait()

    return gather(table, idx)


def _passA_body(qn_ref, eq_ref, es_ref, W2_ref, b2_ref, W0_ref, b0_ref,
                tall_ref, t0a_ref):
    qn = qn_ref[...]
    iot = lax.broadcasted_iota(jnp.int32, (BQ, NSP), 1)
    counts = jnp.zeros((BQ, NSP), jnp.bfloat16)
    for j in range(4):
        counts += (qn[:, j:j + 1] == iot).astype(jnp.bfloat16)
    qmean = _dot(counts, es_ref[...].astype(jnp.bfloat16)) * 0.25
    x = eq_ref[...] + qmean
    tall_ref[0] = eq_ref[...]
    tall_ref[1] = jnp.tanh(_dot(x, W2_ref[...]) + b2_ref[...])
    t0a_ref[...] = jnp.tanh(_dot(x, W0_ref[...]) + b0_ref[...])


def _passA(qn, emb_q, es512, W2, b2, W0, b0):
    return pl.pallas_call(
        _passA_body,
        grid=(GRID_Q,),
        in_specs=[
            pl.BlockSpec((BQ, 4), lambda i: (i, 0)),
            pl.BlockSpec((BQ, EMB), lambda i: (i, 0)),
            pl.BlockSpec((NSP, EMB), lambda i: (0, 0)),
            pl.BlockSpec((EMB, EMB), lambda i: (0, 0)),
            pl.BlockSpec((1, EMB), lambda i: (0, 0)),
            pl.BlockSpec((EMB, EMB), lambda i: (0, 0)),
            pl.BlockSpec((1, EMB), lambda i: (0, 0)),
        ],
        out_specs=[
            pl.BlockSpec((2, BQ, EMB), lambda i: (0, i, 0)),
            pl.BlockSpec((BQ, EMB), lambda i: (i, 0)),
        ],
        out_shape=[
            jax.ShapeDtypeStruct((2, NUM_Q, EMB), F32),
            jax.ShapeDtypeStruct((NUM_Q, EMB), F32),
        ],
    )(qn, emb_q, es512, W2, b2, W0, b0)


def _passB_body(es_ref, g_ref, W1_ref, b1_ref, t1a_ref, t1b_ref):
    g = g_ref[...]
    sm0 = (g[0] + g[1] + g[2] + g[3]) * 0.25
    t1a = jnp.tanh(_dot(es_ref[...] + sm0, W1_ref[...]) + b1_ref[...])
    sm1 = (g[4] + g[5] + g[6] + g[7]) * 0.25
    t1b = jnp.tanh(_dot(t1a + sm1, W1_ref[...]) + b1_ref[...])
    t1a_ref[...] = t1a
    t1b_ref[...] = t1b


def _passB(es512, g, W1, b1):
    return pl.pallas_call(
        _passB_body,
        out_shape=[
            jax.ShapeDtypeStruct((NSP, EMB), F32),
            jax.ShapeDtypeStruct((NSP, EMB), F32),
        ],
    )(es512, g, W1, b1)


def _passC_body(qn_ref, eq_ref, t0a_ref, qs_ref, t1a_ref, t1b_ref, es_ref,
                W0_ref, b0_ref, lw_ref, lb_ref, fw_ref, fb_ref, tall_ref):
    qn = qn_ref[...]
    iot = lax.broadcasted_iota(jnp.int32, (BQ, NSP), 1)
    counts = jnp.zeros((BQ, NSP), jnp.bfloat16)
    for j in range(4):
        counts += (qn[:, j:j + 1] == iot).astype(jnp.bfloat16)
    qm1 = _dot(counts, t1a_ref[...].astype(jnp.bfloat16)) * 0.25
    t0b = jnp.tanh(_dot(t0a_ref[...] + qm1, W0_ref[...]) + b0_ref[...])
    qm2 = _dot(counts, t1b_ref[...].astype(jnp.bfloat16)) * 0.25
    t0c = jnp.tanh(_dot(t0b + qm2, W0_ref[...]) + b0_ref[...])
    qfin = jnp.tanh(_dot(t0c, lw_ref[...]) + lb_ref[...])
    raw = jnp.maximum(_dot(eq_ref[...], fw_ref[...]) + fb_ref[...], 0.0)
    gnn = jnp.maximum(_dot(qfin, fw_ref[...]) + fb_ref[...], 0.0)
    qs = qs_ref[...]
    esum = _dot(qs.astype(jnp.bfloat16), es_ref[...].astype(jnp.bfloat16))
    rs = jnp.sum(qs, axis=1, keepdims=True)
    tall_ref[0] = raw
    tall_ref[1] = gnn
    tall_ref[2] = eq_ref[...]
    tall_ref[3] = esum / jnp.maximum(rs, 1.0)


def _passC(qn, emb_q, t0a, qs_table, t1a, t1b, emb_s, W0, b0, lw, lb, fw, fb):
    return pl.pallas_call(
        _passC_body,
        grid=(GRID_Q,),
        in_specs=[
            pl.BlockSpec((BQ, 4), lambda i: (i, 0)),
            pl.BlockSpec((BQ, EMB), lambda i: (i, 0)),
            pl.BlockSpec((BQ, EMB), lambda i: (i, 0)),
            pl.BlockSpec((BQ, NUM_S), lambda i: (i, 0)),
            pl.BlockSpec((NSP, EMB), lambda i: (0, 0)),
            pl.BlockSpec((NSP, EMB), lambda i: (0, 0)),
            pl.BlockSpec((NUM_S, EMB), lambda i: (0, 0)),
            pl.BlockSpec((EMB, EMB), lambda i: (0, 0)),
            pl.BlockSpec((1, EMB), lambda i: (0, 0)),
            pl.BlockSpec((EMB, EMB), lambda i: (0, 0)),
            pl.BlockSpec((1, EMB), lambda i: (0, 0)),
            pl.BlockSpec((EMB, EMB), lambda i: (0, 0)),
            pl.BlockSpec((1, EMB), lambda i: (0, 0)),
        ],
        out_specs=pl.BlockSpec((4, BQ, EMB), lambda i: (0, i, 0)),
        out_shape=jax.ShapeDtypeStruct((4, NUM_Q, EMB), F32),
    )(qn, emb_q, t0a, qs_table, t1a, t1b, emb_s, W0, b0, lw, lb, fw, fb)


def _passR_body(xsel_ref, eqn_ref, esk_ref, resp_ref, WihAT_ref, WihBT_ref,
                WhhT_ref, bsumT_ref, qWT_ref, qbT_ref, kWT_ref, kbT_ref,
                w1_ref, w2_ref, er_ref, h0T_ref, c0T_ref, out_ref,
                hT_s, cT_s, qring, lqring):
    t = pl.program_id(0)

    @pl.when(t == 0)
    def _init():
        hT_s[...] = h0T_ref[...]
        cT_s[...] = c0T_ref[...]

    bf = jnp.bfloat16
    rWT = _dot_bt(WihBT_ref[...], er_ref[...])
    resp = resp_ref[0]
    gatesT = (_dot_bt(WihAT_ref[...].astype(bf), xsel_ref[0, 0].astype(bf))
              + _dot(WhhT_ref[...].astype(bf), hT_s[...].astype(bf))
              + bsumT_ref[...]
              + rWT[:, 0:1] + resp * (rWT[:, 1:2] - rWT[:, 0:1]))
    ig = jax.nn.sigmoid(gatesT[0:EMB])
    fg = jax.nn.sigmoid(gatesT[EMB:2 * EMB])
    gg = jnp.tanh(gatesT[2 * EMB:3 * EMB])
    og = jax.nn.sigmoid(gatesT[3 * EMB:4 * EMB])
    cT = fg * cT_s[...] + ig * gg
    hT = og * jnp.tanh(cT)
    cT_s[...] = cT
    hT_s[...] = hT

    qhT = _dot(qWT_ref[...].astype(bf), hT.astype(bf)) + qbT_ref[...]
    lq_t = jnp.sum(qhT * w1_ref[...], axis=0, keepdims=True)
    slot = lax.rem(t, RANK_K)
    qring[pl.ds(slot, 1)] = qhT[None]
    lqring[pl.ds(slot, 1)] = lq_t[None]

    kWb = kWT_ref[...].astype(bf)
    KmT0 = _dot_bt(kWb, eqn_ref[0, 0].astype(bf)) + kbT_ref[...]
    KmT1 = _dot_bt(kWb, esk_ref[0, 0].astype(bf)) + kbT_ref[...]
    w2 = w2_ref[...]
    lk0 = jnp.sum(KmT0 * w2, axis=0, keepdims=True)
    lk1 = jnp.sum(KmT1 * w2, axis=0, keepdims=True)

    ls, gs = [], []
    mx = jnp.full((1, B), -1e30, F32)
    for s_i in range(RANK_K):
        valid = jnp.logical_or(s_i <= t, t >= RANK_K)
        qrowT = qring[s_i]
        lq_s = lqring[s_i]
        for km, lk in ((KmT0, lk0), (KmT1, lk1)):
            l = jnp.where(valid, lq_s + lk, -1e30)
            g = jnp.where(
                valid,
                jax.nn.sigmoid(jnp.sum(qrowT * km, axis=0, keepdims=True)),
                0.0)
            ls.append(l)
            gs.append(g)
            mx = jnp.maximum(mx, l)
    num = jnp.zeros((1, B), F32)
    den = jnp.zeros((1, B), F32)
    for l, g in zip(ls, gs):
        e = jnp.exp(l - mx)
        num += e * g
        den += e
    out_ref[0] = num / den


def _passR(g2, respf, WihAT, WihBT, WhhT, bsumT, qWT, qbT,
           kWT, kbT, w1, w2, emb_r, h0T, c0T):
    full = lambda shape: pl.BlockSpec(shape, lambda t: tuple(0 for _ in shape))
    return pl.pallas_call(
        _passR_body,
        grid=(T,),
        in_specs=[
            pl.BlockSpec((1, 1, B, EMB), lambda t: (0, t, 0, 0)),
            pl.BlockSpec((1, 1, B, EMB), lambda t: (1, t, 0, 0)),
            pl.BlockSpec((1, 1, B, EMB), lambda t: (2, t, 0, 0)),
            pl.BlockSpec((1, 1, B), lambda t: (t, 0, 0)),
            full((4 * EMB, EMB)),
            full((4 * EMB, EMB)),
            full((4 * EMB, EMB)),
            full((4 * EMB, 1)),
            full((EMB, EMB)),
            full((EMB, 1)),
            full((EMB, EMB)),
            full((EMB, 1)),
            full((EMB, 1)),
            full((EMB, 1)),
            full((2, EMB)),
            full((EMB, B)),
            full((EMB, B)),
        ],
        out_specs=pl.BlockSpec((1, 1, B), lambda t: (t, 0, 0)),
        out_shape=jax.ShapeDtypeStruct((T, 1, B), F32),
        scratch_shapes=[
            pltpu.VMEM((EMB, B), F32),
            pltpu.VMEM((EMB, B), F32),
            pltpu.VMEM((RANK_K, EMB, B), F32),
            pltpu.VMEM((RANK_K, 1, B), F32),
        ],
    )(g2, g2, g2, respf, WihAT, WihBT, WhhT, bsumT, qWT, qbT, kWT, kbT,
      w1, w2, emb_r, h0T, c0T)


def kernel(question, response, mask, q_neighbors, s_neighbors, qs_table,
           emb_q, emb_s, emb_r, ft_W, ft_b, agg_W, agg_b, last_W, last_b,
           Wih, Whh, bih, bhh, q_W, q_b, k_W, k_b, w_W, w_b):
    q = question.astype(jnp.int32)
    msk = mask.astype(jnp.int32)
    qn = q_neighbors.astype(jnp.int32)
    sn = s_neighbors.astype(jnp.int32)
    W0, W1, W2 = agg_W[0], agg_W[1], agg_W[2]
    b0 = agg_b[0].reshape(1, EMB)
    b1 = agg_b[1].reshape(1, EMB)
    b2 = agg_b[2].reshape(1, EMB)
    lb = last_b.reshape(1, EMB)
    fb = ft_b.reshape(1, EMB)
    es512 = jnp.pad(emb_s, ((0, NSP - NUM_S), (0, 0)))

    tall_a, t0a = _passA(qn, emb_q, es512, W2, b2, W0, b0)

    snp = jnp.pad(sn, ((0, NSP - NUM_S), (0, 0))).T.reshape(-1)
    idx1 = jnp.concatenate([snp, snp + NUM_Q])
    g1 = _sc_gather(tall_a.reshape(2 * NUM_Q, EMB), idx1, 4096, 128)

    t1a, t1b = _passB(es512, g1.reshape(8, NSP, EMB), W1, b1)

    tall = _passC(qn, emb_q, t0a, qs_table, t1a, t1b, emb_s,
                  W0, b0, last_W, lb, ft_W, fb)

    qT = q.T
    sel = (qT[:T] + NUM_Q * msk.T[:T]).reshape(-1)
    nxt = qT[1:].reshape(-1)
    idx2 = jnp.concatenate([sel, 2 * NUM_Q + nxt, 3 * NUM_Q + nxt])
    g2 = _sc_gather(tall.reshape(4 * NUM_Q, EMB), idx2, 3 * T * B, 96)
    g2 = g2.reshape(3, T, B, EMB)

    a = float(np.sqrt(6.0 / (B + EMB)))
    kh = jax.random.split(jax.random.key(42))
    h0 = jax.random.uniform(kh[0], (B, EMB), minval=-a, maxval=a, dtype=F32)
    c0 = jax.random.uniform(kh[1], (B, EMB), minval=-a, maxval=a, dtype=F32)

    respf = response.astype(F32).T[:T].reshape(T, 1, B)
    bsumT = (bih + bhh).reshape(4 * EMB, 1)
    outp = _passR(g2, respf, Wih[:EMB].T, Wih[EMB:].T,
                  Whh.T, bsumT, q_W.T, q_b.reshape(EMB, 1), k_W.T,
                  k_b.reshape(EMB, 1), w_W[:EMB], w_W[EMB:], emb_r,
                  h0.T, c0.T)

    res = outp.reshape(T, B).T
    return jnp.concatenate([jnp.zeros((B, 1), F32), res], axis=1)

# --- scband reference (transcript-rebuilt; emitter-appended) ---
"""Pipeline reference for scband-gikt-53515292508602 (READ-ONLY COPY).

The authoritative reference and input builder live on the scoring server;
editing this copy changes nothing except your own understanding.
"""

import jax, jax.numpy as jnp
import numpy as np

NUM_Q = 20000
NUM_S = 500
EMB = 128
QN = 4
SN = 4
HOPS = 3
RANK_K = 10
B = 1024
S = 20


def _lin(key, fan_in, fan_out):
    k1, k2 = jax.random.split(key)
    lim = 1.0 / np.sqrt(fan_in)
    W = jax.random.uniform(k1, (fan_in, fan_out), minval=-lim, maxval=lim, dtype=jnp.float32)
    b = jax.random.uniform(k2, (fan_out,), minval=-lim, maxval=lim, dtype=jnp.float32)
    return W, b


def setup_inputs(seed: int = 0) -> dict:
    key = jax.random.key(seed)
    ks = jax.random.split(key, 30)
    inp = {}
    inp["question"] = jax.random.randint(ks[0], (B, S), 0, NUM_Q)
    inp["response"] = jax.random.randint(ks[1], (B, S), 0, 2)
    inp["mask"] = jax.random.randint(ks[2], (B, S), 0, 2)
    inp["q_neighbors"] = jax.random.randint(ks[3], (NUM_Q, QN), 0, NUM_S)
    inp["s_neighbors"] = jax.random.randint(ks[4], (NUM_S, SN), 0, NUM_Q)
    inp["qs_table"] = (jax.random.uniform(ks[5], (NUM_Q, NUM_S)) < 0.01).astype(jnp.float32)
    inp["emb_q"] = jax.random.normal(ks[6], (NUM_Q, EMB), dtype=jnp.float32)
    inp["emb_s"] = jax.random.normal(ks[7], (NUM_S, EMB), dtype=jnp.float32)
    inp["emb_r"] = jax.random.normal(ks[8], (2, EMB), dtype=jnp.float32)
    inp["ft_W"], inp["ft_b"] = _lin(ks[9], EMB, EMB)
    aggW, aggb = [], []
    for i in range(HOPS):
        W, b = _lin(ks[10 + i], EMB, EMB)
        aggW.append(W); aggb.append(b)
    inp["agg_W"] = jnp.stack(aggW)
    inp["agg_b"] = jnp.stack(aggb)
    inp["last_W"], inp["last_b"] = _lin(ks[13], EMB, EMB)
    inp["Wih"], _ = _lin(ks[14], 2 * EMB, 4 * EMB)
    inp["Whh"], _ = _lin(ks[15], EMB, 4 * EMB)
    lim = 1.0 / np.sqrt(EMB)
    inp["bih"] = jax.random.uniform(ks[16], (4 * EMB,), minval=-lim, maxval=lim, dtype=jnp.float32)
    inp["bhh"] = jax.random.uniform(ks[17], (4 * EMB,), minval=-lim, maxval=lim, dtype=jnp.float32)
    inp["q_W"], inp["q_b"] = _lin(ks[18], EMB, EMB)
    inp["k_W"], inp["k_b"] = _lin(ks[19], EMB, EMB)
    inp["w_W"], inp["w_b"] = _lin(ks[20], 2 * EMB, 1)
    return inp


def reference(question, response, mask, q_neighbors, s_neighbors, qs_table, emb_q, emb_s, emb_r, ft_W, ft_b, agg_W, agg_b, last_W, last_b, Wih, Whh, bih, bhh, q_W, q_b, k_W, k_b, w_W, w_b):
    a = float(np.sqrt(6.0 / (B + EMB)))
    kh = jax.random.split(jax.random.key(42))
    h = jax.random.uniform(kh[0], (B, EMB), minval=-a, maxval=a, dtype=jnp.float32)
    c = jax.random.uniform(kh[1], (B, EMB), minval=-a, maxval=a, dtype=jnp.float32)
    history = []
    outs = [jnp.zeros((B,), dtype=jnp.float32)]
    for t in range(S - 1):
        q_t = question[:, t]
        emb_resp = emb_r[response[:, t]]
        m_t = (mask[:, t] == 1)
        # multi-hop neighbor expansion (q -> s -> q -> s ...)
        levels = [q_t]
        for i in range(HOPS):
            cur = levels[-1].reshape(-1)
            if i % 2 == 0:
                nxt = q_neighbors[cur]; w = QN
            else:
                nxt = s_neighbors[cur]; w = SN
            levels.append(nxt.reshape(levels[-1].shape + (w,)))
        embs = [emb_q[n] if i % 2 == 0 else emb_s[n] for i, n in enumerate(levels)]
        # GCN-style leaves->root aggregation (dropout identity in eval)
        for i in range(HOPS):
            for j in range(HOPS - i):
                neigh = jnp.mean(embs[j + 1], axis=-2)
                embs[j] = jnp.tanh((embs[j] + neigh) @ agg_W[j] + agg_b[j])
        emb0 = jnp.tanh(embs[0] @ last_W + last_b)
        emb_question_t = jnp.where(m_t[:, None], emb0, emb_q[q_t])
        emb_q_trans = jax.nn.relu(emb_question_t @ ft_W + ft_b)
        lstm_in = jnp.concatenate([emb_q_trans, emb_resp], axis=1)
        gates = lstm_in @ Wih + h @ Whh + bih + bhh
        ig, fg, gg, og = jnp.split(gates, 4, axis=1)
        c = jax.nn.sigmoid(fg) * c + jax.nn.sigmoid(ig) * jnp.tanh(gg)
        h = jax.nn.sigmoid(og) * jnp.tanh(c)
        history.append(h)
        # soft recap: most recent rank_k hidden states
        sel = history[max(0, len(history) - RANK_K):]
        states = jnp.stack(sel, axis=1)
        q_next = question[:, t + 1]
        e_qn = emb_q[q_next]
        skill_w = qs_table[q_next]
        denom = jnp.clip(jnp.sum(skill_w, axis=1, keepdims=True), 1.0, None)
        e_sk = (skill_w @ emb_s) / denom
        E = jnp.stack([e_qn, e_sk], axis=1)
        Qm = states @ q_W + q_b
        Km = E @ k_W + k_b
        m = Qm.shape[1]
        Qe = jnp.repeat(Qm[:, :, None, :], 2, axis=2)
        Ke = jnp.repeat(Km[:, None, :, :], m, axis=1)
        pair = jnp.concatenate([Qe, Ke], axis=-1)
        logits = jnp.squeeze(pair @ w_W, -1) + w_b[0]
        alpha = jax.nn.softmax(logits.reshape(B, -1), axis=1).reshape(B, m, 2)
        g = jax.nn.sigmoid(jnp.sum(Qe * Ke, axis=-1))
        outs.append(jnp.sum(alpha * g, axis=(1, 2)))
    return jnp.stack(outs, axis=1)

if __name__ == "__main__":
    import jax
    _d = setup_inputs()
    print(jax.jit(kernel)(*tuple(_d.values())))

</pallas_src>

<mosaic_0001>
#map = affine_map<(d0, d1) -> (0, 0)>
#map1 = affine_map<(d0, d1) -> (0)>
module attributes {stable_mosaic.version = 14 : i64} {
  func.func @gather(%arg0: i32, %arg1: i32, %arg2: memref<80000x128xf32, #tpu.memory_space<hbm>>, %arg3: memref<58368xi32, #tpu.memory_space<hbm>>, %arg4: memref<58368x128xf32, #tpu.memory_space<hbm>>, %arg5: memref<96xi32, #tpu.memory_space<vmem>>, %arg6: memref<96xi32, #tpu.memory_space<vmem>>, %arg7: memref<96xi32, #tpu.memory_space<vmem>>, %arg8: memref<96x128xf32, #tpu.memory_space<vmem>>, %arg9: memref<96x128xf32, #tpu.memory_space<vmem>>, %arg10: memref<96x128xf32, #tpu.memory_space<vmem>>, %arg11: memref<!tpu.dma_semaphore, #tpu.memory_space<semaphore_mem>>, %arg12: memref<!tpu.dma_semaphore, #tpu.memory_space<semaphore_mem>>) attributes {dimension_semantics = [#tpu.dimension_semantics<core_parallel>, #tpu.dimension_semantics<subcore_parallel>], iteration_bounds = array<i64: 2, 16>, scalar_prefetch = 0 : i64, scratch_operands = 8 : i64, tpu.core_type = #tpu.core_type<sc_vector_subcore>, window_params = [{transform_indices = #map}, {transform_indices = #map1}, {transform_indices = #map}]} {
    %mul3A = arith.constant 2 : i32
    %mul3A_0 = arith.muli %arg1, %mul3A : i32
    %add3A = arith.addi %mul3A_0, %arg0 : i32
    %mul3A_1 = arith.constant 1824 : i32
    %mul3A_2 = arith.muli %add3A, %mul3A_1 : i32
    %add3A_3 = arith.constant 0 : i32
    %add3A_4 = arith.addi %mul3A_2, %add3A_3 : i32
    "tpu.region"() ({
      %run_scoped3A = tpu.sem_alloc : memref<!tpu.dma_semaphore, #tpu.memory_space<semaphore_mem>>
      %dma_start3A_343 = tpu.memref_slice %arg3[%add3A_4] : memref<58368xi32, #tpu.memory_space<hbm>> -> memref<96xi32, #tpu.memory_space<hbm>>
      %dma_start3A_344 = tpu.memref_slice %arg3[%add3A_4] : memref<58368xi32, #tpu.memory_space<hbm>> -> memref<96xi32, #tpu.memory_space<hbm>>
      tpu.enqueue_dma source(%dma_start3A_344 : memref<96xi32, #tpu.memory_space<hbm>>) target(%arg5 : memref<96xi32, #tpu.memory_space<vmem>>) target_semaphore(%run_scoped3A : memref<!tpu.dma_semaphore, #tpu.memory_space<semaphore_mem>>)
      %dma_wait3A_345 = tpu.memref_slice %arg3[%add3A_4] : memref<58368xi32, #tpu.memory_space<hbm>> -> memref<96xi32, #tpu.memory_space<hbm>>
      %dma_wait3A_346 = tpu.memref_slice %arg3[%add3A_4] : memref<58368xi32, #tpu.memory_space<hbm>> -> memref<96xi32, #tpu.memory_space<hbm>>
      tpu.wait_dma2 semaphore(%run_scoped3A : memref<!tpu.dma_semaphore, #tpu.memory_space<semaphore_mem>>) src(%dma_wait3A_346 : memref<96xi32, #tpu.memory_space<hbm>>) dst(%arg5 : memref<96xi32, #tpu.memory_space<vmem>>)
      tpu.yield
    }) : () -> ()
    %dma_start3A = arith.constant 0 : i32
    %dma_start3A_5 = arith.constant 0 : i32
    %dma_start3A_6 = tpu.memref_slice %arg2[%dma_start3A, %dma_start3A_5] : memref<80000x128xf32, #tpu.memory_space<hbm>> -> memref<80000x128xf32, #tpu.memory_space<hbm>>
    tpu.enqueue_indirect_dma source(%dma_start3A_6 : memref<80000x128xf32, #tpu.memory_space<hbm>>) target(%arg8 : memref<96x128xf32, #tpu.memory_space<vmem>>) offsets(%arg5 : memref<96xi32, #tpu.memory_space<vmem>>) semaphore(%arg11 : memref<!tpu.dma_semaphore, #tpu.memory_space<semaphore_mem>>)
    %add3A_7 = arith.constant 96 : i32
    %add3A_8 = arith.addi %mul3A_2, %add3A_7 : i32
    "tpu.region"() ({
      %run_scoped3A = tpu.sem_alloc : memref<!tpu.dma_semaphore, #tpu.memory_space<semaphore_mem>>
      %dma_start3A_343 = tpu.memref_slice %arg3[%add3A_8] : memref<58368xi32, #tpu.memory_space<hbm>> -> memref<96xi32, #tpu.memory_space<hbm>>
      %dma_start3A_344 = tpu.memref_slice %arg3[%add3A_8] : memref<58368xi32, #tpu.memory_space<hbm>> -> memref<96xi32, #tpu.memory_space<hbm>>
      tpu.enqueue_dma source(%dma_start3A_344 : memref<96xi32, #tpu.memory_space<hbm>>) target(%arg6 : memref<96xi32, #tpu.memory_space<vmem>>) target_semaphore(%run_scoped3A : memref<!tpu.dma_semaphore, #tpu.memory_space<semaphore_mem>>)
      %dma_wait3A_345 = tpu.memref_slice %arg3[%add3A_8] : memref<58368xi32, #tpu.memory_space<hbm>> -> memref<96xi32, #tpu.memory_space<hbm>>
      %dma_wait3A_346 = tpu.memref_slice %arg3[%add3A_8] : memref<58368xi32, #tpu.memory_space<hbm>> -> memref<96xi32, #tpu.memory_space<hbm>>
      tpu.wait_dma2 semaphore(%run_scoped3A : memref<!tpu.dma_semaphore, #tpu.memory_space<semaphore_mem>>) src(%dma_wait3A_346 : memref<96xi32, #tpu.memory_space<hbm>>) dst(%arg6 : memref<96xi32, #tpu.memory_space<vmem>>)
      tpu.yield
    }) : () -> ()
    %dma_start3A_9 = arith.constant 0 : i32
    %dma_start3A_10 = arith.constant 0 : i32
    %dma_start3A_11 = tpu.memref_slice %arg2[%dma_start3A_9, %dma_start3A_10] : memref<80000x128xf32, #tpu.memory_space<hbm>> -> memref<80000x128xf32, #tpu.memory_space<hbm>>
    tpu.enqueue_indirect_dma source(%dma_start3A_11 : memref<80000x128xf32, #tpu.memory_space<hbm>>) target(%arg9 : memref<96x128xf32, #tpu.memory_space<vmem>>) offsets(%arg6 : memref<96xi32, #tpu.memory_space<vmem>>) semaphore(%arg11 : memref<!tpu.dma_semaphore, #tpu.memory_space<semaphore_mem>>)
    %dma_wait3A = arith.constant 0 : i32
    %dma_wait3A_12 = arith.constant 0 : i32
    %dma_wait3A_13 = tpu.memref_slice %arg2[%dma_wait3A, %dma_wait3A_12] : memref<80000x128xf32, #tpu.memory_space<hbm>> -> memref<80000x128xf32, #tpu.memory_space<hbm>>
    tpu.wait_indirect_dma semaphore(%arg11 : memref<!tpu.dma_semaphore, #tpu.memory_space<semaphore_mem>>) src(%dma_wait3A_13 : memref<80000x128xf32, #tpu.memory_space<hbm>>) dst(%arg8 : memref<96x128xf32, #tpu.memory_space<vmem>>)
    %add3A_14 = arith.constant 0 : i32
    %add3A_15 = arith.addi %mul3A_2, %add3A_14 : i32
    %dma_start3A_16 = arith.constant 0 : i32
    %dma_start3A_17 = tpu.memref_slice %arg4[%add3A_15, %dma_start3A_16] : memref<58368x128xf32, #tpu.memory_space<hbm>> -> memref<96x128xf32, #tpu.memory_space<hbm>>
    %dma_start3A_18 = arith.constant 0 : i32
    %dma_start3A_19 = tpu.memref_slice %arg4[%add3A_15, %dma_start3A_18] : memref<58368x128xf32, #tpu.memory_space<hbm>> -> memref<96x128xf32, #tpu.memory_space<hbm>>
    tpu.enqueue_dma source(%arg8 : memref<96x128xf32, #tpu.memory_space<vmem>>) target(%dma_start3A_19 : memref<96x128xf32, #tpu.memory_space<hbm>>) target_semaphore(%arg12 : memref<!tpu.dma_semaphore, #tpu.memory_space<semaphore_mem>>)
    %add3A_20 = arith.constant 192 : i32
    %add3A_21 = arith.addi %mul3A_2, %add3A_20 : i32
    "tpu.region"() ({
      %run_scoped3A = tpu.sem_alloc : memref<!tpu.dma_semaphore, #tpu.memory_space<semaphore_mem>>
      %dma_start3A_343 = tpu.memref_slice %arg3[%add3A_21] : memref<58368xi32, #tpu.memory_space<hbm>> -> memref<96xi32, #tpu.memory_space<hbm>>
      %dma_start3A_344 = tpu.memref_slice %arg3[%add3A_21] : memref<58368xi32, #tpu.memory_space<hbm>> -> memref<96xi32, #tpu.memory_space<hbm>>
      tpu.enqueue_dma source(%dma_start3A_344 : memref<96xi32, #tpu.memory_space<hbm>>) target(%arg7 : memref<96xi32, #tpu.memory_space<vmem>>) target_semaphore(%run_scoped3A : memref<!tpu.dma_semaphore, #tpu.memory_space<semaphore_mem>>)
      %dma_wait3A_345 = tpu.memref_slice %arg3[%add3A_21] : memref<58368xi32, #tpu.memory_space<hbm>> -> memref<96xi32, #tpu.memory_space<hbm>>
      %dma_wait3A_346 = tpu.memref_slice %arg3[%add3A_21] : memref<58368xi32, #tpu.memory_space<hbm>> -> memref<96xi32, #tpu.memory_space<hbm>>
      tpu.wait_dma2 semaphore(%run_scoped3A : memref<!tpu.dma_semaphore, #tpu.memory_space<semaphore_mem>>) src(%dma_wait3A_346 : memref<96xi32, #tpu.memory_space<hbm>>) dst(%arg7 : memref<96xi32, #tpu.memory_space<vmem>>)
      tpu.yield
    }) : () -> ()
    %dma_start3A_22 = arith.constant 0 : i32
    %dma_start3A_23 = arith.constant 0 : i32
    %dma_start3A_24 = tpu.memref_slice %arg2[%dma_start3A_22, %dma_start3A_23] : memref<80000x128xf32, #tpu.memory_space<hbm>> -> memref<80000x128xf32, #tpu.memory_space<hbm>>
    tpu.enqueue_indirect_dma source(%dma_start3A_24 : memref<80000x128xf32, #tpu.memory_space<hbm>>) target(%arg10 : memref<96x128xf32, #tpu.memory_space<vmem>>) offsets(%arg7 : memref<96xi32, #tpu.memory_space<vmem>>) semaphore(%arg11 : memref<!tpu.dma_semaphore, #tpu.memory_space<semaphore_mem>>)
    %dma_wait3A_25 = arith.constant 0 : i32
    %dma_wait3A_26 = arith.constant 0 : i32
    %dma_wait3A_27 = tpu.memref_slice %arg2[%dma_wait3A_25, %dma_wait3A_26] : memref<80000x128xf32, #tpu.memory_space<hbm>> -> memref<80000x128xf32, #tpu.memory_space<hbm>>
    tpu.wait_indirect_dma semaphore(%arg11 : memref<!tpu.dma_semaphore, #tpu.memory_space<semaphore_mem>>) src(%dma_wait3A_27 : memref<80000x128xf32, #tpu.memory_space<hbm>>) dst(%arg9 : memref<96x128xf32, #tpu.memory_space<vmem>>)
    %add3A_28 = arith.constant 96 : i32
    %add3A_29 = arith.addi %mul3A_2, %add3A_28 : i32
    %dma_start3A_30 = arith.constant 0 : i32
    %dma_start3A_31 = tpu.memref_slice %arg4[%add3A_29, %dma_start3A_30] : memref<58368x128xf32, #tpu.memory_space<hbm>> -> memref<96x128xf32, #tpu.memory_space<hbm>>
    %dma_start3A_32 = arith.constant 0 : i32
    %dma_start3A_33 = tpu.memref_slice %arg4[%add3A_29, %dma_start3A_32] : memref<58368x128xf32, #tpu.memory_space<hbm>> -> memref<96x128xf32, #tpu.memory_space<hbm>>
    tpu.enqueue_dma source(%arg9 : memref<96x128xf32, #tpu.memory_space<vmem>>) target(%dma_start3A_33 : memref<96x128xf32, #tpu.memory_space<hbm>>) target_semaphore(%arg12 : memref<!tpu.dma_semaphore, #tpu.memory_space<semaphore_mem>>)
    %dma_wait3A_34 = arith.constant 0 : i32
    %dma_wait3A_35 = tpu.memref_slice %arg4[%add3A_15, %dma_wait3A_34] : memref<58368x128xf32, #tpu.memory_space<hbm>> -> memref<96x128xf32, #tpu.memory_space<hbm>>
    %dma_wait3A_36 = arith.constant 0 : i32
    %dma_wait3A_37 = tpu.memref_slice %arg4[%add3A_15, %dma_wait3A_36] : memref<58368x128xf32, #tpu.memory_space<hbm>> -> memref<96x128xf32, #tpu.memory_space<hbm>>
    tpu.wait_dma2 semaphore(%arg12 : memref<!tpu.dma_semaphore, #tpu.memory_space<semaphore_mem>>) src(%arg8 : memref<96x128xf32, #tpu.memory_space<vmem>>) dst(%dma_wait3A_37 : memref<96x128xf32, #tpu.memory_space<hbm>>)
    %add3A_38 = arith.constant 288 : i32
    %add3A_39 = arith.addi %mul3A_2, %add3A_38 : i32
    "tpu.region"() ({
      %run_scoped3A = tpu.sem_alloc : memref<!tpu.dma_semaphore, #tpu.memory_space<semaphore_mem>>
      %dma_start3A_343 = tpu.memref_slice %arg3[%add3A_39] : memref<58368xi32, #tpu.memory_space<hbm>> -> memref<96xi32, #tpu.memory_space<hbm>>
      %dma_start3A_344 = tpu.memref_slice %arg3[%add3A_39] : memref<58368xi32, #tpu.memory_space<hbm>> -> memref<96xi32, #tpu.memory_space<hbm>>
      tpu.enqueue_dma source(%dma_start3A_344 : memref<96xi32, #tpu.memory_space<hbm>>) target(%arg5 : memref<96xi32, #tpu.memory_space<vmem>>) target_semaphore(%run_scoped3A : memref<!tpu.dma_semaphore, #tpu.memory_space<semaphore_mem>>)
      %dma_wait3A_345 = tpu.memref_slice %arg3[%add3A_39] : memref<58368xi32, #tpu.memory_space<hbm>> -> memref<96xi32, #tpu.memory_space<hbm>>
      %dma_wait3A_346 = tpu.memref_slice %arg3[%add3A_39] : memref<58368xi32, #tpu.memory_space<hbm>> -> memref<96xi32, #tpu.memory_space<hbm>>
      tpu.wait_dma2 semaphore(%run_scoped3A : memref<!tpu.dma_semaphore, #tpu.memory_space<semaphore_mem>>) src(%dma_wait3A_346 : memref<96xi32, #tpu.memory_space<hbm>>) dst(%arg5 : memref<96xi32, #tpu.memory_space<vmem>>)
      tpu.yield
    }) : () -> ()
    %dma_start3A_40 = arith.constant 0 : i32
    %dma_start3A_41 = arith.constant 0 : i32
    %dma_start3A_42 = tpu.memref_slice %arg2[%dma_start3A_40, %dma_start3A_41] : memref<80000x128xf32, #tpu.memory_space<hbm>> -> memref<80000x128xf32, #tpu.memory_space<hbm>>
    tpu.enqueue_indirect_dma source(%dma_start3A_42 : memref<80000x128xf32, #tpu.memory_space<hbm>>) target(%arg8 : memref<96x128xf32, #tpu.memory_space<vmem>>) offsets(%arg5 : memref<96xi32, #tpu.memory_space<vmem>>) semaphore(%arg11 : memref<!tpu.dma_semaphore, #tpu.memory_space<semaphore_mem>>)
    %dma_wait3A_43 = arith.constant 0 : i32
    %dma_wait3A_44 = arith.constant 0 : i32
    %dma_wait3A_45 = tpu.memref_slice %arg2[%dma_wait3A_43, %dma_wait3A_44] : memref<80000x128xf32, #tpu.memory_space<hbm>> -> memref<80000x128xf32, #tpu.memory_space<hbm>>
    tpu.wait_indirect_dma semaphore(%arg11 : memref<!tpu.dma_semaphore, #tpu.memory_space<semaphore_mem>>) src(%dma_wait3A_45 : memref<80000x128xf32, #tpu.memory_space<hbm>>) dst(%arg10 : memref<96x128xf32, #tpu.memory_space<vmem>>)
    %add3A_46 = arith.constant 192 : i32
    %add3A_47 = arith.addi %mul3A_2, %add3A_46 : i32
    %dma_start3A_48 = arith.constant 0 : i32
    %dma_start3A_49 = tpu.memref_slice %arg4[%add3A_47, %dma_start3A_48] : memref<58368x128xf32, #tpu.memory_space<hbm>> -> memref<96x128xf32, #tpu.memory_space<hbm>>
    %dma_start3A_50 = arith.constant 0 : i32
    %dma_start3A_51 = tpu.memref_slice %arg4[%add3A_47, %dma_start3A_50] : memref<58368x128xf32, #tpu.memory_space<hbm>> -> memref<96x128xf32, #tpu.memory_space<hbm>>
    tpu.enqueue_dma source(%arg10 : memref<96x128xf32, #tpu.memory_space<vmem>>) target(%dma_start3A_51 : memref<96x128xf32, #tpu.memory_space<hbm>>) target_semaphore(%arg12 : memref<!tpu.dma_semaphore, #tpu.memory_space<semaphore_mem>>)
    %dma_wait3A_52 = arith.constant 0 : i32
    %dma_wait3A_53 = tpu.memref_slice %arg4[%add3A_29, %dma_wait3A_52] : memref<58368x128xf32, #tpu.memory_space<hbm>> -> memref<96x128xf32, #tpu.memory_space<hbm>>
    %dma_wait3A_54 = arith.constant 0 : i32
    %dma_wait3A_55 = tpu.memref_slice %arg4[%add3A_29, %dma_wait3A_54] : memref<58368x128xf32, #tpu.memory_space<hbm>> -> memref<96x128xf32, #tpu.memory_space<hbm>>
    tpu.wait_dma2 semaphore(%arg12 : memref<!tpu.dma_semaphore, #tpu.memory_space<semaphore_mem>>) src(%arg9 : memref<96x128xf32, #tpu.memory_space<vmem>>) dst(%dma_wait3A_55 : memref<96x128xf32, #tpu.memory_space<hbm>>)
    %add3A_56 = arith.constant 384 : i32
    %add3A_57 = arith.addi %mul3A_2, %add3A_56 : i32
    "tpu.region"() ({
      %run_scoped3A = tpu.sem_alloc : memref<!tpu.dma_semaphore, #tpu.memory_space<semaphore_mem>>
      %dma_start3A_343 = tpu.memref_slice %arg3[%add3A_57] : memref<58368xi32, #tpu.memory_space<hbm>> -> memref<96xi32, #tpu.memory_space<hbm>>
      %dma_start3A_344 = tpu.memref_slice %arg3[%add3A_57] : memref<58368xi32, #tpu.memory_space<hbm>> -> memref<96xi32, #tpu.memory_space<hbm>>
      tpu.enqueue_dma source(%dma_start3A_344 : memref<96xi32, #tpu.memory_space<hbm>>) target(%arg6 : memref<96xi32, #tpu.memory_space<vmem>>) target_semaphore(%run_scoped3A : memref<!tpu.dma_semaphore, #tpu.memory_space<semaphore_mem>>)
      %dma_wait3A_345 = tpu.memref_slice %arg3[%add3A_57] : memref<58368xi32, #tpu.memory_space<hbm>> -> memref<96xi32, #tpu.memory_space<hbm>>
      %dma_wait3A_346 = tpu.memref_slice %arg3[%add3A_57] : memref<58368xi32, #tpu.memory_space<hbm>> -> memref<96xi32, #tpu.memory_space<hbm>>
      tpu.wait_dma2 semaphore(%run_scoped3A : memref<!tpu.dma_semaphore, #tpu.memory_space<semaphore_mem>>) src(%dma_wait3A_346 : memref<96xi32, #tpu.memory_space<hbm>>) dst(%arg6 : memref<96xi32, #tpu.memory_space<vmem>>)
      tpu.yield
    }) : () -> ()
    %dma_start3A_58 = arith.constant 0 : i32
    %dma_start3A_59 = arith.constant 0 : i32
    %dma_start3A_60 = tpu.memref_slice %arg2[%dma_start3A_58, %dma_start3A_59] : memref<80000x128xf32, #tpu.memory_space<hbm>> -> memref<80000x128xf32, #tpu.memory_space<hbm>>
    tpu.enqueue_indirect_dma source(%dma_start3A_60 : memref<80000x128xf32, #tpu.memory_space<hbm>>) target(%arg9 : memref<96x128xf32, #tpu.memory_space<vmem>>) offsets(%arg6 : memref<96xi32, #tpu.memory_space<vmem>>) semaphore(%arg11 : memref<!tpu.dma_semaphore, #tpu.memory_space<semaphore_mem>>)
    %dma_wait3A_61 = arith.constant 0 : i32
    %dma_wait3A_62 = arith.constant 0 : i32
    %dma_wait3A_63 = tpu.memref_slice %arg2[%dma_wait3A_61, %dma_wait3A_62] : memref<80000x128xf32, #tpu.memory_space<hbm>> -> memref<80000x128xf32, #tpu.memory_space<hbm>>
    tpu.wait_indirect_dma semaphore(%arg11 : memref<!tpu.dma_semaphore, #tpu.memory_space<semaphore_mem>>) src(%dma_wait3A_63 : memref<80000x128xf32, #tpu.memory_space<hbm>>) dst(%arg8 : memref<96x128xf32, #tpu.memory_space<vmem>>)
    %add3A_64 = arith.constant 288 : i32
    %add3A_65 = arith.addi %mul3A_2, %add3A_64 : i32
    %dma_start3A_66 = arith.constant 0 : i32
    %dma_start3A_67 = tpu.memref_slice %arg4[%add3A_65, %dma_start3A_66] : memref<58368x128xf32, #tpu.memory_space<hbm>> -> memref<96x128xf32, #tpu.memory_space<hbm>>
    %dma_start3A_68 = arith.constant 0 : i32
    %dma_start3A_69 = tpu.memref_slice %arg4[%add3A_65, %dma_start3A_68] : memref<58368x128xf32, #tpu.memory_space<hbm>> -> memref<96x128xf32, #tpu.memory_space<hbm>>
    tpu.enqueue_dma source(%arg8 : memref<96x128xf32, #tpu.memory_space<vmem>>) target(%dma_start3A_69 : memref<96x128xf32, #tpu.memory_space<hbm>>) target_semaphore(%arg12 : memref<!tpu.dma_semaphore, #tpu.memory_space<semaphore_mem>>)
    %dma_wait3A_70 = arith.constant 0 : i32
    %dma_wait3A_71 = tpu.memref_slice %arg4[%add3A_47, %dma_wait3A_70] : memref<58368x128xf32, #tpu.memory_space<hbm>> -> memref<96x128xf32, #tpu.memory_space<hbm>>
    %dma_wait3A_72 = arith.constant 0 : i32
    %dma_wait3A_73 = tpu.memref_slice %arg4[%add3A_47, %dma_wait3A_72] : memref<58368x128xf32, #tpu.memory_space<hbm>> -> memref<96x128xf32, #tpu.memory_space<hbm>>
    tpu.wait_dma2 semaphore(%arg12 : memref<!tpu.dma_semaphore, #tpu.memory_space<semaphore_mem>>) src(%arg10 : memref<96x128xf32, #tpu.memory_space<vmem>>) dst(%dma_wait3A_73 : memref<96x128xf32, #tpu.memory_space<hbm>>)
    %add3A_74 = arith.constant 480 : i32
    %add3A_75 = arith.addi %mul3A_2, %add3A_74 : i32
    "tpu.region"() ({
      %run_scoped3A = tpu.sem_alloc : memref<!tpu.dma_semaphore, #tpu.memory_space<semaphore_mem>>
      %dma_start3A_343 = tpu.memref_slice %arg3[%add3A_75] : memref<58368xi32, #tpu.memory_space<hbm>> -> memref<96xi32, #tpu.memory_space<hbm>>
      %dma_start3A_344 = tpu.memref_slice %arg3[%add3A_75] : memref<58368xi32, #tpu.memory_space<hbm>> -> memref<96xi32, #tpu.memory_space<hbm>>
      tpu.enqueue_dma source(%dma_start3A_344 : memref<96xi32, #tpu.memory_space<hbm>>) target(%arg7 : memref<96xi32, #tpu.memory_space<vmem>>) target_semaphore(%run_scoped3A : memref<!tpu.dma_semaphore, #tpu.memory_space<semaphore_mem>>)
      %dma_wait3A_345 = tpu.memref_slice %arg3[%add3A_75] : memref<58368xi32, #tpu.memory_space<hbm>> -> memref<96xi32, #tpu.memory_space<hbm>>
      %dma_wait3A_346 = tpu.memref_slice %arg3[%add3A_75] : memref<58368xi32, #tpu.memory_space<hbm>> -> memref<96xi32, #tpu.memory_space<hbm>>
      tpu.wait_dma2 semaphore(%run_scoped3A : memref<!tpu.dma_semaphore, #tpu.memory_space<semaphore_mem>>) src(%dma_wait3A_346 : memref<96xi32, #tpu.memory_space<hbm>>) dst(%arg7 : memref<96xi32, #tpu.memory_space<vmem>>)
      tpu.yield
    }) : () -> ()
    %dma_start3A_76 = arith.constant 0 : i32
    %dma_start3A_77 = arith.constant 0 : i32
    %dma_start3A_78 = tpu.memref_slice %arg2[%dma_start3A_76, %dma_start3A_77] : memref<80000x128xf32, #tpu.memory_space<hbm>> -> memref<80000x128xf32, #tpu.memory_space<hbm>>
    tpu.enqueue_indirect_dma source(%dma_start3A_78 : memref<80000x128xf32, #tpu.memory_space<hbm>>) target(%arg10 : memref<96x128xf32, #tpu.memory_space<vmem>>) offsets(%arg7 : memref<96xi32, #tpu.memory_space<vmem>>) semaphore(%arg11 : memref<!tpu.dma_semaphore, #tpu.memory_space<semaphore_mem>>)
    %dma_wait3A_79 = arith.constant 0 : i32
    %dma_wait3A_80 = arith.constant 0 : i32
    %dma_wait3A_81 = tpu.memref_slice %arg2[%dma_wait3A_79, %dma_wait3A_80] : memref<80000x128xf32, #tpu.memory_space<hbm>> -> memref<80000x128xf32, #tpu.memory_space<hbm>>
    tpu.wait_indirect_dma semaphore(%arg11 : memref<!tpu.dma_semaphore, #tpu.memory_space<semaphore_mem>>) src(%dma_wait3A_81 : memref<80000x128xf32, #tpu.memory_space<hbm>>) dst(%arg9 : memref<96x128xf32, #tpu.memory_space<vmem>>)
    %add3A_82 = arith.constant 384 : i32
    %add3A_83 = arith.addi %mul3A_2, %add3A_82 : i32
    %dma_start3A_84 = arith.constant 0 : i32
    %dma_start3A_85 = tpu.memref_slice %arg4[%add3A_83, %dma_start3A_84] : memref<58368x128xf32, #tpu.memory_space<hbm>> -> memref<96x128xf32, #tpu.memory_space<hbm>>
    %dma_start3A_86 = arith.constant 0 : i32
    %dma_start3A_87 = tpu.memref_slice %arg4[%add3A_83, %dma_start3A_86] : memref<58368x128xf32, #tpu.memory_space<hbm>> -> memref<96x128xf32, #tpu.memory_space<hbm>>
    tpu.enqueue_dma source(%arg9 : memref<96x128xf32, #tpu.memory_space<vmem>>) target(%dma_start3A_87 : memref<96x128xf32, #tpu.memory_space<hbm>>) target_semaphore(%arg12 : memref<!tpu.dma_semaphore, #tpu.memory_space<semaphore_mem>>)
    %dma_wait3A_88 = arith.constant 0 : i32
    %dma_wait3A_89 = tpu.memref_slice %arg4[%add3A_65, %dma_wait3A_88] : memref<58368x128xf32, #tpu.memory_space<hbm>> -> memref<96x128xf32, #tpu.memory_space<hbm>>
    %dma_wait3A_90 = arith.constant 0 : i32
    %dma_wait3A_91 = tpu.memref_slice %arg4[%add3A_65, %dma_wait3A_90] : memref<58368x128xf32, #tpu.memory_space<hbm>> -> memref<96x128xf32, #tpu.memory_space<hbm>>
    tpu.wait_dma2 semaphore(%arg12 : memref<!tpu.dma_semaphore, #tpu.memory_space<semaphore_mem>>) src(%arg8 : memref<96x128xf32, #tpu.memory_space<vmem>>) dst(%dma_wait3A_91 : memref<96x128xf32, #tpu.memory_space<hbm>>)
    %add3A_92 = arith.constant 576 : i32
    %add3A_93 = arith.addi %mul3A_2, %add3A_92 : i32
    "tpu.region"() ({
      %run_scoped3A = tpu.sem_alloc : memref<!tpu.dma_semaphore, #tpu.memory_space<semaphore_mem>>
      %dma_start3A_343 = tpu.memref_slice %arg3[%add3A_93] : memref<58368xi32, #tpu.memory_space<hbm>> -> memref<96xi32, #tpu.memory_space<hbm>>
      %dma_start3A_344 = tpu.memref_slice %arg3[%add3A_93] : memref<58368xi32, #tpu.memory_space<hbm>> -> memref<96xi32, #tpu.memory_space<hbm>>
      tpu.enqueue_dma source(%dma_start3A_344 : memref<96xi32, #tpu.memory_space<hbm>>) target(%arg5 : memref<96xi32, #tpu.memory_space<vmem>>) target_semaphore(%run_scoped3A : memref<!tpu.dma_semaphore, #tpu.memory_space<semaphore_mem>>)
      %dma_wait3A_345 = tpu.memref_slice %arg3[%add3A_93] : memref<58368xi32, #tpu.memory_space<hbm>> -> memref<96xi32, #tpu.memory_space<hbm>>
      %dma_wait3A_346 = tpu.memref_slice %arg3[%add3A_93] : memref<58368xi32, #tpu.memory_space<hbm>> -> memref<96xi32, #tpu.memory_space<hbm>>
      tpu.wait_dma2 semaphore(%run_scoped3A : memref<!tpu.dma_semaphore, #tpu.memory_space<semaphore_mem>>) src(%dma_wait3A_346 : memref<96xi32, #tpu.memory_space<hbm>>) dst(%arg5 : memref<96xi32, #tpu.memory_space<vmem>>)
      tpu.yield
    }) : () -> ()
    %dma_start3A_94 = arith.constant 0 : i32
    %dma_start3A_95 = arith.constant 0 : i32
    %dma_start3A_96 = tpu.memref_slice %arg2[%dma_start3A_94, %dma_start3A_95] : memref<80000x128xf32, #tpu.memory_space<hbm>> -> memref<80000x128xf32, #tpu.memory_space<hbm>>
    tpu.enqueue_indirect_dma source(%dma_start3A_96 : memref<80000x128xf32, #tpu.memory_space<hbm>>) target(%arg8 : memref<96x128xf32, #tpu.memory_space<vmem>>) offsets(%arg5 : memref<96xi32, #tpu.memory_space<vmem>>) semaphore(%arg11 : memref<!tpu.dma_semaphore, #tpu.memory_space<semaphore_mem>>)
    %dma_wait3A_97 = arith.constant 0 : i32
    %dma_wait3A_98 = arith.constant 0 : i32
    %dma_wait3A_99 = tpu.memref_slice %arg2[%dma_wait3A_97, %dma_wait3A_98] : memref<80000x128xf32, #tpu.memory_space<hbm>> -> memref<80000x128xf32, #tpu.memory_space<hbm>>
    tpu.wait_indirect_dma semaphore(%arg11 : memref<!tpu.dma_semaphore, #tpu.memory_space<semaphore_mem>>) src(%dma_wait3A_99 : memref<80000x128xf32, #tpu.memory_space<hbm>>) dst(%arg10 : memref<96x128xf32, #tpu.memory_space<vmem>>)
    %add3A_100 = arith.constant 480 : i32
    %add3A_101 = arith.addi %mul3A_2, %add3A_100 : i32
    %dma_start3A_102 = arith.constant 0 : i32
    %dma_start3A_103 = tpu.memref_slice %arg4[%add3A_101, %dma_start3A_102] : memref<58368x128xf32, #tpu.memory_space<hbm>> -> memref<96x128xf32, #tpu.memory_space<hbm>>
    %dma_start3A_104 = arith.constant 0 : i32
    %dma_start3A_105 = tpu.memref_slice %arg4[%add3A_101, %dma_start3A_104] : memref<58368x128xf32, #tpu.memory_space<hbm>> -> memref<96x128xf32, #tpu.memory_space<hbm>>
    tpu.enqueue_dma source(%arg10 : memref<96x128xf32, #tpu.memory_space<vmem>>) target(%dma_start3A_105 : memref<96x128xf32, #tpu.memory_space<hbm>>) target_semaphore(%arg12 : memref<!tpu.dma_semaphore, #tpu.memory_space<semaphore_mem>>)
    %dma_wait3A_106 = arith.constant 0 : i32
    %dma_wait3A_107 = tpu.memref_slice %arg4[%add3A_83, %dma_wait3A_106] : memref<58368x128xf32, #tpu.memory_space<hbm>> -> memref<96x128xf32, #tpu.memory_space<hbm>>
    %dma_wait3A_108 = arith.constant 0 : i32
    %dma_wait3A_109 = tpu.memref_slice %arg4[%add3A_83, %dma_wait3A_108] : memref<58368x128xf32, #tpu.memory_space<hbm>> -> memref<96x128xf32, #tpu.memory_space<hbm>>
    tpu.wait_dma2 semaphore(%arg12 : memref<!tpu.dma_semaphore, #tpu.memory_space<semaphore_mem>>) src(%arg9 : memref<96x128xf32, #tpu.memory_space<vmem>>) dst(%dma_wait3A_109 : memref<96x128xf32, #tpu.memory_space<hbm>>)
    %add3A_110 = arith.constant 672 : i32
    %add3A_111 = arith.addi %mul3A_2, %add3A_110 : i32
    "tpu.region"() ({
      %run_scoped3A = tpu.sem_alloc : memref<!tpu.dma_semaphore, #tpu.memory_space<semaphore_mem>>
      %dma_start3A_343 = tpu.memref_slice %arg3[%add3A_111] : memref<58368xi32, #tpu.memory_space<hbm>> -> memref<96xi32, #tpu.memory_space<hbm>>
      %dma_start3A_344 = tpu.memref_slice %arg3[%add3A_111] : memref<58368xi32, #tpu.memory_space<hbm>> -> memref<96xi32, #tpu.memory_space<hbm>>
      tpu.enqueue_dma source(%dma_start3A_344 : memref<96xi32, #tpu.memory_space<hbm>>) target(%arg6 : memref<96xi32, #tpu.memory_space<vmem>>) target_semaphore(%run_scoped3A : memref<!tpu.dma_semaphore, #tpu.memory_space<semaphore_mem>>)
      %dma_wait3A_345 = tpu.memref_slice %arg3[%add3A_111] : memref<58368xi32, #tpu.memory_space<hbm>> -> memref<96xi32, #tpu.memory_space<hbm>>
      %dma_wait3A_346 = tpu.memref_slice %arg3[%add3A_111] : memref<58368xi32, #tpu.memory_space<hbm>> -> memref<96xi32, #tpu.memory_space<hbm>>
      tpu.wait_dma2 semaphore(%run_scoped3A : memref<!tpu.dma_semaphore, #tpu.memory_space<semaphore_mem>>) src(%dma_wait3A_346 : memref<96xi32, #tpu.memory_space<hbm>>) dst(%arg6 : memref<96xi32, #tpu.memory_space<vmem>>)
      tpu.yield
    }) : () -> ()
    %dma_start3A_112 = arith.constant 0 : i32
    %dma_start3A_113 = arith.constant 0 : i32
    %dma_start3A_114 = tpu.memref_slice %arg2[%dma_start3A_112, %dma_start3A_113] : memref<80000x128xf32, #tpu.memory_space<hbm>> -> memref<80000x128xf32, #tpu.memory_space<hbm>>
    tpu.enqueue_indirect_dma source(%dma_start3A_114 : memref<80000x128xf32, #tpu.memory_space<hbm>>) target(%arg9 : memref<96x128xf32, #tpu.memory_space<vmem>>) offsets(%arg6 : memref<96xi32, #tpu.memory_space<vmem>>) semaphore(%arg11 : memref<!tpu.dma_semaphore, #tpu.memory_space<semaphore_mem>>)
    %dma_wait3A_115 = arith.constant 0 : i32
    %dma_wait3A_116 = arith.constant 0 : i32
    %dma_wait3A_117 = tpu.memref_slice %arg2[%dma_wait3A_115, %dma_wait3A_116] : memref<80000x128xf32, #tpu.memory_space<hbm>> -> memref<80000x128xf32, #tpu.memory_space<hbm>>
    tpu.wait_indirect_dma semaphore(%arg11 : memref<!tpu.dma_semaphore, #tpu.memory_space<semaphore_mem>>) src(%dma_wait3A_117 : memref<80000x128xf32, #tpu.memory_space<hbm>>) dst(%arg8 : memref<96x128xf32, #tpu.memory_space<vmem>>)
    %add3A_118 = arith.constant 576 : i32
    %add3A_119 = arith.addi %mul3A_2, %add3A_118 : i32
    %dma_start3A_120 = arith.constant 0 : i32
    %dma_start3A_121 = tpu.memref_slice %arg4[%add3A_119, %dma_start3A_120] : memref<58368x128xf32, #tpu.memory_space<hbm>> -> memref<96x128xf32, #tpu.memory_space<hbm>>
    %dma_start3A_122 = arith.constant 0 : i32
    %dma_start3A_123 = tpu.memref_slice %arg4[%add3A_119, %dma_start3A_122] : memref<58368x128xf32, #tpu.memory_space<hbm>> -> memref<96x128xf32, #tpu.memory_space<hbm>>
    tpu.enqueue_dma source(%arg8 : memref<96x128xf32, #tpu.memory_space<vmem>>) target(%dma_start3A_123 : memref<96x128xf32, #tpu.memory_space<hbm>>) target_semaphore(%arg12 : memref<!tpu.dma_semaphore, #tpu.memory_space<semaphore_mem>>)
    %dma_wait3A_124 = arith.constant 0 : i32
    %dma_wait3A_125 = tpu.memref_slice %arg4[%add3A_101, %dma_wait3A_124] : memref<58368x128xf32, #tpu.memory_space<hbm>> -> memref<96x128xf32, #tpu.memory_space<hbm>>
    %dma_wait3A_126 = arith.constant 0 : i32
    %dma_wait3A_127 = tpu.memref_slice %arg4[%add3A_101, %dma_wait3A_126] : memref<58368x128xf32, #tpu.memory_space<hbm>> -> memref<96x128xf32, #tpu.memory_space<hbm>>
    tpu.wait_dma2 semaphore(%arg12 : memref<!tpu.dma_semaphore, #tpu.memory_space<semaphore_mem>>) src(%arg10 : memref<96x128xf32, #tpu.memory_space<vmem>>) dst(%dma_wait3A_127 : memref<96x128xf32, #tpu.memory_space<hbm>>)
    %add3A_128 = arith.constant 768 : i32
    %add3A_129 = arith.addi %mul3A_2, %add3A_128 : i32
    "tpu.region"() ({
      %run_scoped3A = tpu.sem_alloc : memref<!tpu.dma_semaphore, #tpu.memory_space<semaphore_mem>>
      %dma_start3A_343 = tpu.memref_slice %arg3[%add3A_129] : memref<58368xi32, #tpu.memory_space<hbm>> -> memref<96xi32, #tpu.memory_space<hbm>>
      %dma_start3A_344 = tpu.memref_slice %arg3[%add3A_129] : memref<58368xi32, #tpu.memory_space<hbm>> -> memref<96xi32, #tpu.memory_space<hbm>>
      tpu.enqueue_dma source(%dma_start3A_344 : memref<96xi32, #tpu.memory_space<hbm>>) target(%arg7 : memref<96xi32, #tpu.memory_space<vmem>>) target_semaphore(%run_scoped3A : memref<!tpu.dma_semaphore, #tpu.memory_space<semaphore_mem>>)
      %dma_wait3A_345 = tpu.memref_slice %arg3[%add3A_129] : memref<58368xi32, #tpu.memory_space<hbm>> -> memref<96xi32, #tpu.memory_space<hbm>>
      %dma_wait3A_346 = tpu.memref_slice %arg3[%add3A_129] : memref<58368xi32, #tpu.memory_space<hbm>> -> memref<96xi32, #tpu.memory_space<hbm>>
      tpu.wait_dma2 semaphore(%run_scoped3A : memref<!tpu.dma_semaphore, #tpu.memory_space<semaphore_mem>>) src(%dma_wait3A_346 : memref<96xi32, #tpu.memory_space<hbm>>) dst(%arg7 : memref<96xi32, #tpu.memory_space<vmem>>)
      tpu.yield
    }) : () -> ()
    %dma_start3A_130 = arith.constant 0 : i32
    %dma_start3A_131 = arith.constant 0 : i32
    %dma_start3A_132 = tpu.memref_slice %arg2[%dma_start3A_130, %dma_start3A_131] : memref<80000x128xf32, #tpu.memory_space<hbm>> -> memref<80000x128xf32, #tpu.memory_space<hbm>>
    tpu.enqueue_indirect_dma source(%dma_start3A_132 : memref<80000x128xf32, #tpu.memory_space<hbm>>) target(%arg10 : memref<96x128xf32, #tpu.memory_space<vmem>>) offsets(%arg7 : memref<96xi32, #tpu.memory_space<vmem>>) semaphore(%arg11 : memref<!tpu.dma_semaphore, #tpu.memory_space<semaphore_mem>>)
    %dma_wait3A_133 = arith.constant 0 : i32
    %dma_wait3A_134 = arith.constant 0 : i32
    %dma_wait3A_135 = tpu.memref_slice %arg2[%dma_wait3A_133, %dma_wait3A_134] : memref<80000x128xf32, #tpu.memory_space<hbm>> -> memref<80000x128xf32, #tpu.memory_space<hbm>>
    tpu.wait_indirect_dma semaphore(%arg11 : memref<!tpu.dma_semaphore, #tpu.memory_space<semaphore_mem>>) src(%dma_wait3A_135 : memref<80000x128xf32, #tpu.memory_space<hbm>>) dst(%arg9 : memref<96x128xf32, #tpu.memory_space<vmem>>)
    %add3A_136 = arith.constant 672 : i32
    %add3A_137 = arith.addi %mul3A_2, %add3A_136 : i32
    %dma_start3A_138 = arith.constant 0 : i32
    %dma_start3A_139 = tpu.memref_slice %arg4[%add3A_137, %dma_start3A_138] : memref<58368x128xf32, #tpu.memory_space<hbm>> -> memref<96x128xf32, #tpu.memory_space<hbm>>
    %dma_start3A_140 = arith.constant 0 : i32
    %dma_start3A_141 = tpu.memref_slice %arg4[%add3A_137, %dma_start3A_140] : memref<58368x128xf32, #tpu.memory_space<hbm>> -> memref<96x128xf32, #tpu.memory_space<hbm>>
    tpu.enqueue_dma source(%arg9 : memref<96x128xf32, #tpu.memory_space<vmem>>) target(%dma_start3A_141 : memref<96x128xf32, #tpu.memory_space<hbm>>) target_semaphore(%arg12 : memref<!tpu.dma_semaphore, #tpu.memory_space<semaphore_mem>>)
    %dma_wait3A_142 = arith.constant 0 : i32
    %dma_wait3A_143 = tpu.memref_slice %arg4[%add3A_119, %dma_wait3A_142] : memref<58368x128xf32, #tpu.memory_space<hbm>> -> memref<96x128xf32, #tpu.memory_space<hbm>>
    %dma_wait3A_144 = arith.constant 0 : i32
    %dma_wait3A_145 = tpu.memref_slice %arg4[%add3A_119, %dma_wait3A_144] : memref<58368x128xf32, #tpu.memory_space<hbm>> -> memref<96x128xf32, #tpu.memory_space<hbm>>
    tpu.wait_dma2 semaphore(%arg12 : memref<!tpu.dma_semaphore, #tpu.memory_space<semaphore_mem>>) src(%arg8 : memref<96x128xf32, #tpu.memory_space<vmem>>) dst(%dma_wait3A_145 : memref<96x128xf32, #tpu.memory_space<hbm>>)
    %add3A_146 = arith.constant 864 : i32
    %add3A_147 = arith.addi %mul3A_2, %add3A_146 : i32
    "tpu.region"() ({
      %run_scoped3A = tpu.sem_alloc : memref<!tpu.dma_semaphore, #tpu.memory_space<semaphore_mem>>
      %dma_start3A_343 = tpu.memref_slice %arg3[%add3A_147] : memref<58368xi32, #tpu.memory_space<hbm>> -> memref<96xi32, #tpu.memory_space<hbm>>
      %dma_start3A_344 = tpu.memref_slice %arg3[%add3A_147] : memref<58368xi32, #tpu.memory_space<hbm>> -> memref<96xi32, #tpu.memory_space<hbm>>
      tpu.enqueue_dma source(%dma_start3A_344 : memref<96xi32, #tpu.memory_space<hbm>>) target(%arg5 : memref<96xi32, #tpu.memory_space<vmem>>) target_semaphore(%run_scoped3A : memref<!tpu.dma_semaphore, #tpu.memory_space<semaphore_mem>>)
      %dma_wait3A_345 = tpu.memref_slice %arg3[%add3A_147] : memref<58368xi32, #tpu.memory_space<hbm>> -> memref<96xi32, #tpu.memory_space<hbm>>
      %dma_wait3A_346 = tpu.memref_slice %arg3[%add3A_147] : memref<58368xi32, #tpu.memory_space<hbm>> -> memref<96xi32, #tpu.memory_space<hbm>>
      tpu.wait_dma2 semaphore(%run_scoped3A : memref<!tpu.dma_semaphore, #tpu.memory_space<semaphore_mem>>) src(%dma_wait3A_346 : memref<96xi32, #tpu.memory_space<hbm>>) dst(%arg5 : memref<96xi32, #tpu.memory_space<vmem>>)
      tpu.yield
    }) : () -> ()
    %dma_start3A_148 = arith.constant 0 : i32
    %dma_start3A_149 = arith.constant 0 : i32
    %dma_start3A_150 = tpu.memref_slice %arg2[%dma_start3A_148, %dma_start3A_149] : memref<80000x128xf32, #tpu.memory_space<hbm>> -> memref<80000x128xf32, #tpu.memory_space<hbm>>
    tpu.enqueue_indirect_dma source(%dma_start3A_150 : memref<80000x128xf32, #tpu.memory_space<hbm>>) target(%arg8 : memref<96x128xf32, #tpu.memory_space<vmem>>) offsets(%arg5 : memref<96xi32, #tpu.memory_space<vmem>>) semaphore(%arg11 : memref<!tpu.dma_semaphore, #tpu.memory_space<semaphore_mem>>)
    %dma_wait3A_151 = arith.constant 0 : i32
    %dma_wait3A_152 = arith.constant 0 : i32
    %dma_wait3A_153 = tpu.memref_slice %arg2[%dma_wait3A_151, %dma_wait3A_152] : memref<80000x128xf32, #tpu.memory_space<hbm>> -> memref<80000x128xf32, #tpu.memory_space<hbm>>
    tpu.wait_indirect_dma semaphore(%arg11 : memref<!tpu.dma_semaphore, #tpu.memory_space<semaphore_mem>>) src(%dma_wait3A_153 : memref<80000x128xf32, #tpu.memory_space<hbm>>) dst(%arg10 : memref<96x128xf32, #tpu.memory_space<vmem>>)
    %add3A_154 = arith.constant 768 : i32
    %add3A_155 = arith.addi %mul3A_2, %add3A_154 : i32
    %dma_start3A_156 = arith.constant 0 : i32
    %dma_start3A_157 = tpu.memref_slice %arg4[%add3A_155, %dma_start3A_156] : memref<58368x128xf32, #tpu.memory_space<hbm>> -> memref<96x128xf32, #tpu.memory_space<hbm>>
    %dma_start3A_158 = arith.constant 0 : i32
    %dma_start3A_159 = tpu.memref_slice %arg4[%add3A_155, %dma_start3A_158] : memref<58368x128xf32, #tpu.memory_space<hbm>> -> memref<96x128xf32, #tpu.memory_space<hbm>>
    tpu.enqueue_dma source(%arg10 : memref<96x128xf32, #tpu.memory_space<vmem>>) target(%dma_start3A_159 : memref<96x128xf32, #tpu.memory_space<hbm>>) target_semaphore(%arg12 : memref<!tpu.dma_semaphore, #tpu.memory_space<semaphore_mem>>)
    %dma_wait3A_160 = arith.constant 0 : i32
    %dma_wait3A_161 = tpu.memref_slice %arg4[%add3A_137, %dma_wait3A_160] : memref<58368x128xf32, #tpu.memory_space<hbm>> -> memref<96x128xf32, #tpu.memory_space<hbm>>
    %dma_wait3A_162 = arith.constant 0 : i32
    %dma_wait3A_163 = tpu.memref_slice %arg4[%add3A_137, %dma_wait3A_162] : memref<58368x128xf32, #tpu.memory_space<hbm>> -> memref<96x128xf32, #tpu.memory_space<hbm>>
    tpu.wait_dma2 semaphore(%arg12 : memref<!tpu.dma_semaphore, #tpu.memory_space<semaphore_mem>>) src(%arg9 : memref<96x128xf32, #tpu.memory_space<vmem>>) dst(%dma_wait3A_163 : memref<96x128xf32, #tpu.memory_space<hbm>>)
    %add3A_164 = arith.constant 960 : i32
    %add3A_165 = arith.addi %mul3A_2, %add3A_164 : i32
    "tpu.region"() ({
      %run_scoped3A = tpu.sem_alloc : memref<!tpu.dma_semaphore, #tpu.memory_space<semaphore_mem>>
      %dma_start3A_343 = tpu.memref_slice %arg3[%add3A_165] : memref<58368xi32, #tpu.memory_space<hbm>> -> memref<96xi32, #tpu.memory_space<hbm>>
      %dma_start3A_344 = tpu.memref_slice %arg3[%add3A_165] : memref<58368xi32, #tpu.memory_space<hbm>> -> memref<96xi32, #tpu.memory_space<hbm>>
      tpu.enqueue_dma source(%dma_start3A_344 : memref<96xi32, #tpu.memory_space<hbm>>) target(%arg6 : memref<96xi32, #tpu.memory_space<vmem>>) target_semaphore(%run_scoped3A : memref<!tpu.dma_semaphore, #tpu.memory_space<semaphore_mem>>)
      %dma_wait3A_345 = tpu.memref_slice %arg3[%add3A_165] : memref<58368xi32, #tpu.memory_space<hbm>> -> memref<96xi32, #tpu.memory_space<hbm>>
      %dma_wait3A_346 = tpu.memref_slice %arg3[%add3A_165] : memref<58368xi32, #tpu.memory_space<hbm>> -> memref<96xi32, #tpu.memory_space<hbm>>
      tpu.wait_dma2 semaphore(%run_scoped3A : memref<!tpu.dma_semaphore, #tpu.memory_space<semaphore_mem>>) src(%dma_wait3A_346 : memref<96xi32, #tpu.memory_space<hbm>>) dst(%arg6 : memref<96xi32, #tpu.memory_space<vmem>>)
      tpu.yield
    }) : () -> ()
    %dma_start3A_166 = arith.constant 0 : i32
    %dma_start3A_167 = arith.constant 0 : i32
    %dma_start3A_168 = tpu.memref_slice %arg2[%dma_start3A_166, %dma_start3A_167] : memref<80000x128xf32, #tpu.memory_space<hbm>> -> memref<80000x128xf32, #tpu.memory_space<hbm>>
    tpu.enqueue_indirect_dma source(%dma_start3A_168 : memref<80000x128xf32, #tpu.memory_space<hbm>>) target(%arg9 : memref<96x128xf32, #tpu.memory_space<vmem>>) offsets(%arg6 : memref<96xi32, #tpu.memory_space<vmem>>) semaphore(%arg11 : memref<!tpu.dma_semaphore, #tpu.memory_space<semaphore_mem>>)
    %dma_wait3A_169 = arith.constant 0 : i32
    %dma_wait3A_170 = arith.constant 0 : i32
    %dma_wait3A_171 = tpu.memref_slice %arg2[%dma_wait3A_169, %dma_wait3A_170] : memref<80000x128xf32, #tpu.memory_space<hbm>> -> memref<80000x128xf32, #tpu.memory_space<hbm>>
    tpu.wait_indirect_dma semaphore(%arg11 : memref<!tpu.dma_semaphore, #tpu.memory_space<semaphore_mem>>) src(%dma_wait3A_171 : memref<80000x128xf32, #tpu.memory_space<hbm>>) dst(%arg8 : memref<96x128xf32, #tpu.memory_space<vmem>>)
    %add3A_172 = arith.constant 864 : i32
    %add3A_173 = arith.addi %mul3A_2, %add3A_172 : i32
    %dma_start3A_174 = arith.constant 0 : i32
    %dma_start3A_175 = tpu.memref_slice %arg4[%add3A_173, %dma_start3A_174] : memref<58368x128xf32, #tpu.memory_space<hbm>> -> memref<96x128xf32, #tpu.memory_space<hbm>>
    %dma_start3A_176 = arith.constant 0 : i32
    %dma_start3A_177 = tpu.memref_slice %arg4[%add3A_173, %dma_start3A_176] : memref<58368x128xf32, #tpu.memory_space<hbm>> -> memref<96x128xf32, #tpu.memory_space<hbm>>
    tpu.enqueue_dma source(%arg8 : memref<96x128xf32, #tpu.memory_space<vmem>>) target(%dma_start3A_177 : memref<96x128xf32, #tpu.memory_space<hbm>>) target_semaphore(%arg12 : memref<!tpu.dma_semaphore, #tpu.memory_space<semaphore_mem>>)
    %dma_wait3A_178 = arith.constant 0 : i32
    %dma_wait3A_179 = tpu.memref_slice %arg4[%add3A_155, %dma_wait3A_178] : memref<58368x128xf32, #tpu.memory_space<hbm>> -> memref<96x128xf32, #tpu.memory_space<hbm>>
    %dma_wait3A_180 = arith.constant 0 : i32
    %dma_wait3A_181 = tpu.memref_slice %arg4[%add3A_155, %dma_wait3A_180] : memref<58368x128xf32, #tpu.memory_space<hbm>> -> memref<96x128xf32, #tpu.memory_space<hbm>>
    tpu.wait_dma2 semaphore(%arg12 : memref<!tpu.dma_semaphore, #tpu.memory_space<semaphore_mem>>) src(%arg10 : memref<96x128xf32, #tpu.memory_space<vmem>>) dst(%dma_wait3A_181 : memref<96x128xf32, #tpu.memory_space<hbm>>)
    %add3A_182 = arith.constant 1056 : i32
    %add3A_183 = arith.addi %mul3A_2, %add3A_182 : i32
    "tpu.region"() ({
      %run_scoped3A = tpu.sem_alloc : memref<!tpu.dma_semaphore, #tpu.memory_space<semaphore_mem>>
      %dma_start3A_343 = tpu.memref_slice %arg3[%add3A_183] : memref<58368xi32, #tpu.memory_space<hbm>> -> memref<96xi32, #tpu.memory_space<hbm>>
      %dma_start3A_344 = tpu.memref_slice %arg3[%add3A_183] : memref<58368xi32, #tpu.memory_space<hbm>> -> memref<96xi32, #tpu.memory_space<hbm>>
      tpu.enqueue_dma source(%dma_start3A_344 : memref<96xi32, #tpu.memory_space<hbm>>) target(%arg7 : memref<96xi32, #tpu.memory_space<vmem>>) target_semaphore(%run_scoped3A : memref<!tpu.dma_semaphore, #tpu.memory_space<semaphore_mem>>)
      %dma_wait3A_345 = tpu.memref_slice %arg3[%add3A_183] : memref<58368xi32, #tpu.memory_space<hbm>> -> memref<96xi32, #tpu.memory_space<hbm>>
      %dma_wait3A_346 = tpu.memref_slice %arg3[%add3A_183] : memref<58368xi32, #tpu.memory_space<hbm>> -> memref<96xi32, #tpu.memory_space<hbm>>
      tpu.wait_dma2 semaphore(%run_scoped3A : memref<!tpu.dma_semaphore, #tpu.memory_space<semaphore_mem>>) src(%dma_wait3A_346 : memref<96xi32, #tpu.memory_space<hbm>>) dst(%arg7 : memref<96xi32, #tpu.memory_space<vmem>>)
      tpu.yield
    }) : () -> ()
    %dma_start3A_184 = arith.constant 0 : i32
    %dma_start3A_185 = arith.constant 0 : i32
    %dma_start3A_186 = tpu.memref_slice %arg2[%dma_start3A_184, %dma_start3A_185] : memref<80000x128xf32, #tpu.memory_space<hbm>> -> memref<80000x128xf32, #tpu.memory_space<hbm>>
    tpu.enqueue_indirect_dma source(%dma_start3A_186 : memref<80000x128xf32, #tpu.memory_space<hbm>>) target(%arg10 : memref<96x128xf32, #tpu.memory_space<vmem>>) offsets(%arg7 : memref<96xi32, #tpu.memory_space<vmem>>) semaphore(%arg11 : memref<!tpu.dma_semaphore, #tpu.memory_space<semaphore_mem>>)
    %dma_wait3A_187 = arith.constant 0 : i32
    %dma_wait3A_188 = arith.constant 0 : i32
    %dma_wait3A_189 = tpu.memref_slice %arg2[%dma_wait3A_187, %dma_wait3A_188] : memref<80000x128xf32, #tpu.memory_space<hbm>> -> memref<80000x128xf32, #tpu.memory_space<hbm>>
    tpu.wait_indirect_dma semaphore(%arg11 : memref<!tpu.dma_semaphore, #tpu.memory_space<semaphore_mem>>) src(%dma_wait3A_189 : memref<80000x128xf32, #tpu.memory_space<hbm>>) dst(%arg9 : memref<96x128xf32, #tpu.memory_space<vmem>>)
    %add3A_190 = arith.constant 960 : i32
    %add3A_191 = arith.addi %mul3A_2, %add3A_190 : i32
    %dma_start3A_192 = arith.constant 0 : i32
    %dma_start3A_193 = tpu.memref_slice %arg4[%add3A_191, %dma_start3A_192] : memref<58368x128xf32, #tpu.memory_space<hbm>> -> memref<96x128xf32, #tpu.memory_space<hbm>>
    %dma_start3A_194 = arith.constant 0 : i32
    %dma_start3A_195 = tpu.memref_slice %arg4[%add3A_191, %dma_start3A_194] : memref<58368x128xf32, #tpu.memory_space<hbm>> -> memref<96x128xf32, #tpu.memory_space<hbm>>
    tpu.enqueue_dma source(%arg9 : memref<96x128xf32, #tpu.memory_space<vmem>>) target(%dma_start3A_195 : memref<96x128xf32, #tpu.memory_space<hbm>>) target_semaphore(%arg12 : memref<!tpu.dma_semaphore, #tpu.memory_space<semaphore_mem>>)
    %dma_wait3A_196 = arith.constant 0 : i32
    %dma_wait3A_197 = tpu.memref_slice %arg4[%add3A_173, %dma_wait3A_196] : memref<58368x128xf32, #tpu.memory_space<hbm>> -> memref<96x128xf32, #tpu.memory_space<hbm>>
    %dma_wait3A_198 = arith.constant 0 : i32
    %dma_wait3A_199 = tpu.memref_slice %arg4[%add3A_173, %dma_wait3A_198] : memref<58368x128xf32, #tpu.memory_space<hbm>> -> memref<96x128xf32, #tpu.memory_space<hbm>>
    tpu.wait_dma2 semaphore(%arg12 : memref<!tpu.dma_semaphore, #tpu.memory_space<semaphore_mem>>) src(%arg8 : memref<96x128xf32, #tpu.memory_space<vmem>>) dst(%dma_wait3A_199 : memref<96x128xf32, #tpu.memory_space<hbm>>)
    %add3A_200 = arith.constant 1152 : i32
    %add3A_201 = arith.addi %mul3A_2, %add3A_200 : i32
    "tpu.region"() ({
      %run_scoped3A = tpu.sem_alloc : memref<!tpu.dma_semaphore, #tpu.memory_space<semaphore_mem>>
      %dma_start3A_343 = tpu.memref_slice %arg3[%add3A_201] : memref<58368xi32, #tpu.memory_space<hbm>> -> memref<96xi32, #tpu.memory_space<hbm>>
      %dma_start3A_344 = tpu.memref_slice %arg3[%add3A_201] : memref<58368xi32, #tpu.memory_space<hbm>> -> memref<96xi32, #tpu.memory_space<hbm>>
      tpu.enqueue_dma source(%dma_start3A_344 : memref<96xi32, #tpu.memory_space<hbm>>) target(%arg5 : memref<96xi32, #tpu.memory_space<vmem>>) target_semaphore(%run_scoped3A : memref<!tpu.dma_semaphore, #tpu.memory_space<semaphore_mem>>)
      %dma_wait3A_345 = tpu.memref_slice %arg3[%add3A_201] : memref<58368xi32, #tpu.memory_space<hbm>> -> memref<96xi32, #tpu.memory_space<hbm>>
      %dma_wait3A_346 = tpu.memref_slice %arg3[%add3A_201] : memref<58368xi32, #tpu.memory_space<hbm>> -> memref<96xi32, #tpu.memory_space<hbm>>
      tpu.wait_dma2 semaphore(%run_scoped3A : memref<!tpu.dma_semaphore, #tpu.memory_space<semaphore_mem>>) src(%dma_wait3A_346 : memref<96xi32, #tpu.memory_space<hbm>>) dst(%arg5 : memref<96xi32, #tpu.memory_space<vmem>>)
      tpu.yield
    }) : () -> ()
    %dma_start3A_202 = arith.constant 0 : i32
    %dma_start3A_203 = arith.constant 0 : i32
    %dma_start3A_204 = tpu.memref_slice %arg2[%dma_start3A_202, %dma_start3A_203] : memref<80000x128xf32, #tpu.memory_space<hbm>> -> memref<80000x128xf32, #tpu.memory_space<hbm>>
    tpu.enqueue_indirect_dma source(%dma_start3A_204 : memref<80000x128xf32, #tpu.memory_space<hbm>>) target(%arg8 : memref<96x128xf32, #tpu.memory_space<vmem>>) offsets(%arg5 : memref<96xi32, #tpu.memory_space<vmem>>) semaphore(%arg11 : memref<!tpu.dma_semaphore, #tpu.memory_space<semaphore_mem>>)
    %dma_wait3A_205 = arith.constant 0 : i32
    %dma_wait3A_206 = arith.constant 0 : i32
    %dma_wait3A_207 = tpu.memref_slice %arg2[%dma_wait3A_205, %dma_wait3A_206] : memref<80000x128xf32, #tpu.memory_space<hbm>> -> memref<80000x128xf32, #tpu.memory_space<hbm>>
    tpu.wait_indirect_dma semaphore(%arg11 : memref<!tpu.dma_semaphore, #tpu.memory_space<semaphore_mem>>) src(%dma_wait3A_207 : memref<80000x128xf32, #tpu.memory_space<hbm>>) dst(%arg10 : memref<96x128xf32, #tpu.memory_space<vmem>>)
    %add3A_208 = arith.constant 1056 : i32
    %add3A_209 = arith.addi %mul3A_2, %add3A_208 : i32
    %dma_start3A_210 = arith.constant 0 : i32
    %dma_start3A_211 = tpu.memref_slice %arg4[%add3A_209, %dma_start3A_210] : memref<58368x128xf32, #tpu.memory_space<hbm>> -> memref<96x128xf32, #tpu.memory_space<hbm>>
    %dma_start3A_212 = arith.constant 0 : i32
    %dma_start3A_213 = tpu.memref_slice %arg4[%add3A_209, %dma_start3A_212] : memref<58368x128xf32, #tpu.memory_space<hbm>> -> memref<96x128xf32, #tpu.memory_space<hbm>>
    tpu.enqueue_dma source(%arg10 : memref<96x128xf32, #tpu.memory_space<vmem>>) target(%dma_start3A_213 : memref<96x128xf32, #tpu.memory_space<hbm>>) target_semaphore(%arg12 : memref<!tpu.dma_semaphore, #tpu.memory_space<semaphore_mem>>)
    %dma_wait3A_214 = arith.constant 0 : i32
    %dma_wait3A_215 = tpu.memref_slice %arg4[%add3A_191, %dma_wait3A_214] : memref<58368x128xf32, #tpu.memory_space<hbm>> -> memref<96x128xf32, #tpu.memory_space<hbm>>
    %dma_wait3A_216 = arith.constant 0 : i32
    %dma_wait3A_217 = tpu.memref_slice %arg4[%add3A_191, %dma_wait3A_216] : memref<58368x128xf32, #tpu.memory_space<hbm>> -> memref<96x128xf32, #tpu.memory_space<hbm>>
    tpu.wait_dma2 semaphore(%arg12 : memref<!tpu.dma_semaphore, #tpu.memory_space<semaphore_mem>>) src(%arg9 : memref<96x128xf32, #tpu.memory_space<vmem>>) dst(%dma_wait3A_217 : memref<96x128xf32, #tpu.memory_space<hbm>>)
    %add3A_218 = arith.constant 1248 : i32
    %add3A_219 = arith.addi %mul3A_2, %add3A_218 : i32
    "tpu.region"() ({
      %run_scoped3A = tpu.sem_alloc : memref<!tpu.dma_semaphore, #tpu.memory_space<semaphore_mem>>
      %dma_start3A_343 = tpu.memref_slice %arg3[%add3A_219] : memref<58368xi32, #tpu.memory_space<hbm>> -> memref<96xi32, #tpu.memory_space<hbm>>
      %dma_start3A_344 = tpu.memref_slice %arg3[%add3A_219] : memref<58368xi32, #tpu.memory_space<hbm>> -> memref<96xi32, #tpu.memory_space<hbm>>
      tpu.enqueue_dma source(%dma_start3A_344 : memref<96xi32, #tpu.memory_space<hbm>>) target(%arg6 : memref<96xi32, #tpu.memory_space<vmem>>) target_semaphore(%run_scoped3A : memref<!tpu.dma_semaphore, #tpu.memory_space<semaphore_mem>>)
      %dma_wait3A_345 = tpu.memref_slice %arg3[%add3A_219] : memref<58368xi32, #tpu.memory_space<hbm>> -> memref<96xi32, #tpu.memory_space<hbm>>
      %dma_wait3A_346 = tpu.memref_slice %arg3[%add3A_219] : memref<58368xi32, #tpu.memory_space<hbm>> -> memref<96xi32, #tpu.memory_space<hbm>>
      tpu.wait_dma2 semaphore(%run_scoped3A : memref<!tpu.dma_semaphore, #tpu.memory_space<semaphore_mem>>) src(%dma_wait3A_346 : memref<96xi32, #tpu.memory_space<hbm>>) dst(%arg6 : memref<96xi32, #tpu.memory_space<vmem>>)
      tpu.yield
    }) : () -> ()
    %dma_start3A_220 = arith.constant 0 : i32
    %dma_start3A_221 = arith.constant 0 : i32
    %dma_start3A_222 = tpu.memref_slice %arg2[%dma_start3A_220, %dma_start3A_221] : memref<80000x128xf32, #tpu.memory_space<hbm>> -> memref<80000x128xf32, #tpu.memory_space<hbm>>
    tpu.enqueue_indirect_dma source(%dma_start3A_222 : memref<80000x128xf32, #tpu.memory_space<hbm>>) target(%arg9 : memref<96x128xf32, #tpu.memory_space<vmem>>) offsets(%arg6 : memref<96xi32, #tpu.memory_space<vmem>>) semaphore(%arg11 : memref<!tpu.dma_semaphore, #tpu.memory_space<semaphore_mem>>)
    %dma_wait3A_223 = arith.constant 0 : i32
    %dma_wait3A_224 = arith.constant 0 : i32
    %dma_wait3A_225 = tpu.memref_slice %arg2[%dma_wait3A_223, %dma_wait3A_224] : memref<80000x128xf32, #tpu.memory_space<hbm>> -> memref<80000x128xf32, #tpu.memory_space<hbm>>
    tpu.wait_indirect_dma semaphore(%arg11 : memref<!tpu.dma_semaphore, #tpu.memory_space<semaphore_mem>>) src(%dma_wait3A_225 : memref<80000x128xf32, #tpu.memory_space<hbm>>) dst(%arg8 : memref<96x128xf32, #tpu.memory_space<vmem>>)
    %add3A_226 = arith.constant 1152 : i32
    %add3A_227 = arith.addi %mul3A_2, %add3A_226 : i32
    %dma_start3A_228 = arith.constant 0 : i32
    %dma_start3A_229 = tpu.memref_slice %arg4[%add3A_227, %dma_start3A_228] : memref<58368x128xf32, #tpu.memory_space<hbm>> -> memref<96x128xf32, #tpu.memory_space<hbm>>
    %dma_start3A_230 = arith.constant 0 : i32
    %dma_start3A_231 = tpu.memref_slice %arg4[%add3A_227, %dma_start3A_230] : memref<58368x128xf32, #tpu.memory_space<hbm>> -> memref<96x128xf32, #tpu.memory_space<hbm>>
    tpu.enqueue_dma source(%arg8 : memref<96x128xf32, #tpu.memory_space<vmem>>) target(%dma_start3A_231 : memref<96x128xf32, #tpu.memory_space<hbm>>) target_semaphore(%arg12 : memref<!tpu.dma_semaphore, #tpu.memory_space<semaphore_mem>>)
    %dma_wait3A_232 = arith.constant 0 : i32
    %dma_wait3A_233 = tpu.memref_slice %arg4[%add3A_209, %dma_wait3A_232] : memref<58368x128xf32, #tpu.memory_space<hbm>> -> memref<96x128xf32, #tpu.memory_space<hbm>>
    %dma_wait3A_234 = arith.constant 0 : i32
    %dma_wait3A_235 = tpu.memref_slice %arg4[%add3A_209, %dma_wait3A_234] : memref<58368x128xf32, #tpu.memory_space<hbm>> -> memref<96x128xf32, #tpu.memory_space<hbm>>
    tpu.wait_dma2 semaphore(%arg12 : memref<!tpu.dma_semaphore, #tpu.memory_space<semaphore_mem>>) src(%arg10 : memref<96x128xf32, #tpu.memory_space<vmem>>) dst(%dma_wait3A_235 : memref<96x128xf32, #tpu.memory_space<hbm>>)
    %add3A_236 = arith.constant 1344 : i32
    %add3A_237 = arith.addi %mul3A_2, %add3A_236 : i32
    "tpu.region"() ({
      %run_scoped3A = tpu.sem_alloc : memref<!tpu.dma_semaphore, #tpu.memory_space<semaphore_mem>>
      %dma_start3A_343 = tpu.memref_slice %arg3[%add3A_237] : memref<58368xi32, #tpu.memory_space<hbm>> -> memref<96xi32, #tpu.memory_space<hbm>>
      %dma_start3A_344 = tpu.memref_slice %arg3[%add3A_237] : memref<58368xi32, #tpu.memory_space<hbm>> -> memref<96xi32, #tpu.memory_space<hbm>>
      tpu.enqueue_dma source(%dma_start3A_344 : memref<96xi32, #tpu.memory_space<hbm>>) target(%arg7 : memref<96xi32, #tpu.memory_space<vmem>>) target_semaphore(%run_scoped3A : memref<!tpu.dma_semaphore, #tpu.memory_space<semaphore_mem>>)
      %dma_wait3A_345 = tpu.memref_slice %arg3[%add3A_237] : memref<58368xi32, #tpu.memory_space<hbm>> -> memref<96xi32, #tpu.memory_space<hbm>>
      %dma_wait3A_346 = tpu.memref_slice %arg3[%add3A_237] : memref<58368xi32, #tpu.memory_space<hbm>> -> memref<96xi32, #tpu.memory_space<hbm>>
      tpu.wait_dma2 semaphore(%run_scoped3A : memref<!tpu.dma_semaphore, #tpu.memory_space<semaphore_mem>>) src(%dma_wait3A_346 : memref<96xi32, #tpu.memory_space<hbm>>) dst(%arg7 : memref<96xi32, #tpu.memory_space<vmem>>)
      tpu.yield
    }) : () -> ()
    %dma_start3A_238 = arith.constant 0 : i32
    %dma_start3A_239 = arith.constant 0 : i32
    %dma_start3A_240 = tpu.memref_slice %arg2[%dma_start3A_238, %dma_start3A_239] : memref<80000x128xf32, #tpu.memory_space<hbm>> -> memref<80000x128xf32, #tpu.memory_space<hbm>>
    tpu.enqueue_indirect_dma source(%dma_start3A_240 : memref<80000x128xf32, #tpu.memory_space<hbm>>) target(%arg10 : memref<96x128xf32, #tpu.memory_space<vmem>>) offsets(%arg7 : memref<96xi32, #tpu.memory_space<vmem>>) semaphore(%arg11 : memref<!tpu.dma_semaphore, #tpu.memory_space<semaphore_mem>>)
    %dma_wait3A_241 = arith.constant 0 : i32
    %dma_wait3A_242 = arith.constant 0 : i32
    %dma_wait3A_243 = tpu.memref_slice %arg2[%dma_wait3A_241, %dma_wait3A_242] : memref<80000x128xf32, #tpu.memory_space<hbm>> -> memref<80000x128xf32, #tpu.memory_space<hbm>>
    tpu.wait_indirect_dma semaphore(%arg11 : memref<!tpu.dma_semaphore, #tpu.memory_space<semaphore_mem>>) src(%dma_wait3A_243 : memref<80000x128xf32, #tpu.memory_space<hbm>>) dst(%arg9 : memref<96x128xf32, #tpu.memory_space<vmem>>)
    %add3A_244 = arith.constant 1248 : i32
    %add3A_245 = arith.addi %mul3A_2, %add3A_244 : i32
    %dma_start3A_246 = arith.constant 0 : i32
    %dma_start3A_247 = tpu.memref_slice %arg4[%add3A_245, %dma_start3A_246] : memref<58368x128xf32, #tpu.memory_space<hbm>> -> memref<96x128xf32, #tpu.memory_space<hbm>>
    %dma_start3A_248 = arith.constant 0 : i32
    %dma_start3A_249 = tpu.memref_slice %arg4[%add3A_245, %dma_start3A_248] : memref<58368x128xf32, #tpu.memory_space<hbm>> -> memref<96x128xf32, #tpu.memory_space<hbm>>
    tpu.enqueue_dma source(%arg9 : memref<96x128xf32, #tpu.memory_space<vmem>>) target(%dma_start3A_249 : memref<96x128xf32, #tpu.memory_space<hbm>>) target_semaphore(%arg12 : memref<!tpu.dma_semaphore, #tpu.memory_space<semaphore_mem>>)
    %dma_wait3A_250 = arith.constant 0 : i32
    %dma_wait3A_251 = tpu.memref_slice %arg4[%add3A_227, %dma_wait3A_250] : memref<58368x128xf32, #tpu.memory_space<hbm>> -> memref<96x128xf32, #tpu.memory_space<hbm>>
    %dma_wait3A_252 = arith.constant 0 : i32
    %dma_wait3A_253 = tpu.memref_slice %arg4[%add3A_227, %dma_wait3A_252] : memref<58368x128xf32, #tpu.memory_space<hbm>> -> memref<96x128xf32, #tpu.memory_space<hbm>>
    tpu.wait_dma2 semaphore(%arg12 : memref<!tpu.dma_semaphore, #tpu.memory_space<semaphore_mem>>) src(%arg8 : memref<96x128xf32, #tpu.memory_space<vmem>>) dst(%dma_wait3A_253 : memref<96x128xf32, #tpu.memory_space<hbm>>)
    %add3A_254 = arith.constant 1440 : i32
    %add3A_255 = arith.addi %mul3A_2, %add3A_254 : i32
    "tpu.region"() ({
      %run_scoped3A = tpu.sem_alloc : memref<!tpu.dma_semaphore, #tpu.memory_space<semaphore_mem>>
      %dma_start3A_343 = tpu.memref_slice %arg3[%add3A_255] : memref<58368xi32, #tpu.memory_space<hbm>> -> memref<96xi32, #tpu.memory_space<hbm>>
      %dma_start3A_344 = tpu.memref_slice %arg3[%add3A_255] : memref<58368xi32, #tpu.memory_space<hbm>> -> memref<96xi32, #tpu.memory_space<hbm>>
      tpu.enqueue_dma source(%dma_start3A_344 : memref<96xi32, #tpu.memory_space<hbm>>) target(%arg5 : memref<96xi32, #tpu.memory_space<vmem>>) target_semaphore(%run_scoped3A : memref<!tpu.dma_semaphore, #tpu.memory_space<semaphore_mem>>)
      %dma_wait3A_345 = tpu.memref_slice %arg3[%add3A_255] : memref<58368xi32, #tpu.memory_space<hbm>> -> memref<96xi32, #tpu.memory_space<hbm>>
      %dma_wait3A_346 = tpu.memref_slice %arg3[%add3A_255] : memref<58368xi32, #tpu.memory_space<hbm>> -> memref<96xi32, #tpu.memory_space<hbm>>
      tpu.wait_dma2 semaphore(%run_scoped3A : memref<!tpu.dma_semaphore, #tpu.memory_space<semaphore_mem>>) src(%dma_wait3A_346 : memref<96xi32, #tpu.memory_space<hbm>>) dst(%arg5 : memref<96xi32, #tpu.memory_space<vmem>>)
      tpu.yield
    }) : () -> ()
    %dma_start3A_256 = arith.constant 0 : i32
    %dma_start3A_257 = arith.constant 0 : i32
    %dma_start3A_258 = tpu.memref_slice %arg2[%dma_start3A_256, %dma_start3A_257] : memref<80000x128xf32, #tpu.memory_space<hbm>> -> memref<80000x128xf32, #tpu.memory_space<hbm>>
    tpu.enqueue_indirect_dma source(%dma_start3A_258 : memref<80000x128xf32, #tpu.memory_space<hbm>>) target(%arg8 : memref<96x128xf32, #tpu.memory_space<vmem>>) offsets(%arg5 : memref<96xi32, #tpu.memory_space<vmem>>) semaphore(%arg11 : memref<!tpu.dma_semaphore, #tpu.memory_space<semaphore_mem>>)
    %dma_wait3A_259 = arith.constant 0 : i32
    %dma_wait3A_260 = arith.constant 0 : i32
    %dma_wait3A_261 = tpu.memref_slice %arg2[%dma_wait3A_259, %dma_wait3A_260] : memref<80000x128xf32, #tpu.memory_space<hbm>> -> memref<80000x128xf32, #tpu.memory_space<hbm>>
    tpu.wait_indirect_dma semaphore(%arg11 : memref<!tpu.dma_semaphore, #tpu.memory_space<semaphore_mem>>) src(%dma_wait3A_261 : memref<80000x128xf32, #tpu.memory_space<hbm>>) dst(%arg10 : memref<96x128xf32, #tpu.memory_space<vmem>>)
    %add3A_262 = arith.constant 1344 : i32
    %add3A_263 = arith.addi %mul3A_2, %add3A_262 : i32
    %dma_start3A_264 = arith.constant 0 : i32
    %dma_start3A_265 = tpu.memref_slice %arg4[%add3A_263, %dma_start3A_264] : memref<58368x128xf32, #tpu.memory_space<hbm>> -> memref<96x128xf32, #tpu.memory_space<hbm>>
    %dma_start3A_266 = arith.constant 0 : i32
    %dma_start3A_267 = tpu.memref_slice %arg4[%add3A_263, %dma_start3A_266] : memref<58368x128xf32, #tpu.memory_space<hbm>> -> memref<96x128xf32, #tpu.memory_space<hbm>>
    tpu.enqueue_dma source(%arg10 : memref<96x128xf32, #tpu.memory_space<vmem>>) target(%dma_start3A_267 : memref<96x128xf32, #tpu.memory_space<hbm>>) target_semaphore(%arg12 : memref<!tpu.dma_semaphore, #tpu.memory_space<semaphore_mem>>)
    %dma_wait3A_268 = arith.constant 0 : i32
    %dma_wait3A_269 = tpu.memref_slice %arg4[%add3A_245, %dma_wait3A_268] : memref<58368x128xf32, #tpu.memory_space<hbm>> -> memref<96x128xf32, #tpu.memory_space<hbm>>
    %dma_wait3A_270 = arith.constant 0 : i32
    %dma_wait3A_271 = tpu.memref_slice %arg4[%add3A_245, %dma_wait3A_270] : memref<58368x128xf32, #tpu.memory_space<hbm>> -> memref<96x128xf32, #tpu.memory_space<hbm>>
    tpu.wait_dma2 semaphore(%arg12 : memref<!tpu.dma_semaphore, #tpu.memory_space<semaphore_mem>>) src(%arg9 : memref<96x128xf32, #tpu.memory_space<vmem>>) dst(%dma_wait3A_271 : memref<96x128xf32, #tpu.memory_space<hbm>>)
    %add3A_272 = arith.constant 1536 : i32
    %add3A_273 = arith.addi %mul3A_2, %add3A_272 : i32
    "tpu.region"() ({
      %run_scoped3A = tpu.sem_alloc : memref<!tpu.dma_semaphore, #tpu.memory_space<semaphore_mem>>
      %dma_start3A_343 = tpu.memref_slice %arg3[%add3A_273] : memref<58368xi32, #tpu.memory_space<hbm>> -> memref<96xi32, #tpu.memory_space<hbm>>
      %dma_start3A_344 = tpu.memref_slice %arg3[%add3A_273] : memref<58368xi32, #tpu.memory_space<hbm>> -> memref<96xi32, #tpu.memory_space<hbm>>
      tpu.enqueue_dma source(%dma_start3A_344 : memref<96xi32, #tpu.memory_space<hbm>>) target(%arg6 : memref<96xi32, #tpu.memory_space<vmem>>) target_semaphore(%run_scoped3A : memref<!tpu.dma_semaphore, #tpu.memory_space<semaphore_mem>>)
      %dma_wait3A_345 = tpu.memref_slice %arg3[%add3A_273] : memref<58368xi32, #tpu.memory_space<hbm>> -> memref<96xi32, #tpu.memory_space<hbm>>
      %dma_wait3A_346 = tpu.memref_slice %arg3[%add3A_273] : memref<58368xi32, #tpu.memory_space<hbm>> -> memref<96xi32, #tpu.memory_space<hbm>>
      tpu.wait_dma2 semaphore(%run_scoped3A : memref<!tpu.dma_semaphore, #tpu.memory_space<semaphore_mem>>) src(%dma_wait3A_346 : memref<96xi32, #tpu.memory_space<hbm>>) dst(%arg6 : memref<96xi32, #tpu.memory_space<vmem>>)
      tpu.yield
    }) : () -> ()
    %dma_start3A_274 = arith.constant 0 : i32
    %dma_start3A_275 = arith.constant 0 : i32
    %dma_start3A_276 = tpu.memref_slice %arg2[%dma_start3A_274, %dma_start3A_275] : memref<80000x128xf32, #tpu.memory_space<hbm>> -> memref<80000x128xf32, #tpu.memory_space<hbm>>
    tpu.enqueue_indirect_dma source(%dma_start3A_276 : memref<80000x128xf32, #tpu.memory_space<hbm>>) target(%arg9 : memref<96x128xf32, #tpu.memory_space<vmem>>) offsets(%arg6 : memref<96xi32, #tpu.memory_space<vmem>>) semaphore(%arg11 : memref<!tpu.dma_semaphore, #tpu.memory_space<semaphore_mem>>)
    %dma_wait3A_277 = arith.constant 0 : i32
    %dma_wait3A_278 = arith.constant 0 : i32
    %dma_wait3A_279 = tpu.memref_slice %arg2[%dma_wait3A_277, %dma_wait3A_278] : memref<80000x128xf32, #tpu.memory_space<hbm>> -> memref<80000x128xf32, #tpu.memory_space<hbm>>
    tpu.wait_indirect_dma semaphore(%arg11 : memref<!tpu.dma_semaphore, #tpu.memory_space<semaphore_mem>>) src(%dma_wait3A_279 : memref<80000x128xf32, #tpu.memory_space<hbm>>) dst(%arg8 : memref<96x128xf32, #tpu.memory_space<vmem>>)
    %add3A_280 = arith.constant 1440 : i32
    %add3A_281 = arith.addi %mul3A_2, %add3A_280 : i32
    %dma_start3A_282 = arith.constant 0 : i32
    %dma_start3A_283 = tpu.memref_slice %arg4[%add3A_281, %dma_start3A_282] : memref<58368x128xf32, #tpu.memory_space<hbm>> -> memref<96x128xf32, #tpu.memory_space<hbm>>
    %dma_start3A_284 = arith.constant 0 : i32
    %dma_start3A_285 = tpu.memref_slice %arg4[%add3A_281, %dma_start3A_284] : memref<58368x128xf32, #tpu.memory_space<hbm>> -> memref<96x128xf32, #tpu.memory_space<hbm>>
    tpu.enqueue_dma source(%arg8 : memref<96x128xf32, #tpu.memory_space<vmem>>) target(%dma_start3A_285 : memref<96x128xf32, #tpu.memory_space<hbm>>) target_semaphore(%arg12 : memref<!tpu.dma_semaphore, #tpu.memory_space<semaphore_mem>>)
    %dma_wait3A_286 = arith.constant 0 : i32
    %dma_wait3A_287 = tpu.memref_slice %arg4[%add3A_263, %dma_wait3A_286] : memref<58368x128xf32, #tpu.memory_space<hbm>> -> memref<96x128xf32, #tpu.memory_space<hbm>>
    %dma_wait3A_288 = arith.constant 0 : i32
    %dma_wait3A_289 = tpu.memref_slice %arg4[%add3A_263, %dma_wait3A_288] : memref<58368x128xf32, #tpu.memory_space<hbm>> -> memref<96x128xf32, #tpu.memory_space<hbm>>
    tpu.wait_dma2 semaphore(%arg12 : memref<!tpu.dma_semaphore, #tpu.memory_space<semaphore_mem>>) src(%arg10 : memref<96x128xf32, #tpu.memory_space<vmem>>) dst(%dma_wait3A_289 : memref<96x128xf32, #tpu.memory_space<hbm>>)
    %add3A_290 = arith.constant 1632 : i32
    %add3A_291 = arith.addi %mul3A_2, %add3A_290 : i32
    "tpu.region"() ({
      %run_scoped3A = tpu.sem_alloc : memref<!tpu.dma_semaphore, #tpu.memory_space<semaphore_mem>>
      %dma_start3A_343 = tpu.memref_slice %arg3[%add3A_291] : memref<58368xi32, #tpu.memory_space<hbm>> -> memref<96xi32, #tpu.memory_space<hbm>>
      %dma_start3A_344 = tpu.memref_slice %arg3[%add3A_291] : memref<58368xi32, #tpu.memory_space<hbm>> -> memref<96xi32, #tpu.memory_space<hbm>>
      tpu.enqueue_dma source(%dma_start3A_344 : memref<96xi32, #tpu.memory_space<hbm>>) target(%arg7 : memref<96xi32, #tpu.memory_space<vmem>>) target_semaphore(%run_scoped3A : memref<!tpu.dma_semaphore, #tpu.memory_space<semaphore_mem>>)
      %dma_wait3A_345 = tpu.memref_slice %arg3[%add3A_291] : memref<58368xi32, #tpu.memory_space<hbm>> -> memref<96xi32, #tpu.memory_space<hbm>>
      %dma_wait3A_346 = tpu.memref_slice %arg3[%add3A_291] : memref<58368xi32, #tpu.memory_space<hbm>> -> memref<96xi32, #tpu.memory_space<hbm>>
      tpu.wait_dma2 semaphore(%run_scoped3A : memref<!tpu.dma_semaphore, #tpu.memory_space<semaphore_mem>>) src(%dma_wait3A_346 : memref<96xi32, #tpu.memory_space<hbm>>) dst(%arg7 : memref<96xi32, #tpu.memory_space<vmem>>)
      tpu.yield
    }) : () -> ()
    %dma_start3A_292 = arith.constant 0 : i32
    %dma_start3A_293 = arith.constant 0 : i32
    %dma_start3A_294 = tpu.memref_slice %arg2[%dma_start3A_292, %dma_start3A_293] : memref<80000x128xf32, #tpu.memory_space<hbm>> -> memref<80000x128xf32, #tpu.memory_space<hbm>>
    tpu.enqueue_indirect_dma source(%dma_start3A_294 : memref<80000x128xf32, #tpu.memory_space<hbm>>) target(%arg10 : memref<96x128xf32, #tpu.memory_space<vmem>>) offsets(%arg7 : memref<96xi32, #tpu.memory_space<vmem>>) semaphore(%arg11 : memref<!tpu.dma_semaphore, #tpu.memory_space<semaphore_mem>>)
    %dma_wait3A_295 = arith.constant 0 : i32
    %dma_wait3A_296 = arith.constant 0 : i32
    %dma_wait3A_297 = tpu.memref_slice %arg2[%dma_wait3A_295, %dma_wait3A_296] : memref<80000x128xf32, #tpu.memory_space<hbm>> -> memref<80000x128xf32, #tpu.memory_space<hbm>>
    tpu.wait_indirect_dma semaphore(%arg11 : memref<!tpu.dma_semaphore, #tpu.memory_space<semaphore_mem>>) src(%dma_wait3A_297 : memref<80000x128xf32, #tpu.memory_space<hbm>>) dst(%arg9 : memref<96x128xf32, #tpu.memory_space<vmem>>)
    %add3A_298 = arith.constant 1536 : i32
    %add3A_299 = arith.addi %mul3A_2, %add3A_298 : i32
    %dma_start3A_300 = arith.constant 0 : i32
    %dma_start3A_301 = tpu.memref_slice %arg4[%add3A_299, %dma_start3A_300] : memref<58368x128xf32, #tpu.memory_space<hbm>> -> memref<96x128xf32, #tpu.memory_space<hbm>>
    %dma_start3A_302 = arith.constant 0 : i32
    %dma_start3A_303 = tpu.memref_slice %arg4[%add3A_299, %dma_start3A_302] : memref<58368x128xf32, #tpu.memory_space<hbm>> -> memref<96x128xf32, #tpu.memory_space<hbm>>
    tpu.enqueue_dma source(%arg9 : memref<96x128xf32, #tpu.memory_space<vmem>>) target(%dma_start3A_303 : memref<96x128xf32, #tpu.memory_space<hbm>>) target_semaphore(%arg12 : memref<!tpu.dma_semaphore, #tpu.memory_space<semaphore_mem>>)
    %dma_wait3A_304 = arith.constant 0 : i32
    %dma_wait3A_305 = tpu.memref_slice %arg4[%add3A_281, %dma_wait3A_304] : memref<58368x128xf32, #tpu.memory_space<hbm>> -> memref<96x128xf32, #tpu.memory_space<hbm>>
    %dma_wait3A_306 = arith.constant 0 : i32
    %dma_wait3A_307 = tpu.memref_slice %arg4[%add3A_281, %dma_wait3A_306] : memref<58368x128xf32, #tpu.memory_space<hbm>> -> memref<96x128xf32, #tpu.memory_space<hbm>>
    tpu.wait_dma2 semaphore(%arg12 : memref<!tpu.dma_semaphore, #tpu.memory_space<semaphore_mem>>) src(%arg8 : memref<96x128xf32, #tpu.memory_space<vmem>>) dst(%dma_wait3A_307 : memref<96x128xf32, #tpu.memory_space<hbm>>)
    %add3A_308 = arith.constant 1728 : i32
    %add3A_309 = arith.addi %mul3A_2, %add3A_308 : i32
    "tpu.region"() ({
      %run_scoped3A = tpu.sem_alloc : memref<!tpu.dma_semaphore, #tpu.memory_space<semaphore_mem>>
      %dma_start3A_343 = tpu.memref_slice %arg3[%add3A_309] : memref<58368xi32, #tpu.memory_space<hbm>> -> memref<96xi32, #tpu.memory_space<hbm>>
      %dma_start3A_344 = tpu.memref_slice %arg3[%add3A_309] : memref<58368xi32, #tpu.memory_space<hbm>> -> memref<96xi32, #tpu.memory_space<hbm>>
      tpu.enqueue_dma source(%dma_start3A_344 : memref<96xi32, #tpu.memory_space<hbm>>) target(%arg5 : memref<96xi32, #tpu.memory_space<vmem>>) target_semaphore(%run_scoped3A : memref<!tpu.dma_semaphore, #tpu.memory_space<semaphore_mem>>)
      %dma_wait3A_345 = tpu.memref_slice %arg3[%add3A_309] : memref<58368xi32, #tpu.memory_space<hbm>> -> memref<96xi32, #tpu.memory_space<hbm>>
      %dma_wait3A_346 = tpu.memref_slice %arg3[%add3A_309] : memref<58368xi32, #tpu.memory_space<hbm>> -> memref<96xi32, #tpu.memory_space<hbm>>
      tpu.wait_dma2 semaphore(%run_scoped3A : memref<!tpu.dma_semaphore, #tpu.memory_space<semaphore_mem>>) src(%dma_wait3A_346 : memref<96xi32, #tpu.memory_space<hbm>>) dst(%arg5 : memref<96xi32, #tpu.memory_space<vmem>>)
      tpu.yield
    }) : () -> ()
    %dma_start3A_310 = arith.constant 0 : i32
    %dma_start3A_311 = arith.constant 0 : i32
    %dma_start3A_312 = tpu.memref_slice %arg2[%dma_start3A_310, %dma_start3A_311] : memref<80000x128xf32, #tpu.memory_space<hbm>> -> memref<80000x128xf32, #tpu.memory_space<hbm>>
    tpu.enqueue_indirect_dma source(%dma_start3A_312 : memref<80000x128xf32, #tpu.memory_space<hbm>>) target(%arg8 : memref<96x128xf32, #tpu.memory_space<vmem>>) offsets(%arg5 : memref<96xi32, #tpu.memory_space<vmem>>) semaphore(%arg11 : memref<!tpu.dma_semaphore, #tpu.memory_space<semaphore_mem>>)
    %dma_wait3A_313 = arith.constant 0 : i32
    %dma_wait3A_314 = arith.constant 0 : i32
    %dma_wait3A_315 = tpu.memref_slice %arg2[%dma_wait3A_313, %dma_wait3A_314] : memref<80000x128xf32, #tpu.memory_space<hbm>> -> memref<80000x128xf32, #tpu.memory_space<hbm>>
    tpu.wait_indirect_dma semaphore(%arg11 : memref<!tpu.dma_semaphore, #tpu.memory_space<semaphore_mem>>) src(%dma_wait3A_315 : memref<80000x128xf32, #tpu.memory_space<hbm>>) dst(%arg10 : memref<96x128xf32, #tpu.memory_space<vmem>>)
    %add3A_316 = arith.constant 1632 : i32
    %add3A_317 = arith.addi %mul3A_2, %add3A_316 : i32
    %dma_start3A_318 = arith.constant 0 : i32
    %dma_start3A_319 = tpu.memref_slice %arg4[%add3A_317, %dma_start3A_318] : memref<58368x128xf32, #tpu.memory_space<hbm>> -> memref<96x128xf32, #tpu.memory_space<hbm>>
    %dma_start3A_320 = arith.constant 0 : i32
    %dma_start3A_321 = tpu.memref_slice %arg4[%add3A_317, %dma_start3A_320] : memref<58368x128xf32, #tpu.memory_space<hbm>> -> memref<96x128xf32, #tpu.memory_space<hbm>>
    tpu.enqueue_dma source(%arg10 : memref<96x128xf32, #tpu.memory_space<vmem>>) target(%dma_start3A_321 : memref<96x128xf32, #tpu.memory_space<hbm>>) target_semaphore(%arg12 : memref<!tpu.dma_semaphore, #tpu.memory_space<semaphore_mem>>)
    %dma_wait3A_322 = arith.constant 0 : i32
    %dma_wait3A_323 = arith.constant 0 : i32
    %dma_wait3A_324 = tpu.memref_slice %arg2[%dma_wait3A_322, %dma_wait3A_323] : memref<80000x128xf32, #tpu.memory_space<hbm>> -> memref<80000x128xf32, #tpu.memory_space<hbm>>
    tpu.wait_indirect_dma semaphore(%arg11 : memref<!tpu.dma_semaphore, #tpu.memory_space<semaphore_mem>>) src(%dma_wait3A_324 : memref<80000x128xf32, #tpu.memory_space<hbm>>) dst(%arg8 : memref<96x128xf32, #tpu.memory_space<vmem>>)
    %add3A_325 = arith.constant 1728 : i32
    %add3A_326 = arith.addi %mul3A_2, %add3A_325 : i32
    %dma_start3A_327 = arith.constant 0 : i32
    %dma_start3A_328 = tpu.memref_slice %arg4[%add3A_326, %dma_start3A_327] : memref<58368x128xf32, #tpu.memory_space<hbm>> -> memref<96x128xf32, #tpu.memory_space<hbm>>
    %dma_start3A_329 = arith.constant 0 : i32
    %dma_start3A_330 = tpu.memref_slice %arg4[%add3A_326, %dma_start3A_329] : memref<58368x128xf32, #tpu.memory_space<hbm>> -> memref<96x128xf32, #tpu.memory_space<hbm>>
    tpu.enqueue_dma source(%arg8 : memref<96x128xf32, #tpu.memory_space<vmem>>) target(%dma_start3A_330 : memref<96x128xf32, #tpu.memory_space<hbm>>) target_semaphore(%arg12 : memref<!tpu.dma_semaphore, #tpu.memory_space<semaphore_mem>>)
    %dma_wait3A_331 = arith.constant 0 : i32
    %dma_wait3A_332 = tpu.memref_slice %arg4[%add3A_299, %dma_wait3A_331] : memref<58368x128xf32, #tpu.memory_space<hbm>> -> memref<96x128xf32, #tpu.memory_space<hbm>>
    %dma_wait3A_333 = arith.constant 0 : i32
    %dma_wait3A_334 = tpu.memref_slice %arg4[%add3A_299, %dma_wait3A_333] : memref<58368x128xf32, #tpu.memory_space<hbm>> -> memref<96x128xf32, #tpu.memory_space<hbm>>
    tpu.wait_dma2 semaphore(%arg12 : memref<!tpu.dma_semaphore, #tpu.memory_space<semaphore_mem>>) src(%arg9 : memref<96x128xf32, #tpu.memory_space<vmem>>) dst(%dma_wait3A_334 : memref<96x128xf32, #tpu.memory_space<hbm>>)
    %dma_wait3A_335 = arith.constant 0 : i32
    %dma_wait3A_336 = tpu.memref_slice %arg4[%add3A_317, %dma_wait3A_335] : memref<58368x128xf32, #tpu.memory_space<hbm>> -> memref<96x128xf32, #tpu.memory_space<hbm>>
    %dma_wait3A_337 = arith.constant 0 : i32
    %dma_wait3A_338 = tpu.memref_slice %arg4[%add3A_317, %dma_wait3A_337] : memref<58368x128xf32, #tpu.memory_space<hbm>> -> memref<96x128xf32, #tpu.memory_space<hbm>>
    tpu.wait_dma2 semaphore(%arg12 : memref<!tpu.dma_semaphore, #tpu.memory_space<semaphore_mem>>) src(%arg10 : memref<96x128xf32, #tpu.memory_space<vmem>>) dst(%dma_wait3A_338 : memref<96x128xf32, #tpu.memory_space<hbm>>)
    %dma_wait3A_339 = arith.constant 0 : i32
    %dma_wait3A_340 = tpu.memref_slice %arg4[%add3A_326, %dma_wait3A_339] : memref<58368x128xf32, #tpu.memory_space<hbm>> -> memref<96x128xf32, #tpu.memory_space<hbm>>
    %dma_wait3A_341 = arith.constant 0 : i32
    %dma_wait3A_342 = tpu.memref_slice %arg4[%add3A_326, %dma_wait3A_341] : memref<58368x128xf32, #tpu.memory_space<hbm>> -> memref<96x128xf32, #tpu.memory_space<hbm>>
    tpu.wait_dma2 semaphore(%arg12 : memref<!tpu.dma_semaphore, #tpu.memory_space<semaphore_mem>>) src(%arg8 : memref<96x128xf32, #tpu.memory_space<vmem>>) dst(%dma_wait3A_342 : memref<96x128xf32, #tpu.memory_space<hbm>>)
    return
  }
}

#map = affine_map<(d0, d1) -> (0, 0)>
#map1 = affine_map<(d0, d1) -> (0)>
module attributes {stable_mosaic.version = 14 : i64} {
  func.func @gather(%arg0: i32, %arg1: i32, %arg2: memref<40000x128xf32, #tpu.memory_space<hbm>>, %arg3: memref<4096xi32, #tpu.memory_space<hbm>>, %arg4: memref<4096x128xf32, #tpu.memory_space<hbm>>, %arg5: memref<128xi32, #tpu.memory_space<vmem>>, %arg6: memref<128x128xf32, #tpu.memory_space<vmem>>, %arg7: memref<!tpu.dma_semaphore, #tpu.memory_space<semaphore_mem>>, %arg8: memref<!tpu.dma_semaphore, #tpu.memory_space<semaphore_mem>>) attributes {dimension_semantics = [#tpu.dimension_semantics<core_parallel>, #tpu.dimension_semantics<subcore_parallel>], iteration_bounds = array<i64: 2, 16>, scalar_prefetch = 0 : i64, scratch_operands = 4 : i64, tpu.core_type = #tpu.core_type<sc_vector_subcore>, window_params = [{transform_indices = #map}, {transform_indices = #map1}, {transform_indices = #map}]} {
    %mul3A = arith.constant 2 : i32
    %mul3A_0 = arith.muli %arg1, %mul3A : i32
    %add3A = arith.addi %mul3A_0, %arg0 : i32
    %mul3A_1 = arith.constant 128 : i32
    %mul3A_2 = arith.muli %add3A, %mul3A_1 : i32
    %add3A_3 = arith.constant 0 : i32
    %add3A_4 = arith.addi %mul3A_2, %add3A_3 : i32
    "tpu.region"() ({
      %run_scoped3A = tpu.sem_alloc : memref<!tpu.dma_semaphore, #tpu.memory_space<semaphore_mem>>
      %dma_start3A_19 = tpu.memref_slice %arg3[%add3A_4] : memref<4096xi32, #tpu.memory_space<hbm>> -> memref<128xi32, #tpu.memory_space<hbm>>
      %dma_start3A_20 = tpu.memref_slice %arg3[%add3A_4] : memref<4096xi32, #tpu.memory_space<hbm>> -> memref<128xi32, #tpu.memory_space<hbm>>
      tpu.enqueue_dma source(%dma_start3A_20 : memref<128xi32, #tpu.memory_space<hbm>>) target(%arg5 : memref<128xi32, #tpu.memory_space<vmem>>) target_semaphore(%run_scoped3A : memref<!tpu.dma_semaphore, #tpu.memory_space<semaphore_mem>>)
      %dma_wait3A_21 = tpu.memref_slice %arg3[%add3A_4] : memref<4096xi32, #tpu.memory_space<hbm>> -> memref<128xi32, #tpu.memory_space<hbm>>
      %dma_wait3A_22 = tpu.memref_slice %arg3[%add3A_4] : memref<4096xi32, #tpu.memory_space<hbm>> -> memref<128xi32, #tpu.memory_space<hbm>>
      tpu.wait_dma2 semaphore(%run_scoped3A : memref<!tpu.dma_semaphore, #tpu.memory_space<semaphore_mem>>) src(%dma_wait3A_22 : memref<128xi32, #tpu.memory_space<hbm>>) dst(%arg5 : memref<128xi32, #tpu.memory_space<vmem>>)
      tpu.yield
    }) : () -> ()
    %dma_start3A = arith.constant 0 : i32
    %dma_start3A_5 = arith.constant 0 : i32
    %dma_start3A_6 = tpu.memref_slice %arg2[%dma_start3A, %dma_start3A_5] : memref<40000x128xf32, #tpu.memory_space<hbm>> -> memref<40000x128xf32, #tpu.memory_space<hbm>>
    tpu.enqueue_indirect_dma source(%dma_start3A_6 : memref<40000x128xf32, #tpu.memory_space<hbm>>) target(%arg6 : memref<128x128xf32, #tpu.memory_space<vmem>>) offsets(%arg5 : memref<128xi32, #tpu.memory_space<vmem>>) semaphore(%arg7 : memref<!tpu.dma_semaphore, #tpu.memory_space<semaphore_mem>>)
    %dma_wait3A = arith.constant 0 : i32
    %dma_wait3A_7 = arith.constant 0 : i32
    %dma_wait3A_8 = tpu.memref_slice %arg2[%dma_wait3A, %dma_wait3A_7] : memref<40000x128xf32, #tpu.memory_space<hbm>> -> memref<40000x128xf32, #tpu.memory_space<hbm>>
    tpu.wait_indirect_dma semaphore(%arg7 : memref<!tpu.dma_semaphore, #tpu.memory_space<semaphore_mem>>) src(%dma_wait3A_8 : memref<40000x128xf32, #tpu.memory_space<hbm>>) dst(%arg6 : memref<128x128xf32, #tpu.memory_space<vmem>>)
    %add3A_9 = arith.constant 0 : i32
    %add3A_10 = arith.addi %mul3A_2, %add3A_9 : i32
    %dma_start3A_11 = arith.constant 0 : i32
    %dma_start3A_12 = tpu.memref_slice %arg4[%add3A_10, %dma_start3A_11] : memref<4096x128xf32, #tpu.memory_space<hbm>> -> memref<128x128xf32, #tpu.memory_space<hbm>>
    %dma_start3A_13 = arith.constant 0 : i32
    %dma_start3A_14 = tpu.memref_slice %arg4[%add3A_10, %dma_start3A_13] : memref<4096x128xf32, #tpu.memory_space<hbm>> -> memref<128x128xf32, #tpu.memory_space<hbm>>
    tpu.enqueue_dma source(%arg6 : memref<128x128xf32, #tpu.memory_space<vmem>>) target(%dma_start3A_14 : memref<128x128xf32, #tpu.memory_space<hbm>>) target_semaphore(%arg8 : memref<!tpu.dma_semaphore, #tpu.memory_space<semaphore_mem>>)
    %dma_wait3A_15 = arith.constant 0 : i32
    %dma_wait3A_16 = tpu.memref_slice %arg4[%add3A_10, %dma_wait3A_15] : memref<4096x128xf32, #tpu.memory_space<hbm>> -> memref<128x128xf32, #tpu.memory_space<hbm>>
    %dma_wait3A_17 = arith.constant 0 : i32
    %dma_wait3A_18 = tpu.memref_slice %arg4[%add3A_10, %dma_wait3A_17] : memref<4096x128xf32, #tpu.memory_space<hbm>> -> memref<128x128xf32, #tpu.memory_space<hbm>>
    tpu.wait_dma2 semaphore(%arg8 : memref<!tpu.dma_semaphore, #tpu.memory_space<semaphore_mem>>) src(%arg6 : memref<128x128xf32, #tpu.memory_space<vmem>>) dst(%dma_wait3A_18 : memref<128x128xf32, #tpu.memory_space<hbm>>)
    return
  }
}

module attributes {stable_mosaic.version = 14 : i64} {
  func.func @_passA_body(%arg0: i32, %arg1: memref<1024x4xi32, #tpu.memory_space<vmem>>, %arg2: memref<1024x128xf32, #tpu.memory_space<vmem>>, %arg3: memref<512x128xf32, #tpu.memory_space<vmem>>, %arg4: memref<128x128xf32, #tpu.memory_space<vmem>>, %arg5: memref<1x128xf32, #tpu.memory_space<vmem>>, %arg6: memref<128x128xf32, #tpu.memory_space<vmem>>, %arg7: memref<1x128xf32, #tpu.memory_space<vmem>>, %arg8: memref<2x1024x128xf32, #tpu.memory_space<vmem>>, %arg9: memref<1024x128xf32, #tpu.memory_space<vmem>>) attributes {dimension_semantics = [#tpu.dimension_semantics<arbitrary>], iteration_bounds = array<i64: 20>, scalar_prefetch = 0 : i64, scratch_operands = 0 : i64, tpu.core_type = #tpu.core_type<tc>, window_params = [{transform_indices = @transform_0, window_bounds = array<i64: 1024, 4>}, {transform_indices = @transform_1, window_bounds = array<i64: 1024, 128>}, {pipeline_mode = #tpu.pipeline_mode<synchronous>, transform_indices = @transform_2, window_bounds = array<i64: 512, 128>}, {pipeline_mode = #tpu.pipeline_mode<synchronous>, transform_indices = @transform_3, window_bounds = array<i64: 128, 128>}, {pipeline_mode = #tpu.pipeline_mode<synchronous>, transform_indices = @transform_4, window_bounds = array<i64: 1, 128>}, {pipeline_mode = #tpu.pipeline_mode<synchronous>, transform_indices = @transform_5, window_bounds = array<i64: 128, 128>}, {pipeline_mode = #tpu.pipeline_mode<synchronous>, transform_indices = @transform_6, window_bounds = array<i64: 1, 128>}, {transform_indices = @transform_7, window_bounds = array<i64: 2, 1024, 128>}, {transform_indices = @transform_8, window_bounds = array<i64: 1024, 128>}]} {
    %get3A = arith.constant 0 : index
    %get3A_0 = arith.constant 0 : index
    %get3A_1 = vector.load %arg1[%get3A, %get3A_0] : memref<1024x4xi32, #tpu.memory_space<vmem>>, vector<1024x4xi32>
    %iota3A = tpu.iota {dimensions = array<i32: 1>} : vector<1024x512xi32>
    %broadcast_in_dim3A = arith.constant 0.000000e+00 : bf16
    %broadcast_in_dim3A_2 = vector.broadcast %broadcast_in_dim3A : bf16 to vector<1024x512xbf16>
    %slice3A = vector.extract_strided_slice %get3A_1 {offsets = [0, 0], sizes = [1024, 1], strides = [1, 1]} : vector<1024x4xi32> to vector<1024x1xi32>
    %eq3A = vector.broadcast %slice3A : vector<1024x1xi32> to vector<1024x512xi32>
    %eq3A_3 = arith.cmpi eq, %eq3A, %iota3A : vector<1024x512xi32>
    %convert_element_type3A = arith.extui %eq3A_3 : vector<1024x512xi1> to vector<1024x512xi32>
    %convert_element_type3A_4 = arith.sitofp %convert_element_type3A : vector<1024x512xi32> to vector<1024x512xf32>
    %convert_element_type3A_5 = arith.truncf %convert_element_type3A_4 : vector<1024x512xf32> to vector<1024x512xbf16>
    %add3A = arith.addf %broadcast_in_dim3A_2, %convert_element_type3A_5 : vector<1024x512xbf16>
    %slice3A_6 = vector.extract_strided_slice %get3A_1 {offsets = [0, 1], sizes = [1024, 1], strides = [1, 1]} : vector<1024x4xi32> to vector<1024x1xi32>
    %eq3A_7 = vector.broadcast %slice3A_6 : vector<1024x1xi32> to vector<1024x512xi32>
    %eq3A_8 = arith.cmpi eq, %eq3A_7, %iota3A : vector<1024x512xi32>
    %convert_element_type3A_9 = arith.extui %eq3A_8 : vector<1024x512xi1> to vector<1024x512xi32>
    %convert_element_type3A_10 = arith.sitofp %convert_element_type3A_9 : vector<1024x512xi32> to vector<1024x512xf32>
    %convert_element_type3A_11 = arith.truncf %convert_element_type3A_10 : vector<1024x512xf32> to vector<1024x512xbf16>
    %add3A_12 = arith.addf %add3A, %convert_element_type3A_11 : vector<1024x512xbf16>
    %slice3A_13 = vector.extract_strided_slice %get3A_1 {offsets = [0, 2], sizes = [1024, 1], strides = [1, 1]} : vector<1024x4xi32> to vector<1024x1xi32>
    %eq3A_14 = vector.broadcast %slice3A_13 : vector<1024x1xi32> to vector<1024x512xi32>
    %eq3A_15 = arith.cmpi eq, %eq3A_14, %iota3A : vector<1024x512xi32>
    %convert_element_type3A_16 = arith.extui %eq3A_15 : vector<1024x512xi1> to vector<1024x512xi32>
    %convert_element_type3A_17 = arith.sitofp %convert_element_type3A_16 : vector<1024x512xi32> to vector<1024x512xf32>
    %convert_element_type3A_18 = arith.truncf %convert_element_type3A_17 : vector<1024x512xf32> to vector<1024x512xbf16>
    %add3A_19 = arith.addf %add3A_12, %convert_element_type3A_18 : vector<1024x512xbf16>
    %slice3A_20 = vector.extract_strided_slice %get3A_1 {offsets = [0, 3], sizes = [1024, 1], strides = [1, 1]} : vector<1024x4xi32> to vector<1024x1xi32>
    %eq3A_21 = vector.broadcast %slice3A_20 : vector<1024x1xi32> to vector<1024x512xi32>
    %eq3A_22 = arith.cmpi eq, %eq3A_21, %iota3A : vector<1024x512xi32>
    %convert_element_type3A_23 = arith.extui %eq3A_22 : vector<1024x512xi1> to vector<1024x512xi32>
    %convert_element_type3A_24 = arith.sitofp %convert_element_type3A_23 : vector<1024x512xi32> to vector<1024x512xf32>
    %convert_element_type3A_25 = arith.truncf %convert_element_type3A_24 : vector<1024x512xf32> to vector<1024x512xbf16>
    %add3A_26 = arith.addf %add3A_19, %convert_element_type3A_25 : vector<1024x512xbf16>
    %get3A_27 = arith.constant 0 : index
    %get3A_28 = arith.constant 0 : index
    %get3A_29 = vector.load %arg3[%get3A_27, %get3A_28] : memref<512x128xf32, #tpu.memory_space<vmem>>, vector<512x128xf32>
    %convert_element_type3A_30 = arith.truncf %get3A_29 : vector<512x128xf32> to vector<512x128xbf16>
    %dot_general3A = arith.constant dense<0.000000e+00> : vector<1024x128xf32>
    %dot_general3A_31 = tpu.matmul %add3A_26, %convert_element_type3A_30, %dot_general3A {dimension_numbers = #tpu.dot_dimension_numbers<[1], [0], [0], [1], [0, 0, 1, 1], [], []>, transpose_lhs_hint = false} : vector<1024x512xbf16>, vector<512x128xbf16>, vector<1024x128xf32> -> vector<1024x128xf32>
    %mul3A = arith.constant 2.500000e-01 : f32
    %mul3A_32 = vector.broadcast %mul3A : f32 to vector<1024x128xf32>
    %mul3A_33 = arith.mulf %dot_general3A_31, %mul3A_32 : vector<1024x128xf32>
    %get3A_34 = arith.constant 0 : index
    %get3A_35 = arith.constant 0 : index
    %get3A_36 = vector.load %arg2[%get3A_34, %get3A_35] : memref<1024x128xf32, #tpu.memory_space<vmem>>, vector<1024x128xf32>
    %add3A_37 = arith.addf %get3A_36, %mul3A_33 : vector<1024x128xf32>
    %get3A_38 = arith.constant 0 : index
    %get3A_39 = arith.constant 0 : index
    %get3A_40 = vector.load %arg2[%get3A_38, %get3A_39] : memref<1024x128xf32, #tpu.memory_space<vmem>>, vector<1024x128xf32>
    %swap3A = arith.constant 0 : index
    %swap3A_41 = arith.constant 0 : index
    %swap3A_42 = arith.constant 0 : index
    %swap3A_43 = vector.load %arg8[%swap3A, %swap3A_41, %swap3A_42] : memref<2x1024x128xf32, #tpu.memory_space<vmem>>, vector<1x1024x128xf32>
    %swap3A_44 = vector.shape_cast %swap3A_43 : vector<1x1024x128xf32> to vector<1024x128xf32>
    %swap3A_45 = vector.shape_cast %get3A_40 : vector<1024x128xf32> to vector<1x1024x128xf32>
    tpu.vector_store %arg8[%swap3A, %swap3A_41, %swap3A_42], %swap3A_45 {strides = array<i32>} : memref<2x1024x128xf32, #tpu.memory_space<vmem>>, vector<1x1024x128xf32>,
    %get3A_46 = arith.constant 0 : index
    %get3A_47 = arith.constant 0 : index
    %get3A_48 = vector.load %arg4[%get3A_46, %get3A_47] : memref<128x128xf32, #tpu.memory_space<vmem>>, vector<128x128xf32>
    %dot_general3A_49 = arith.constant dense<0.000000e+00> : vector<1024x128xf32>
    %dot_general3A_50 = tpu.matmul %add3A_37, %get3A_48, %dot_general3A_49 {dimension_numbers = #tpu.dot_dimension_numbers<[1], [0], [0], [1], [0, 0, 1, 1], [], []>, transpose_lhs_hint = false} : vector<1024x128xf32>, vector<128x128xf32>, vector<1024x128xf32> -> vector<1024x128xf32>
    %get3A_51 = arith.constant 0 : index
    %get3A_52 = arith.constant 0 : index
    %get3A_53 = vector.load %arg5[%get3A_51, %get3A_52] : memref<1x128xf32, #tpu.memory_space<vmem>>, vector<1x128xf32>
    %add3A_54 = vector.broadcast %get3A_53 : vector<1x128xf32> to vector<1024x128xf32>
    %add3A_55 = arith.addf %dot_general3A_50, %add3A_54 : vector<1024x128xf32>
    %tanh3A = math.tanh %add3A_55 : vector<1024x128xf32>
    %swap3A_56 = arith.constant 1 : index
    %swap3A_57 = arith.constant 0 : index
    %swap3A_58 = arith.constant 0 : index
    %swap3A_59 = vector.load %arg8[%swap3A_56, %swap3A_57, %swap3A_58] : memref<2x1024x128xf32, #tpu.memory_space<vmem>>, vector<1x1024x128xf32>
    %swap3A_60 = vector.shape_cast %swap3A_59 : vector<1x1024x128xf32> to vector<1024x128xf32>
    %swap3A_61 = vector.shape_cast %tanh3A : vector<1024x128xf32> to vector<1x1024x128xf32>
    tpu.vector_store %arg8[%swap3A_56, %swap3A_57, %swap3A_58], %swap3A_61 {strides = array<i32>} : memref<2x1024x128xf32, #tpu.memory_space<vmem>>, vector<1x1024x128xf32>,
    %get3A_62 = arith.constant 0 : index
    %get3A_63 = arith.constant 0 : index
    %get3A_64 = vector.load %arg6[%get3A_62, %get3A_63] : memref<128x128xf32, #tpu.memory_space<vmem>>, vector<128x128xf32>
    %dot_general3A_65 = arith.constant dense<0.000000e+00> : vector<1024x128xf32>
    %dot_general3A_66 = tpu.matmul %add3A_37, %get3A_64, %dot_general3A_65 {dimension_numbers = #tpu.dot_dimension_numbers<[1], [0], [0], [1], [0, 0, 1, 1], [], []>, transpose_lhs_hint = false} : vector<1024x128xf32>, vector<128x128xf32>, vector<1024x128xf32> -> vector<1024x128xf32>
    %get3A_67 = arith.constant 0 : index
    %get3A_68 = arith.constant 0 : index
    %get3A_69 = vector.load %arg7[%get3A_67, %get3A_68] : memref<1x128xf32, #tpu.memory_space<vmem>>, vector<1x128xf32>
    %add3A_70 = vector.broadcast %get3A_69 : vector<1x128xf32> to vector<1024x128xf32>
    %add3A_71 = arith.addf %dot_general3A_66, %add3A_70 : vector<1024x128xf32>
    %tanh3A_72 = math.tanh %add3A_71 : vector<1024x128xf32>
    %swap3A_73 = arith.constant 0 : index
    %swap3A_74 = arith.constant 0 : index
    %swap3A_75 = vector.load %arg9[%swap3A_73, %swap3A_74] : memref<1024x128xf32, #tpu.memory_space<vmem>>, vector<1024x128xf32>
    tpu.vector_store %arg9[%swap3A_73, %swap3A_74], %tanh3A_72 {strides = array<i32>} : memref<1024x128xf32, #tpu.memory_space<vmem>>, vector<1024x128xf32>,
    return
  }
  func.func @transform_0(%arg0: i32) -> (i32, i32) {
    %c0_i32 = arith.constant 0 : i32
    %c0_i32_0 = arith.constant 0 : i32
    return %arg0, %c0_i32 : i32, i32
  }
  func.func @transform_1(%arg0: i32) -> (i32, i32) {
    %c0_i32 = arith.constant 0 : i32
    %c0_i32_0 = arith.constant 0 : i32
    return %arg0, %c0_i32 : i32, i32
  }
  func.func @transform_2(%arg0: i32) -> (i32, i32) {
    %c0_i32 = arith.constant 0 : i32
    %c0_i32_0 = arith.constant 0 : i32
    %c0_i32_1 = arith.constant 0 : i32
    return %c0_i32, %c0_i32_0 : i32, i32
  }
  func.func @transform_3(%arg0: i32) -> (i32, i32) {
    %c0_i32 = arith.constant 0 : i32
    %c0_i32_0 = arith.constant 0 : i32
    %c0_i32_1 = arith.constant 0 : i32
    return %c0_i32, %c0_i32_0 : i32, i32
  }
  func.func @transform_4(%arg0: i32) -> (i32, i32) {
    %c0_i32 = arith.constant 0 : i32
    %c0_i32_0 = arith.constant 0 : i32
    %c0_i32_1 = arith.constant 0 : i32
    return %c0_i32, %c0_i32_0 : i32, i32
  }
  func.func @transform_5(%arg0: i32) -> (i32, i32) {
    %c0_i32 = arith.constant 0 : i32
    %c0_i32_0 = arith.constant 0 : i32
    %c0_i32_1 = arith.constant 0 : i32
    return %c0_i32, %c0_i32_0 : i32, i32
  }
  func.func @transform_6(%arg0: i32) -> (i32, i32) {
    %c0_i32 = arith.constant 0 : i32
    %c0_i32_0 = arith.constant 0 : i32
    %c0_i32_1 = arith.constant 0 : i32
    return %c0_i32, %c0_i32_0 : i32, i32
  }
  func.func @transform_7(%arg0: i32) -> (i32, i32, i32) {
    %c0_i32 = arith.constant 0 : i32
    %c0_i32_0 = arith.constant 0 : i32
    %c0_i32_1 = arith.constant 0 : i32
    return %c0_i32, %arg0, %c0_i32_0 : i32, i32, i32
  }
  func.func @transform_8(%arg0: i32) -> (i32, i32) {
    %c0_i32 = arith.constant 0 : i32
    %c0_i32_0 = arith.constant 0 : i32
    return %arg0, %c0_i32 : i32, i32
  }
}

module attributes {stable_mosaic.version = 14 : i64} {
  func.func @_passB_body(%arg0: memref<512x128xf32, #tpu.memory_space<vmem>>, %arg1: memref<8x512x128xf32, #tpu.memory_space<vmem>>, %arg2: memref<128x128xf32, #tpu.memory_space<vmem>>, %arg3: memref<1x128xf32, #tpu.memory_space<vmem>>, %arg4: memref<512x128xf32, #tpu.memory_space<vmem>>, %arg5: memref<512x128xf32, #tpu.memory_space<vmem>>) attributes {dimension_semantics = [], scalar_prefetch = 0 : i64, scratch_operands = 0 : i64, tpu.core_type = #tpu.core_type<tc>} {
    %get3A = arith.constant 0 : index
    %get3A_0 = arith.constant 0 : index
    %get3A_1 = arith.constant 0 : index
    %get3A_2 = vector.load %arg1[%get3A, %get3A_0, %get3A_1] : memref<8x512x128xf32, #tpu.memory_space<vmem>>, vector<8x512x128xf32>
    %slice3A = vector.extract_strided_slice %get3A_2 {offsets = [0, 0, 0], sizes = [1, 512, 128], strides = [1, 1, 1]} : vector<8x512x128xf32> to vector<1x512x128xf32>
    %squeeze3A = vector.shape_cast %slice3A : vector<1x512x128xf32> to vector<512x128xf32>
    %slice3A_3 = vector.extract_strided_slice %get3A_2 {offsets = [1, 0, 0], sizes = [1, 512, 128], strides = [1, 1, 1]} : vector<8x512x128xf32> to vector<1x512x128xf32>
    %squeeze3A_4 = vector.shape_cast %slice3A_3 : vector<1x512x128xf32> to vector<512x128xf32>
    %add3A = arith.addf %squeeze3A, %squeeze3A_4 : vector<512x128xf32>
    %slice3A_5 = vector.extract_strided_slice %get3A_2 {offsets = [2, 0, 0], sizes = [1, 512, 128], strides = [1, 1, 1]} : vector<8x512x128xf32> to vector<1x512x128xf32>
    %squeeze3A_6 = vector.shape_cast %slice3A_5 : vector<1x512x128xf32> to vector<512x128xf32>
    %add3A_7 = arith.addf %add3A, %squeeze3A_6 : vector<512x128xf32>
    %slice3A_8 = vector.extract_strided_slice %get3A_2 {offsets = [3, 0, 0], sizes = [1, 512, 128], strides = [1, 1, 1]} : vector<8x512x128xf32> to vector<1x512x128xf32>
    %squeeze3A_9 = vector.shape_cast %slice3A_8 : vector<1x512x128xf32> to vector<512x128xf32>
    %add3A_10 = arith.addf %add3A_7, %squeeze3A_9 : vector<512x128xf32>
    %mul3A = arith.constant 2.500000e-01 : f32
    %mul3A_11 = vector.broadcast %mul3A : f32 to vector<512x128xf32>
    %mul3A_12 = arith.mulf %add3A_10, %mul3A_11 : vector<512x128xf32>
    %get3A_13 = arith.constant 0 : index
    %get3A_14 = arith.constant 0 : index
    %get3A_15 = vector.load %arg0[%get3A_13, %get3A_14] : memref<512x128xf32, #tpu.memory_space<vmem>>, vector<512x128xf32>
    %add3A_16 = arith.addf %get3A_15, %mul3A_12 : vector<512x128xf32>
    %get3A_17 = arith.constant 0 : index
    %get3A_18 = arith.constant 0 : index
    %get3A_19 = vector.load %arg2[%get3A_17, %get3A_18] : memref<128x128xf32, #tpu.memory_space<vmem>>, vector<128x128xf32>
    %dot_general3A = arith.constant dense<0.000000e+00> : vector<512x128xf32>
    %dot_general3A_20 = tpu.matmul %add3A_16, %get3A_19, %dot_general3A {dimension_numbers = #tpu.dot_dimension_numbers<[1], [0], [0], [1], [0, 0, 1, 1], [], []>, transpose_lhs_hint = false} : vector<512x128xf32>, vector<128x128xf32>, vector<512x128xf32> -> vector<512x128xf32>
    %get3A_21 = arith.constant 0 : index
    %get3A_22 = arith.constant 0 : index
    %get3A_23 = vector.load %arg3[%get3A_21, %get3A_22] : memref<1x128xf32, #tpu.memory_space<vmem>>, vector<1x128xf32>
    %add3A_24 = vector.broadcast %get3A_23 : vector<1x128xf32> to vector<512x128xf32>
    %add3A_25 = arith.addf %dot_general3A_20, %add3A_24 : vector<512x128xf32>
    %tanh3A = math.tanh %add3A_25 : vector<512x128xf32>
    %slice3A_26 = vector.extract_strided_slice %get3A_2 {offsets = [4, 0, 0], sizes = [1, 512, 128], strides = [1, 1, 1]} : vector<8x512x128xf32> to vector<1x512x128xf32>
    %squeeze3A_27 = vector.shape_cast %slice3A_26 : vector<1x512x128xf32> to vector<512x128xf32>
    %slice3A_28 = vector.extract_strided_slice %get3A_2 {offsets = [5, 0, 0], sizes = [1, 512, 128], strides = [1, 1, 1]} : vector<8x512x128xf32> to vector<1x512x128xf32>
    %squeeze3A_29 = vector.shape_cast %slice3A_28 : vector<1x512x128xf32> to vector<512x128xf32>
    %add3A_30 = arith.addf %squeeze3A_27, %squeeze3A_29 : vector<512x128xf32>
    %slice3A_31 = vector.extract_strided_slice %get3A_2 {offsets = [6, 0, 0], sizes = [1, 512, 128], strides = [1, 1, 1]} : vector<8x512x128xf32> to vector<1x512x128xf32>
    %squeeze3A_32 = vector.shape_cast %slice3A_31 : vector<1x512x128xf32> to vector<512x128xf32>
    %add3A_33 = arith.addf %add3A_30, %squeeze3A_32 : vector<512x128xf32>
    %slice3A_34 = vector.extract_strided_slice %get3A_2 {offsets = [7, 0, 0], sizes = [1, 512, 128], strides = [1, 1, 1]} : vector<8x512x128xf32> to vector<1x512x128xf32>
    %squeeze3A_35 = vector.shape_cast %slice3A_34 : vector<1x512x128xf32> to vector<512x128xf32>
    %add3A_36 = arith.addf %add3A_33, %squeeze3A_35 : vector<512x128xf32>
    %mul3A_37 = arith.constant 2.500000e-01 : f32
    %mul3A_38 = vector.broadcast %mul3A_37 : f32 to vector<512x128xf32>
    %mul3A_39 = arith.mulf %add3A_36, %mul3A_38 : vector<512x128xf32>
    %add3A_40 = arith.addf %tanh3A, %mul3A_39 : vector<512x128xf32>
    %get3A_41 = arith.constant 0 : index
    %get3A_42 = arith.constant 0 : index
    %get3A_43 = vector.load %arg2[%get3A_41, %get3A_42] : memref<128x128xf32, #tpu.memory_space<vmem>>, vector<128x128xf32>
    %dot_general3A_44 = arith.constant dense<0.000000e+00> : vector<512x128xf32>
    %dot_general3A_45 = tpu.matmul %add3A_40, %get3A_43, %dot_general3A_44 {dimension_numbers = #tpu.dot_dimension_numbers<[1], [0], [0], [1], [0, 0, 1, 1], [], []>, transpose_lhs_hint = false} : vector<512x128xf32>, vector<128x128xf32>, vector<512x128xf32> -> vector<512x128xf32>
    %get3A_46 = arith.constant 0 : index
    %get3A_47 = arith.constant 0 : index
    %get3A_48 = vector.load %arg3[%get3A_46, %get3A_47] : memref<1x128xf32, #tpu.memory_space<vmem>>, vector<1x128xf32>
    %add3A_49 = vector.broadcast %get3A_48 : vector<1x128xf32> to vector<512x128xf32>
    %add3A_50 = arith.addf %dot_general3A_45, %add3A_49 : vector<512x128xf32>
    %tanh3A_51 = math.tanh %add3A_50 : vector<512x128xf32>
    %swap3A = arith.constant 0 : index
    %swap3A_52 = arith.constant 0 : index
    %swap3A_53 = vector.load %arg4[%swap3A, %swap3A_52] : memref<512x128xf32, #tpu.memory_space<vmem>>, vector<512x128xf32>
    tpu.vector_store %arg4[%swap3A, %swap3A_52], %tanh3A {strides = array<i32>} : memref<512x128xf32, #tpu.memory_space<vmem>>, vector<512x128xf32>,
    %swap3A_54 = arith.constant 0 : index
    %swap3A_55 = arith.constant 0 : index
    %swap3A_56 = vector.load %arg5[%swap3A_54, %swap3A_55] : memref<512x128xf32, #tpu.memory_space<vmem>>, vector<512x128xf32>
    tpu.vector_store %arg5[%swap3A_54, %swap3A_55], %tanh3A_51 {strides = array<i32>} : memref<512x128xf32, #tpu.memory_space<vmem>>, vector<512x128xf32>,
    return
  }
}

module attributes {stable_mosaic.version = 14 : i64} {
  func.func @_passC_body(%arg0: i32, %arg1: memref<1024x4xi32, #tpu.memory_space<vmem>>, %arg2: memref<1024x128xf32, #tpu.memory_space<vmem>>, %arg3: memref<1024x128xf32, #tpu.memory_space<vmem>>, %arg4: memref<1024x500xf32, #tpu.memory_space<vmem>>, %arg5: memref<512x128xf32, #tpu.memory_space<vmem>>, %arg6: memref<512x128xf32, #tpu.memory_space<vmem>>, %arg7: memref<500x128xf32, #tpu.memory_space<vmem>>, %arg8: memref<128x128xf32, #tpu.memory_space<vmem>>, %arg9: memref<1x128xf32, #tpu.memory_space<vmem>>, %arg10: memref<128x128xf32, #tpu.memory_space<vmem>>, %arg11: memref<1x128xf32, #tpu.memory_space<vmem>>, %arg12: memref<128x128xf32, #tpu.memory_space<vmem>>, %arg13: memref<1x128xf32, #tpu.memory_space<vmem>>, %arg14: memref<4x1024x128xf32, #tpu.memory_space<vmem>>) attributes {dimension_semantics = [#tpu.dimension_semantics<arbitrary>], iteration_bounds = array<i64: 20>, scalar_prefetch = 0 : i64, scratch_operands = 0 : i64, tpu.core_type = #tpu.core_type<tc>, window_params = [{transform_indices = @transform_0, window_bounds = array<i64: 1024, 4>}, {transform_indices = @transform_1, window_bounds = array<i64: 1024, 128>}, {transform_indices = @transform_2, window_bounds = array<i64: 1024, 128>}, {transform_indices = @transform_3, window_bounds = array<i64: 1024, 500>}, {pipeline_mode = #tpu.pipeline_mode<synchronous>, transform_indices = @transform_4, window_bounds = array<i64: 512, 128>}, {pipeline_mode = #tpu.pipeline_mode<synchronous>, transform_indices = @transform_5, window_bounds = array<i64: 512, 128>}, {pipeline_mode = #tpu.pipeline_mode<synchronous>, transform_indices = @transform_6, window_bounds = array<i64: 500, 128>}, {pipeline_mode = #tpu.pipeline_mode<synchronous>, transform_indices = @transform_7, window_bounds = array<i64: 128, 128>}, {pipeline_mode = #tpu.pipeline_mode<synchronous>, transform_indices = @transform_8, window_bounds = array<i64: 1, 128>}, {pipeline_mode = #tpu.pipeline_mode<synchronous>, transform_indices = @transform_9, window_bounds = array<i64: 128, 128>}, {pipeline_mode = #tpu.pipeline_mode<synchronous>, transform_indices = @transform_10, window_bounds = array<i64: 1, 128>}, {pipeline_mode = #tpu.pipeline_mode<synchronous>, transform_indices = @transform_11, window_bounds = array<i64: 128, 128>}, {pipeline_mode = #tpu.pipeline_mode<synchronous>, transform_indices = @transform_12, window_bounds = array<i64: 1, 128>}, {transform_indices = @transform_13, window_bounds = array<i64: 4, 1024, 128>}]} {
    %get3A = arith.constant 0 : index
    %get3A_0 = arith.constant 0 : index
    %get3A_1 = vector.load %arg1[%get3A, %get3A_0] : memref<1024x4xi32, #tpu.memory_space<vmem>>, vector<1024x4xi32>
    %iota3A = tpu.iota {dimensions = array<i32: 1>} : vector<1024x512xi32>
    %broadcast_in_dim3A = arith.constant 0.000000e+00 : bf16
    %broadcast_in_dim3A_2 = vector.broadcast %broadcast_in_dim3A : bf16 to vector<1024x512xbf16>
    %slice3A = vector.extract_strided_slice %get3A_1 {offsets = [0, 0], sizes = [1024, 1], strides = [1, 1]} : vector<1024x4xi32> to vector<1024x1xi32>
    %eq3A = vector.broadcast %slice3A : vector<1024x1xi32> to vector<1024x512xi32>
    %eq3A_3 = arith.cmpi eq, %eq3A, %iota3A : vector<1024x512xi32>
    %convert_element_type3A = arith.extui %eq3A_3 : vector<1024x512xi1> to vector<1024x512xi32>
    %convert_element_type3A_4 = arith.sitofp %convert_element_type3A : vector<1024x512xi32> to vector<1024x512xf32>
    %convert_element_type3A_5 = arith.truncf %convert_element_type3A_4 : vector<1024x512xf32> to vector<1024x512xbf16>
    %add3A = arith.addf %broadcast_in_dim3A_2, %convert_element_type3A_5 : vector<1024x512xbf16>
    %slice3A_6 = vector.extract_strided_slice %get3A_1 {offsets = [0, 1], sizes = [1024, 1], strides = [1, 1]} : vector<1024x4xi32> to vector<1024x1xi32>
    %eq3A_7 = vector.broadcast %slice3A_6 : vector<1024x1xi32> to vector<1024x512xi32>
    %eq3A_8 = arith.cmpi eq, %eq3A_7, %iota3A : vector<1024x512xi32>
    %convert_element_type3A_9 = arith.extui %eq3A_8 : vector<1024x512xi1> to vector<1024x512xi32>
    %convert_element_type3A_10 = arith.sitofp %convert_element_type3A_9 : vector<1024x512xi32> to vector<1024x512xf32>
    %convert_element_type3A_11 = arith.truncf %convert_element_type3A_10 : vector<1024x512xf32> to vector<1024x512xbf16>
    %add3A_12 = arith.addf %add3A, %convert_element_type3A_11 : vector<1024x512xbf16>
    %slice3A_13 = vector.extract_strided_slice %get3A_1 {offsets = [0, 2], sizes = [1024, 1], strides = [1, 1]} : vector<1024x4xi32> to vector<1024x1xi32>
    %eq3A_14 = vector.broadcast %slice3A_13 : vector<1024x1xi32> to vector<1024x512xi32>
    %eq3A_15 = arith.cmpi eq, %eq3A_14, %iota3A : vector<1024x512xi32>
    %convert_element_type3A_16 = arith.extui %eq3A_15 : vector<1024x512xi1> to vector<1024x512xi32>
    %convert_element_type3A_17 = arith.sitofp %convert_element_type3A_16 : vector<1024x512xi32> to vector<1024x512xf32>
    %convert_element_type3A_18 = arith.truncf %convert_element_type3A_17 : vector<1024x512xf32> to vector<1024x512xbf16>
    %add3A_19 = arith.addf %add3A_12, %convert_element_type3A_18 : vector<1024x512xbf16>
    %slice3A_20 = vector.extract_strided_slice %get3A_1 {offsets = [0, 3], sizes = [1024, 1], strides = [1, 1]} : vector<1024x4xi32> to vector<1024x1xi32>
    %eq3A_21 = vector.broadcast %slice3A_20 : vector<1024x1xi32> to vector<1024x512xi32>
    %eq3A_22 = arith.cmpi eq, %eq3A_21, %iota3A : vector<1024x512xi32>
    %convert_element_type3A_23 = arith.extui %eq3A_22 : vector<1024x512xi1> to vector<1024x512xi32>
    %convert_element_type3A_24 = arith.sitofp %convert_element_type3A_23 : vector<1024x512xi32> to vector<1024x512xf32>
    %convert_element_type3A_25 = arith.truncf %convert_element_type3A_24 : vector<1024x512xf32> to vector<1024x512xbf16>
    %add3A_26 = arith.addf %add3A_19, %convert_element_type3A_25 : vector<1024x512xbf16>
    %get3A_27 = arith.constant 0 : index
    %get3A_28 = arith.constant 0 : index
    %get3A_29 = vector.load %arg5[%get3A_27, %get3A_28] : memref<512x128xf32, #tpu.memory_space<vmem>>, vector<512x128xf32>
    %convert_element_type3A_30 = arith.truncf %get3A_29 : vector<512x128xf32> to vector<512x128xbf16>
    %dot_general3A = arith.constant dense<0.000000e+00> : vector<1024x128xf32>
    %dot_general3A_31 = tpu.matmul %add3A_26, %convert_element_type3A_30, %dot_general3A {dimension_numbers = #tpu.dot_dimension_numbers<[1], [0], [0], [1], [0, 0, 1, 1], [], []>, transpose_lhs_hint = false} : vector<1024x512xbf16>, vector<512x128xbf16>, vector<1024x128xf32> -> vector<1024x128xf32>
    %mul3A = arith.constant 2.500000e-01 : f32
    %mul3A_32 = vector.broadcast %mul3A : f32 to vector<1024x128xf32>
    %mul3A_33 = arith.mulf %dot_general3A_31, %mul3A_32 : vector<1024x128xf32>
    %get3A_34 = arith.constant 0 : index
    %get3A_35 = arith.constant 0 : index
    %get3A_36 = vector.load %arg3[%get3A_34, %get3A_35] : memref<1024x128xf32, #tpu.memory_space<vmem>>, vector<1024x128xf32>
    %add3A_37 = arith.addf %get3A_36, %mul3A_33 : vector<1024x128xf32>
    %get3A_38 = arith.constant 0 : index
    %get3A_39 = arith.constant 0 : index
    %get3A_40 = vector.load %arg8[%get3A_38, %get3A_39] : memref<128x128xf32, #tpu.memory_space<vmem>>, vector<128x128xf32>
    %dot_general3A_41 = arith.constant dense<0.000000e+00> : vector<1024x128xf32>
    %dot_general3A_42 = tpu.matmul %add3A_37, %get3A_40, %dot_general3A_41 {dimension_numbers = #tpu.dot_dimension_numbers<[1], [0], [0], [1], [0, 0, 1, 1], [], []>, transpose_lhs_hint = false} : vector<1024x128xf32>, vector<128x128xf32>, vector<1024x128xf32> -> vector<1024x128xf32>
    %get3A_43 = arith.constant 0 : index
    %get3A_44 = arith.constant 0 : index
    %get3A_45 = vector.load %arg9[%get3A_43, %get3A_44] : memref<1x128xf32, #tpu.memory_space<vmem>>, vector<1x128xf32>
    %add3A_46 = vector.broadcast %get3A_45 : vector<1x128xf32> to vector<1024x128xf32>
    %add3A_47 = arith.addf %dot_general3A_42, %add3A_46 : vector<1024x128xf32>
    %tanh3A = math.tanh %add3A_47 : vector<1024x128xf32>
    %get3A_48 = arith.constant 0 : index
    %get3A_49 = arith.constant 0 : index
    %get3A_50 = vector.load %arg6[%get3A_48, %get3A_49] : memref<512x128xf32, #tpu.memory_space<vmem>>, vector<512x128xf32>
    %convert_element_type3A_51 = arith.truncf %get3A_50 : vector<512x128xf32> to vector<512x128xbf16>
    %dot_general3A_52 = arith.constant dense<0.000000e+00> : vector<1024x128xf32>
    %dot_general3A_53 = tpu.matmul %add3A_26, %convert_element_type3A_51, %dot_general3A_52 {dimension_numbers = #tpu.dot_dimension_numbers<[1], [0], [0], [1], [0, 0, 1, 1], [], []>, transpose_lhs_hint = false} : vector<1024x512xbf16>, vector<512x128xbf16>, vector<1024x128xf32> -> vector<1024x128xf32>
    %mul3A_54 = arith.constant 2.500000e-01 : f32
    %mul3A_55 = vector.broadcast %mul3A_54 : f32 to vector<1024x128xf32>
    %mul3A_56 = arith.mulf %dot_general3A_53, %mul3A_55 : vector<1024x128xf32>
    %add3A_57 = arith.addf %tanh3A, %mul3A_56 : vector<1024x128xf32>
    %get3A_58 = arith.constant 0 : index
    %get3A_59 = arith.constant 0 : index
    %get3A_60 = vector.load %arg8[%get3A_58, %get3A_59] : memref<128x128xf32, #tpu.memory_space<vmem>>, vector<128x128xf32>
    %dot_general3A_61 = arith.constant dense<0.000000e+00> : vector<1024x128xf32>
    %dot_general3A_62 = tpu.matmul %add3A_57, %get3A_60, %dot_general3A_61 {dimension_numbers = #tpu.dot_dimension_numbers<[1], [0], [0], [1], [0, 0, 1, 1], [], []>, transpose_lhs_hint = false} : vector<1024x128xf32>, vector<128x128xf32>, vector<1024x128xf32> -> vector<1024x128xf32>
    %get3A_63 = arith.constant 0 : index
    %get3A_64 = arith.constant 0 : index
    %get3A_65 = vector.load %arg9[%get3A_63, %get3A_64] : memref<1x128xf32, #tpu.memory_space<vmem>>, vector<1x128xf32>
    %add3A_66 = vector.broadcast %get3A_65 : vector<1x128xf32> to vector<1024x128xf32>
    %add3A_67 = arith.addf %dot_general3A_62, %add3A_66 : vector<1024x128xf32>
    %tanh3A_68 = math.tanh %add3A_67 : vector<1024x128xf32>
    %get3A_69 = arith.constant 0 : index
    %get3A_70 = arith.constant 0 : index
    %get3A_71 = vector.load %arg10[%get3A_69, %get3A_70] : memref<128x128xf32, #tpu.memory_space<vmem>>, vector<128x128xf32>
    %dot_general3A_72 = arith.constant dense<0.000000e+00> : vector<1024x128xf32>
    %dot_general3A_73 = tpu.matmul %tanh3A_68, %get3A_71, %dot_general3A_72 {dimension_numbers = #tpu.dot_dimension_numbers<[1], [0], [0], [1], [0, 0, 1, 1], [], []>, transpose_lhs_hint = false} : vector<1024x128xf32>, vector<128x128xf32>, vector<1024x128xf32> -> vector<1024x128xf32>
    %get3A_74 = arith.constant 0 : index
    %get3A_75 = arith.constant 0 : index
    %get3A_76 = vector.load %arg11[%get3A_74, %get3A_75] : memref<1x128xf32, #tpu.memory_space<vmem>>, vector<1x128xf32>
    %add3A_77 = vector.broadcast %get3A_76 : vector<1x128xf32> to vector<1024x128xf32>
    %add3A_78 = arith.addf %dot_general3A_73, %add3A_77 : vector<1024x128xf32>
    %tanh3A_79 = math.tanh %add3A_78 : vector<1024x128xf32>
    %get3A_80 = arith.constant 0 : index
    %get3A_81 = arith.constant 0 : index
    %get3A_82 = vector.load %arg2[%get3A_80, %get3A_81] : memref<1024x128xf32, #tpu.memory_space<vmem>>, vector<1024x128xf32>
    %get3A_83 = arith.constant 0 : index
    %get3A_84 = arith.constant 0 : index
    %get3A_85 = vector.load %arg12[%get3A_83, %get3A_84] : memref<128x128xf32, #tpu.memory_space<vmem>>, vector<128x128xf32>
    %dot_general3A_86 = arith.constant dense<0.000000e+00> : vector<1024x128xf32>
    %dot_general3A_87 = tpu.matmul %get3A_82, %get3A_85, %dot_general3A_86 {dimension_numbers = #tpu.dot_dimension_numbers<[1], [0], [0], [1], [0, 0, 1, 1], [], []>, transpose_lhs_hint = false} : vector<1024x128xf32>, vector<128x128xf32>, vector<1024x128xf32> -> vector<1024x128xf32>
    %get3A_88 = arith.constant 0 : index
    %get3A_89 = arith.constant 0 : index
    %get3A_90 = vector.load %arg13[%get3A_88, %get3A_89] : memref<1x128xf32, #tpu.memory_space<vmem>>, vector<1x128xf32>
    %add3A_91 = vector.broadcast %get3A_90 : vector<1x128xf32> to vector<1024x128xf32>
    %add3A_92 = arith.addf %dot_general3A_87, %add3A_91 : vector<1024x128xf32>
    %max3A = arith.constant 0.000000e+00 : f32
    %max3A_93 = vector.broadcast %max3A : f32 to vector<1024x128xf32>
    %max3A_94 = arith.maximumf %add3A_92, %max3A_93 : vector<1024x128xf32>
    %get3A_95 = arith.constant 0 : index
    %get3A_96 = arith.constant 0 : index
    %get3A_97 = vector.load %arg12[%get3A_95, %get3A_96] : memref<128x128xf32, #tpu.memory_space<vmem>>, vector<128x128xf32>
    %dot_general3A_98 = arith.constant dense<0.000000e+00> : vector<1024x128xf32>
    %dot_general3A_99 = tpu.matmul %tanh3A_79, %get3A_97, %dot_general3A_98 {dimension_numbers = #tpu.dot_dimension_numbers<[1], [0], [0], [1], [0, 0, 1, 1], [], []>, transpose_lhs_hint = false} : vector<1024x128xf32>, vector<128x128xf32>, vector<1024x128xf32> -> vector<1024x128xf32>
    %get3A_100 = arith.constant 0 : index
    %get3A_101 = arith.constant 0 : index
    %get3A_102 = vector.load %arg13[%get3A_100, %get3A_101] : memref<1x128xf32, #tpu.memory_space<vmem>>, vector<1x128xf32>
    %add3A_103 = vector.broadcast %get3A_102 : vector<1x128xf32> to vector<1024x128xf32>
    %add3A_104 = arith.addf %dot_general3A_99, %add3A_103 : vector<1024x128xf32>
    %max3A_105 = arith.constant 0.000000e+00 : f32
    %max3A_106 = vector.broadcast %max3A_105 : f32 to vector<1024x128xf32>
    %max3A_107 = arith.maximumf %add3A_104, %max3A_106 : vector<1024x128xf32>
    %get3A_108 = arith.constant 0 : index
    %get3A_109 = arith.constant 0 : index
    %get3A_110 = vector.load %arg4[%get3A_108, %get3A_109] : memref<1024x500xf32, #tpu.memory_space<vmem>>, vector<1024x500xf32>
    %convert_element_type3A_111 = arith.truncf %get3A_110 : vector<1024x500xf32> to vector<1024x500xbf16>
    %get3A_112 = arith.constant 0 : index
    %get3A_113 = arith.constant 0 : index
    %get3A_114 = vector.load %arg7[%get3A_112, %get3A_113] : memref<500x128xf32, #tpu.memory_space<vmem>>, vector<500x128xf32>
    %convert_element_type3A_115 = arith.truncf %get3A_114 : vector<500x128xf32> to vector<500x128xbf16>
    %dot_general3A_116 = arith.constant dense<0.000000e+00> : vector<1024x128xf32>
    %dot_general3A_117 = tpu.matmul %convert_element_type3A_111, %convert_element_type3A_115, %dot_general3A_116 {dimension_numbers = #tpu.dot_dimension_numbers<[1], [0], [0], [1], [0, 0, 1, 1], [], []>, transpose_lhs_hint = false} : vector<1024x500xbf16>, vector<500x128xbf16>, vector<1024x128xf32> -> vector<1024x128xf32>
    %reduce_sum3A = arith.constant dense<0.000000e+00> : vector<1024xf32>
    %reduce_sum3A_118 = vector.multi_reduction <add>, %get3A_110, %reduce_sum3A [1] : vector<1024x500xf32> to vector<1024xf32>
    %broadcast_in_dim3A_119 = vector.shape_cast %reduce_sum3A_118 : vector<1024xf32> to vector<1024x1xf32>
    %swap3A = arith.constant 0 : index
    %swap3A_120 = arith.constant 0 : index
    %swap3A_121 = arith.constant 0 : index
    %swap3A_122 = vector.load %arg14[%swap3A, %swap3A_120, %swap3A_121] : memref<4x1024x128xf32, #tpu.memory_space<vmem>>, vector<1x1024x128xf32>
    %swap3A_123 = vector.shape_cast %swap3A_122 : vector<1x1024x128xf32> to vector<1024x128xf32>
    %swap3A_124 = vector.shape_cast %max3A_94 : vector<1024x128xf32> to vector<1x1024x128xf32>
    tpu.vector_store %arg14[%swap3A, %swap3A_120, %swap3A_121], %swap3A_124 {strides = array<i32>} : memref<4x1024x128xf32, #tpu.memory_space<vmem>>, vector<1x1024x128xf32>,
    %swap3A_125 = arith.constant 1 : index
    %swap3A_126 = arith.constant 0 : index
    %swap3A_127 = arith.constant 0 : index
    %swap3A_128 = vector.load %arg14[%swap3A_125, %swap3A_126, %swap3A_127] : memref<4x1024x128xf32, #tpu.memory_space<vmem>>, vector<1x1024x128xf32>
    %swap3A_129 = vector.shape_cast %swap3A_128 : vector<1x1024x128xf32> to vector<1024x128xf32>
    %swap3A_130 = vector.shape_cast %max3A_107 : vector<1024x128xf32> to vector<1x1024x128xf32>
    tpu.vector_store %arg14[%swap3A_125, %swap3A_126, %swap3A_127], %swap3A_130 {strides = array<i32>} : memref<4x1024x128xf32, #tpu.memory_space<vmem>>, vector<1x1024x128xf32>,
    %get3A_131 = arith.constant 0 : index
    %get3A_132 = arith.constant 0 : index
    %get3A_133 = vector.load %arg2[%get3A_131, %get3A_132] : memref<1024x128xf32, #tpu.memory_space<vmem>>, vector<1024x128xf32>
    %swap3A_134 = arith.constant 2 : index
    %swap3A_135 = arith.constant 0 : index
    %swap3A_136 = arith.constant 0 : index
    %swap3A_137 = vector.load %arg14[%swap3A_134, %swap3A_135, %swap3A_136] : memref<4x1024x128xf32, #tpu.memory_space<vmem>>, vector<1x1024x128xf32>
    %swap3A_138 = vector.shape_cast %swap3A_137 : vector<1x1024x128xf32> to vector<1024x128xf32>
    %swap3A_139 = vector.shape_cast %get3A_133 : vector<1024x128xf32> to vector<1x1024x128xf32>
    tpu.vector_store %arg14[%swap3A_134, %swap3A_135, %swap3A_136], %swap3A_139 {strides = array<i32>} : memref<4x1024x128xf32, #tpu.memory_space<vmem>>, vector<1x1024x128xf32>,
    %max3A_140 = arith.constant 1.000000e+00 : f32
    %max3A_141 = vector.broadcast %max3A_140 : f32 to vector<1024x1xf32>
    %max3A_142 = arith.maximumf %broadcast_in_dim3A_119, %max3A_141 : vector<1024x1xf32>
    %div3A = vector.broadcast %max3A_142 : vector<1024x1xf32> to vector<1024x128xf32>
    %div3A_143 = arith.divf %dot_general3A_117, %div3A : vector<1024x128xf32>
    %swap3A_144 = arith.constant 3 : index
    %swap3A_145 = arith.constant 0 : index
    %swap3A_146 = arith.constant 0 : index
    %swap3A_147 = vector.load %arg14[%swap3A_144, %swap3A_145, %swap3A_146] : memref<4x1024x128xf32, #tpu.memory_space<vmem>>, vector<1x1024x128xf32>
    %swap3A_148 = vector.shape_cast %swap3A_147 : vector<1x1024x128xf32> to vector<1024x128xf32>
    %swap3A_149 = vector.shape_cast %div3A_143 : vector<1024x128xf32> to vector<1x1024x128xf32>
    tpu.vector_store %arg14[%swap3A_144, %swap3A_145, %swap3A_146], %swap3A_149 {strides = array<i32>} : memref<4x1024x128xf32, #tpu.memory_space<vmem>>, vector<1x1024x128xf32>,
    return
  }
  func.func @transform_0(%arg0: i32) -> (i32, i32) {
    %c0_i32 = arith.constant 0 : i32
    %c0_i32_0 = arith.constant 0 : i32
    return %arg0, %c0_i32 : i32, i32
  }
  func.func @transform_1(%arg0: i32) -> (i32, i32) {
    %c0_i32 = arith.constant 0 : i32
    %c0_i32_0 = arith.constant 0 : i32
    return %arg0, %c0_i32 : i32, i32
  }
  func.func @transform_2(%arg0: i32) -> (i32, i32) {
    %c0_i32 = arith.constant 0 : i32
    %c0_i32_0 = arith.constant 0 : i32
    return %arg0, %c0_i32 : i32, i32
  }
  func.func @transform_3(%arg0: i32) -> (i32, i32) {
    %c0_i32 = arith.constant 0 : i32
    %c0_i32_0 = arith.constant 0 : i32
    return %arg0, %c0_i32 : i32, i32
  }
  func.func @transform_4(%arg0: i32) -> (i32, i32) {
    %c0_i32 = arith.constant 0 : i32
    %c0_i32_0 = arith.constant 0 : i32
    %c0_i32_1 = arith.constant 0 : i32
    return %c0_i32, %c0_i32_0 : i32, i32
  }
  func.func @transform_5(%arg0: i32) -> (i32, i32) {
    %c0_i32 = arith.constant 0 : i32
    %c0_i32_0 = arith.constant 0 : i32
    %c0_i32_1 = arith.constant 0 : i32
    return %c0_i32, %c0_i32_0 : i32, i32
  }
  func.func @transform_6(%arg0: i32) -> (i32, i32) {
    %c0_i32 = arith.constant 0 : i32
    %c0_i32_0 = arith.constant 0 : i32
    %c0_i32_1 = arith.constant 0 : i32
    return %c0_i32, %c0_i32_0 : i32, i32
  }
  func.func @transform_7(%arg0: i32) -> (i32, i32) {
    %c0_i32 = arith.constant 0 : i32
    %c0_i32_0 = arith.constant 0 : i32
    %c0_i32_1 = arith.constant 0 : i32
    return %c0_i32, %c0_i32_0 : i32, i32
  }
  func.func @transform_8(%arg0: i32) -> (i32, i32) {
    %c0_i32 = arith.constant 0 : i32
    %c0_i32_0 = arith.constant 0 : i32
    %c0_i32_1 = arith.constant 0 : i32
    return %c0_i32, %c0_i32_0 : i32, i32
  }
  func.func @transform_9(%arg0: i32) -> (i32, i32) {
    %c0_i32 = arith.constant 0 : i32
    %c0_i32_0 = arith.constant 0 : i32
    %c0_i32_1 = arith.constant 0 : i32
    return %c0_i32, %c0_i32_0 : i32, i32
  }
  func.func @transform_10(%arg0: i32) -> (i32, i32) {
    %c0_i32 = arith.constant 0 : i32
    %c0_i32_0 = arith.constant 0 : i32
    %c0_i32_1 = arith.constant 0 : i32
    return %c0_i32, %c0_i32_0 : i32, i32
  }
  func.func @transform_11(%arg0: i32) -> (i32, i32) {
    %c0_i32 = arith.constant 0 : i32
    %c0_i32_0 = arith.constant 0 : i32
    %c0_i32_1 = arith.constant 0 : i32
    return %c0_i32, %c0_i32_0 : i32, i32
  }
  func.func @transform_12(%arg0: i32) -> (i32, i32) {
    %c0_i32 = arith.constant 0 : i32
    %c0_i32_0 = arith.constant 0 : i32
    %c0_i32_1 = arith.constant 0 : i32
    return %c0_i32, %c0_i32_0 : i32, i32
  }
  func.func @transform_13(%arg0: i32) -> (i32, i32, i32) {
    %c0_i32 = arith.constant 0 : i32
    %c0_i32_0 = arith.constant 0 : i32
    %c0_i32_1 = arith.constant 0 : i32
    return %c0_i32, %arg0, %c0_i32_0 : i32, i32, i32
  }
}

module attributes {stable_mosaic.version = 14 : i64} {
  func.func @_passR_body(%arg0: i32, %arg1: memref<1x1x1024x128xf32, #tpu.memory_space<vmem>>, %arg2: memref<1x1x1024x128xf32, #tpu.memory_space<vmem>>, %arg3: memref<1x1x1024x128xf32, #tpu.memory_space<vmem>>, %arg4: memref<1x1x1024xf32, #tpu.memory_space<vmem>>, %arg5: memref<512x128xf32, #tpu.memory_space<vmem>>, %arg6: memref<512x128xf32, #tpu.memory_space<vmem>>, %arg7: memref<512x128xf32, #tpu.memory_space<vmem>>, %arg8: memref<512x1xf32, #tpu.memory_space<vmem>>, %arg9: memref<128x128xf32, #tpu.memory_space<vmem>>, %arg10: memref<128x1xf32, #tpu.memory_space<vmem>>, %arg11: memref<128x128xf32, #tpu.memory_space<vmem>>, %arg12: memref<128x1xf32, #tpu.memory_space<vmem>>, %arg13: memref<128x1xf32, #tpu.memory_space<vmem>>, %arg14: memref<128x1xf32, #tpu.memory_space<vmem>>, %arg15: memref<2x128xf32, #tpu.memory_space<vmem>>, %arg16: memref<128x1024xf32, #tpu.memory_space<vmem>>, %arg17: memref<128x1024xf32, #tpu.memory_space<vmem>>, %arg18: memref<1x1x1024xf32, #tpu.memory_space<vmem>>, %arg19: memref<128x1024xf32, #tpu.memory_space<vmem>>, %arg20: memref<128x1024xf32, #tpu.memory_space<vmem>>, %arg21: memref<10x128x1024xf32, #tpu.memory_space<vmem>>, %arg22: memref<10x1x1024xf32, #tpu.memory_space<vmem>>) attributes {dimension_semantics = [#tpu.dimension_semantics<arbitrary>], iteration_bounds = array<i64: 19>, scalar_prefetch = 0 : i64, scratch_operands = 4 : i64, tpu.core_type = #tpu.core_type<tc>, window_params = [{transform_indices = @transform_0, window_bounds = array<i64: 1, 1, 1024, 128>}, {transform_indices = @transform_1, window_bounds = array<i64: 1, 1, 1024, 128>}, {transform_indices = @transform_2, window_bounds = array<i64: 1, 1, 1024, 128>}, {transform_indices = @transform_3, window_bounds = array<i64: 1, 1, 1024>}, {pipeline_mode = #tpu.pipeline_mode<synchronous>, transform_indices = @transform_4, window_bounds = array<i64: 512, 128>}, {pipeline_mode = #tpu.pipeline_mode<synchronous>, transform_indices = @transform_5, window_bounds = array<i64: 512, 128>}, {pipeline_mode = #tpu.pipeline_mode<synchronous>, transform_indices = @transform_6, window_bounds = array<i64: 512, 128>}, {pipeline_mode = #tpu.pipeline_mode<synchronous>, transform_indices = @transform_7, window_bounds = array<i64: 512, 1>}, {pipeline_mode = #tpu.pipeline_mode<synchronous>, transform_indices = @transform_8, window_bounds = array<i64: 128, 128>}, {pipeline_mode = #tpu.pipeline_mode<synchronous>, transform_indices = @transform_9, window_bounds = array<i64: 128, 1>}, {pipeline_mode = #tpu.pipeline_mode<synchronous>, transform_indices = @transform_10, window_bounds = array<i64: 128, 128>}, {pipeline_mode = #tpu.pipeline_mode<synchronous>, transform_indices = @transform_11, window_bounds = array<i64: 128, 1>}, {pipeline_mode = #tpu.pipeline_mode<synchronous>, transform_indices = @transform_12, window_bounds = array<i64: 128, 1>}, {pipeline_mode = #tpu.pipeline_mode<synchronous>, transform_indices = @transform_13, window_bounds = array<i64: 128, 1>}, {pipeline_mode = #tpu.pipeline_mode<synchronous>, transform_indices = @transform_14, window_bounds = array<i64: 2, 128>}, {pipeline_mode = #tpu.pipeline_mode<synchronous>, transform_indices = @transform_15, window_bounds = array<i64: 128, 1024>}, {pipeline_mode = #tpu.pipeline_mode<synchronous>, transform_indices = @transform_16, window_bounds = array<i64: 128, 1024>}, {transform_indices = @transform_17, window_bounds = array<i64: 1, 1, 1024>}]} {
    %eq3A = arith.constant 0 : i32
    %eq3A_0 = arith.cmpi eq, %arg0, %eq3A : i32
    %convert_element_type3A = arith.extui %eq3A_0 : i1 to i32
    %cond3A = arith.constant 0 : i32
    %cond3A_1 = arith.cmpi ne, %convert_element_type3A, %cond3A : i32
    scf.if %cond3A_1 {
      %get3A_772 = arith.constant 0 : index
      %get3A_773 = arith.constant 0 : index
      %get3A_774 = vector.load %arg16[%get3A_772, %get3A_773] : memref<128x1024xf32, #tpu.memory_space<vmem>>, vector<128x1024xf32>
      %swap3A_775 = arith.constant 0 : index
      %swap3A_776 = arith.constant 0 : index
      %swap3A_777 = vector.load %arg19[%swap3A_775, %swap3A_776] : memref<128x1024xf32, #tpu.memory_space<vmem>>, vector<128x1024xf32>
      tpu.vector_store %arg19[%swap3A_775, %swap3A_776], %get3A_774 {strides = array<i32>} : memref<128x1024xf32, #tpu.memory_space<vmem>>, vector<128x1024xf32>,
      %get3A_778 = arith.constant 0 : index
      %get3A_779 = arith.constant 0 : index
      %get3A_780 = vector.load %arg17[%get3A_778, %get3A_779] : memref<128x1024xf32, #tpu.memory_space<vmem>>, vector<128x1024xf32>
      %swap3A_781 = arith.constant 0 : index
      %swap3A_782 = arith.constant 0 : index
      %swap3A_783 = vector.load %arg20[%swap3A_781, %swap3A_782] : memref<128x1024xf32, #tpu.memory_space<vmem>>, vector<128x1024xf32>
      tpu.vector_store %arg20[%swap3A_781, %swap3A_782], %get3A_780 {strides = array<i32>} : memref<128x1024xf32, #tpu.memory_space<vmem>>, vector<128x1024xf32>,
    } else {
    }
    %get3A = arith.constant 0 : index
    %get3A_2 = arith.constant 0 : index
    %get3A_3 = vector.load %arg6[%get3A, %get3A_2] : memref<512x128xf32, #tpu.memory_space<vmem>>, vector<512x128xf32>
    %get3A_4 = arith.constant 0 : index
    %get3A_5 = arith.constant 0 : index
    %get3A_6 = vector.load %arg15[%get3A_4, %get3A_5] : memref<2x128xf32, #tpu.memory_space<vmem>>, vector<2x128xf32>
    %dot_general3A = arith.constant dense<0.000000e+00> : vector<512x2xf32>
    %dot_general3A_7 = tpu.matmul %get3A_3, %get3A_6, %dot_general3A {dimension_numbers = #tpu.dot_dimension_numbers<[1], [1], [0], [0], [0, 0, 1, 0], [], []>, transpose_lhs_hint = false} : vector<512x128xf32>, vector<2x128xf32>, vector<512x2xf32> -> vector<512x2xf32>
    %get3A_8 = arith.constant 0 : index
    %get3A_9 = arith.constant 0 : index
    %get3A_10 = arith.constant 0 : index
    %get3A_11 = vector.load %arg4[%get3A_8, %get3A_9, %get3A_10] : memref<1x1x1024xf32, #tpu.memory_space<vmem>>, vector<1x1x1024xf32>
    %get3A_12 = vector.shape_cast %get3A_11 : vector<1x1x1024xf32> to vector<1x1024xf32>
    %get3A_13 = arith.constant 0 : index
    %get3A_14 = arith.constant 0 : index
    %get3A_15 = vector.load %arg5[%get3A_13, %get3A_14] : memref<512x128xf32, #tpu.memory_space<vmem>>, vector<512x128xf32>
    %convert_element_type3A_16 = arith.truncf %get3A_15 : vector<512x128xf32> to vector<512x128xbf16>
    %get3A_17 = arith.constant 0 : index
    %get3A_18 = arith.constant 0 : index
    %get3A_19 = arith.constant 0 : index
    %get3A_20 = arith.constant 0 : index
    %get3A_21 = vector.load %arg1[%get3A_17, %get3A_18, %get3A_19, %get3A_20] : memref<1x1x1024x128xf32, #tpu.memory_space<vmem>>, vector<1x1x1024x128xf32>
    %get3A_22 = vector.shape_cast %get3A_21 : vector<1x1x1024x128xf32> to vector<1024x128xf32>
    %convert_element_type3A_23 = arith.truncf %get3A_22 : vector<1024x128xf32> to vector<1024x128xbf16>
    %dot_general3A_24 = arith.constant dense<0.000000e+00> : vector<512x1024xf32>
    %dot_general3A_25 = tpu.matmul %convert_element_type3A_16, %convert_element_type3A_23, %dot_general3A_24 {dimension_numbers = #tpu.dot_dimension_numbers<[1], [1], [0], [0], [0, 0, 1, 0], [], []>, transpose_lhs_hint = false} : vector<512x128xbf16>, vector<1024x128xbf16>, vector<512x1024xf32> -> vector<512x1024xf32>
    %get3A_26 = arith.constant 0 : index
    %get3A_27 = arith.constant 0 : index
    %get3A_28 = vector.load %arg7[%get3A_26, %get3A_27] : memref<512x128xf32, #tpu.memory_space<vmem>>, vector<512x128xf32>
    %convert_element_type3A_29 = arith.truncf %get3A_28 : vector<512x128xf32> to vector<512x128xbf16>
    %get3A_30 = arith.constant 0 : index
    %get3A_31 = arith.constant 0 : index
    %get3A_32 = vector.load %arg19[%get3A_30, %get3A_31] : memref<128x1024xf32, #tpu.memory_space<vmem>>, vector<128x1024xf32>
    %convert_element_type3A_33 = arith.truncf %get3A_32 : vector<128x1024xf32> to vector<128x1024xbf16>
    %dot_general3A_34 = arith.constant dense<0.000000e+00> : vector<512x1024xf32>
    %dot_general3A_35 = tpu.matmul %convert_element_type3A_29, %convert_element_type3A_33, %dot_general3A_34 {dimension_numbers = #tpu.dot_dimension_numbers<[1], [0], [0], [1], [0, 0, 1, 1], [], []>, transpose_lhs_hint = false} : vector<512x128xbf16>, vector<128x1024xbf16>, vector<512x1024xf32> -> vector<512x1024xf32>
    %add3A = arith.addf %dot_general3A_25, %dot_general3A_35 : vector<512x1024xf32>
    %get3A_36 = arith.constant 0 : index
    %get3A_37 = arith.constant 0 : index
    %get3A_38 = vector.load %arg8[%get3A_36, %get3A_37] : memref<512x1xf32, #tpu.memory_space<vmem>>, vector<512x1xf32>
    %add3A_39 = vector.broadcast %get3A_38 : vector<512x1xf32> to vector<512x1024xf32>
    %add3A_40 = arith.addf %add3A, %add3A_39 : vector<512x1024xf32>
    %slice3A = vector.extract_strided_slice %dot_general3A_7 {offsets = [0, 0], sizes = [512, 1], strides = [1, 1]} : vector<512x2xf32> to vector<512x1xf32>
    %add3A_41 = vector.broadcast %slice3A : vector<512x1xf32> to vector<512x1024xf32>
    %add3A_42 = arith.addf %add3A_40, %add3A_41 : vector<512x1024xf32>
    %slice3A_43 = vector.extract_strided_slice %dot_general3A_7 {offsets = [0, 1], sizes = [512, 1], strides = [1, 1]} : vector<512x2xf32> to vector<512x1xf32>
    %slice3A_44 = vector.extract_strided_slice %dot_general3A_7 {offsets = [0, 0], sizes = [512, 1], strides = [1, 1]} : vector<512x2xf32> to vector<512x1xf32>
    %sub3A = arith.subf %slice3A_43, %slice3A_44 : vector<512x1xf32>
    %mul3A = vector.broadcast %get3A_12 : vector<1x1024xf32> to vector<512x1024xf32>
    %mul3A_45 = vector.broadcast %sub3A : vector<512x1xf32> to vector<512x1024xf32>
    %mul3A_46 = arith.mulf %mul3A, %mul3A_45 : vector<512x1024xf32>
    %add3A_47 = arith.addf %add3A_42, %mul3A_46 : vector<512x1024xf32>
    %slice3A_48 = vector.extract_strided_slice %add3A_47 {offsets = [0, 0], sizes = [128, 1024], strides = [1, 1]} : vector<512x1024xf32> to vector<128x1024xf32>
    %logistic3A = arith.negf %slice3A_48 : vector<128x1024xf32>
    %logistic3A_49 = math.exp %logistic3A : vector<128x1024xf32>
    %logistic3A_50 = arith.constant 1.000000e+00 : f32
    %logistic3A_51 = vector.broadcast %logistic3A_50 : f32 to vector<128x1024xf32>
    %logistic3A_52 = arith.addf %logistic3A_51, %logistic3A_49 : vector<128x1024xf32>
    %logistic3A_53 = arith.divf %logistic3A_51, %logistic3A_52 : vector<128x1024xf32>
    %slice3A_54 = vector.extract_strided_slice %add3A_47 {offsets = [128, 0], sizes = [128, 1024], strides = [1, 1]} : vector<512x1024xf32> to vector<128x1024xf32>
    %logistic3A_55 = arith.negf %slice3A_54 : vector<128x1024xf32>
    %logistic3A_56 = math.exp %logistic3A_55 : vector<128x1024xf32>
    %logistic3A_57 = arith.constant 1.000000e+00 : f32
    %logistic3A_58 = vector.broadcast %logistic3A_57 : f32 to vector<128x1024xf32>
    %logistic3A_59 = arith.addf %logistic3A_58, %logistic3A_56 : vector<128x1024xf32>
    %logistic3A_60 = arith.divf %logistic3A_58, %logistic3A_59 : vector<128x1024xf32>
    %slice3A_61 = vector.extract_strided_slice %add3A_47 {offsets = [256, 0], sizes = [128, 1024], strides = [1, 1]} : vector<512x1024xf32> to vector<128x1024xf32>
    %tanh3A = math.tanh %slice3A_61 : vector<128x1024xf32>
    %slice3A_62 = vector.extract_strided_slice %add3A_47 {offsets = [384, 0], sizes = [128, 1024], strides = [1, 1]} : vector<512x1024xf32> to vector<128x1024xf32>
    %logistic3A_63 = arith.negf %slice3A_62 : vector<128x1024xf32>
    %logistic3A_64 = math.exp %logistic3A_63 : vector<128x1024xf32>
    %logistic3A_65 = arith.constant 1.000000e+00 : f32
    %logistic3A_66 = vector.broadcast %logistic3A_65 : f32 to vector<128x1024xf32>
    %logistic3A_67 = arith.addf %logistic3A_66, %logistic3A_64 : vector<128x1024xf32>
    %logistic3A_68 = arith.divf %logistic3A_66, %logistic3A_67 : vector<128x1024xf32>
    %get3A_69 = arith.constant 0 : index
    %get3A_70 = arith.constant 0 : index
    %get3A_71 = vector.load %arg20[%get3A_69, %get3A_70] : memref<128x1024xf32, #tpu.memory_space<vmem>>, vector<128x1024xf32>
    %mul3A_72 = arith.mulf %logistic3A_60, %get3A_71 : vector<128x1024xf32>
    %mul3A_73 = arith.mulf %logistic3A_53, %tanh3A : vector<128x1024xf32>
    %add3A_74 = arith.addf %mul3A_72, %mul3A_73 : vector<128x1024xf32>
    %tanh3A_75 = math.tanh %add3A_74 : vector<128x1024xf32>
    %mul3A_76 = arith.mulf %logistic3A_68, %tanh3A_75 : vector<128x1024xf32>
    %swap3A = arith.constant 0 : index
    %swap3A_77 = arith.constant 0 : index
    %swap3A_78 = vector.load %arg20[%swap3A, %swap3A_77] : memref<128x1024xf32, #tpu.memory_space<vmem>>, vector<128x1024xf32>
    tpu.vector_store %arg20[%swap3A, %swap3A_77], %add3A_74 {strides = array<i32>} : memref<128x1024xf32, #tpu.memory_space<vmem>>, vector<128x1024xf32>,
    %swap3A_79 = arith.constant 0 : index
    %swap3A_80 = arith.constant 0 : index
    %swap3A_81 = vector.load %arg19[%swap3A_79, %swap3A_80] : memref<128x1024xf32, #tpu.memory_space<vmem>>, vector<128x1024xf32>
    tpu.vector_store %arg19[%swap3A_79, %swap3A_80], %mul3A_76 {strides = array<i32>} : memref<128x1024xf32, #tpu.memory_space<vmem>>, vector<128x1024xf32>,
    %get3A_82 = arith.constant 0 : index
    %get3A_83 = arith.constant 0 : index
    %get3A_84 = vector.load %arg9[%get3A_82, %get3A_83] : memref<128x128xf32, #tpu.memory_space<vmem>>, vector<128x128xf32>
    %convert_element_type3A_85 = arith.truncf %get3A_84 : vector<128x128xf32> to vector<128x128xbf16>
    %convert_element_type3A_86 = arith.truncf %mul3A_76 : vector<128x1024xf32> to vector<128x1024xbf16>
    %dot_general3A_87 = arith.constant dense<0.000000e+00> : vector<128x1024xf32>
    %dot_general3A_88 = tpu.matmul %convert_element_type3A_85, %convert_element_type3A_86, %dot_general3A_87 {dimension_numbers = #tpu.dot_dimension_numbers<[1], [0], [0], [1], [0, 0, 1, 1], [], []>, transpose_lhs_hint = false} : vector<128x128xbf16>, vector<128x1024xbf16>, vector<128x1024xf32> -> vector<128x1024xf32>
    %get3A_89 = arith.constant 0 : index
    %get3A_90 = arith.constant 0 : index
    %get3A_91 = vector.load %arg10[%get3A_89, %get3A_90] : memref<128x1xf32, #tpu.memory_space<vmem>>, vector<128x1xf32>
    %add3A_92 = vector.broadcast %get3A_91 : vector<128x1xf32> to vector<128x1024xf32>
    %add3A_93 = arith.addf %dot_general3A_88, %add3A_92 : vector<128x1024xf32>
    %get3A_94 = arith.constant 0 : index
    %get3A_95 = arith.constant 0 : index
    %get3A_96 = vector.load %arg13[%get3A_94, %get3A_95] : memref<128x1xf32, #tpu.memory_space<vmem>>, vector<128x1xf32>
    %mul3A_97 = vector.broadcast %get3A_96 : vector<128x1xf32> to vector<128x1024xf32>
    %mul3A_98 = arith.mulf %add3A_93, %mul3A_97 : vector<128x1024xf32>
    %reduce_sum3A = arith.constant dense<0.000000e+00> : vector<1024xf32>
    %reduce_sum3A_99 = vector.multi_reduction <add>, %mul3A_98, %reduce_sum3A [0] : vector<128x1024xf32> to vector<1024xf32>
    %broadcast_in_dim3A = vector.shape_cast %reduce_sum3A_99 : vector<1024xf32> to vector<1x1024xf32>
    %rem3A = arith.constant 10 : i32
    %rem3A_100 = arith.remsi %arg0, %rem3A : i32
    %broadcast_in_dim3A_101 = vector.shape_cast %add3A_93 : vector<128x1024xf32> to vector<1x128x1024xf32>
    %swap3A_102 = arith.index_cast %rem3A_100 : i32 to index
    %swap3A_103 = arith.constant 0 : index
    %swap3A_104 = arith.constant 0 : index
    %swap3A_105 = vector.load %arg21[%swap3A_102, %swap3A_103, %swap3A_104] : memref<10x128x1024xf32, #tpu.memory_space<vmem>>, vector<1x128x1024xf32>
    tpu.vector_store %arg21[%swap3A_102, %swap3A_103, %swap3A_104], %broadcast_in_dim3A_101 {strides = array<i32>} : memref<10x128x1024xf32, #tpu.memory_space<vmem>>, vector<1x128x1024xf32>,
    %broadcast_in_dim3A_106 = vector.shape_cast %broadcast_in_dim3A : vector<1x1024xf32> to vector<1x1x1024xf32>
    %swap3A_107 = arith.index_cast %rem3A_100 : i32 to index
    %swap3A_108 = arith.constant 0 : index
    %swap3A_109 = arith.constant 0 : index
    %swap3A_110 = vector.load %arg22[%swap3A_107, %swap3A_108, %swap3A_109] : memref<10x1x1024xf32, #tpu.memory_space<vmem>>, vector<1x1x1024xf32>
    tpu.vector_store %arg22[%swap3A_107, %swap3A_108, %swap3A_109], %broadcast_in_dim3A_106 {strides = array<i32>} : memref<10x1x1024xf32, #tpu.memory_space<vmem>>, vector<1x1x1024xf32>,
    %get3A_111 = arith.constant 0 : index
    %get3A_112 = arith.constant 0 : index
    %get3A_113 = vector.load %arg11[%get3A_111, %get3A_112] : memref<128x128xf32, #tpu.memory_space<vmem>>, vector<128x128xf32>
    %convert_element_type3A_114 = arith.truncf %get3A_113 : vector<128x128xf32> to vector<128x128xbf16>
    %get3A_115 = arith.constant 0 : index
    %get3A_116 = arith.constant 0 : index
    %get3A_117 = arith.constant 0 : index
    %get3A_118 = arith.constant 0 : index
    %get3A_119 = vector.load %arg2[%get3A_115, %get3A_116, %get3A_117, %get3A_118] : memref<1x1x1024x128xf32, #tpu.memory_space<vmem>>, vector<1x1x1024x128xf32>
    %get3A_120 = vector.shape_cast %get3A_119 : vector<1x1x1024x128xf32> to vector<1024x128xf32>
    %convert_element_type3A_121 = arith.truncf %get3A_120 : vector<1024x128xf32> to vector<1024x128xbf16>
    %dot_general3A_122 = arith.constant dense<0.000000e+00> : vector<128x1024xf32>
    %dot_general3A_123 = tpu.matmul %convert_element_type3A_114, %convert_element_type3A_121, %dot_general3A_122 {dimension_numbers = #tpu.dot_dimension_numbers<[1], [1], [0], [0], [0, 0, 1, 0], [], []>, transpose_lhs_hint = false} : vector<128x128xbf16>, vector<1024x128xbf16>, vector<128x1024xf32> -> vector<128x1024xf32>
    %get3A_124 = arith.constant 0 : index
    %get3A_125 = arith.constant 0 : index
    %get3A_126 = vector.load %arg12[%get3A_124, %get3A_125] : memref<128x1xf32, #tpu.memory_space<vmem>>, vector<128x1xf32>
    %add3A_127 = vector.broadcast %get3A_126 : vector<128x1xf32> to vector<128x1024xf32>
    %add3A_128 = arith.addf %dot_general3A_123, %add3A_127 : vector<128x1024xf32>
    %get3A_129 = arith.constant 0 : index
    %get3A_130 = arith.constant 0 : index
    %get3A_131 = arith.constant 0 : index
    %get3A_132 = arith.constant 0 : index
    %get3A_133 = vector.load %arg3[%get3A_129, %get3A_130, %get3A_131, %get3A_132] : memref<1x1x1024x128xf32, #tpu.memory_space<vmem>>, vector<1x1x1024x128xf32>
    %get3A_134 = vector.shape_cast %get3A_133 : vector<1x1x1024x128xf32> to vector<1024x128xf32>
    %convert_element_type3A_135 = arith.truncf %get3A_134 : vector<1024x128xf32> to vector<1024x128xbf16>
    %dot_general3A_136 = arith.constant dense<0.000000e+00> : vector<128x1024xf32>
    %dot_general3A_137 = tpu.matmul %convert_element_type3A_114, %convert_element_type3A_135, %dot_general3A_136 {dimension_numbers = #tpu.dot_dimension_numbers<[1], [1], [0], [0], [0, 0, 1, 0], [], []>, transpose_lhs_hint = false} : vector<128x128xbf16>, vector<1024x128xbf16>, vector<128x1024xf32> -> vector<128x1024xf32>
    %get3A_138 = arith.constant 0 : index
    %get3A_139 = arith.constant 0 : index
    %get3A_140 = vector.load %arg12[%get3A_138, %get3A_139] : memref<128x1xf32, #tpu.memory_space<vmem>>, vector<128x1xf32>
    %add3A_141 = vector.broadcast %get3A_140 : vector<128x1xf32> to vector<128x1024xf32>
    %add3A_142 = arith.addf %dot_general3A_137, %add3A_141 : vector<128x1024xf32>
    %get3A_143 = arith.constant 0 : index
    %get3A_144 = arith.constant 0 : index
    %get3A_145 = vector.load %arg14[%get3A_143, %get3A_144] : memref<128x1xf32, #tpu.memory_space<vmem>>, vector<128x1xf32>
    %mul3A_146 = vector.broadcast %get3A_145 : vector<128x1xf32> to vector<128x1024xf32>
    %mul3A_147 = arith.mulf %add3A_128, %mul3A_146 : vector<128x1024xf32>
    %reduce_sum3A_148 = arith.constant dense<0.000000e+00> : vector<1024xf32>
    %reduce_sum3A_149 = vector.multi_reduction <add>, %mul3A_147, %reduce_sum3A_148 [0] : vector<128x1024xf32> to vector<1024xf32>
    %broadcast_in_dim3A_150 = vector.shape_cast %reduce_sum3A_149 : vector<1024xf32> to vector<1x1024xf32>
    %mul3A_151 = vector.broadcast %get3A_145 : vector<128x1xf32> to vector<128x1024xf32>
    %mul3A_152 = arith.mulf %add3A_142, %mul3A_151 : vector<128x1024xf32>
    %reduce_sum3A_153 = arith.constant dense<0.000000e+00> : vector<1024xf32>
    %reduce_sum3A_154 = vector.multi_reduction <add>, %mul3A_152, %reduce_sum3A_153 [0] : vector<128x1024xf32> to vector<1024xf32>
    %broadcast_in_dim3A_155 = vector.shape_cast %reduce_sum3A_154 : vector<1024xf32> to vector<1x1024xf32>
    %broadcast_in_dim3A_156 = arith.constant -1.000000e+30 : f32
    %broadcast_in_dim3A_157 = vector.broadcast %broadcast_in_dim3A_156 : f32 to vector<1x1024xf32>
    %ge3A = arith.constant 0 : i32
    %ge3A_158 = arith.cmpi sge, %arg0, %ge3A : i32
    %ge3A_159 = arith.constant 10 : i32
    %ge3A_160 = arith.cmpi sge, %arg0, %ge3A_159 : i32
    %or3A = arith.ori %ge3A_158, %ge3A_160 : i1
    %get3A_161 = arith.constant 0 : index
    %get3A_162 = arith.constant 0 : index
    %get3A_163 = arith.constant 0 : index
    %get3A_164 = vector.load %arg21[%get3A_161, %get3A_162, %get3A_163] : memref<10x128x1024xf32, #tpu.memory_space<vmem>>, vector<1x128x1024xf32>
    %get3A_165 = vector.shape_cast %get3A_164 : vector<1x128x1024xf32> to vector<128x1024xf32>
    %get3A_166 = arith.constant 0 : index
    %get3A_167 = arith.constant 0 : index
    %get3A_168 = arith.constant 0 : index
    %get3A_169 = vector.load %arg22[%get3A_166, %get3A_167, %get3A_168] : memref<10x1x1024xf32, #tpu.memory_space<vmem>>, vector<1x1x1024xf32>
    %get3A_170 = vector.shape_cast %get3A_169 : vector<1x1x1024xf32> to vector<1x1024xf32>
    %add3A_171 = arith.addf %get3A_170, %broadcast_in_dim3A_150 : vector<1x1024xf32>
    %jit3A = arith.constant -1.000000e+30 : f32
    %broadcast_in_dim3A_172 = vector.broadcast %jit3A : f32 to vector<1x1024xf32>
    %select_n3A = arith.select %or3A, %add3A_171, %broadcast_in_dim3A_172 : vector<1x1024xf32>
    %mul3A_173 = arith.mulf %get3A_165, %add3A_128 : vector<128x1024xf32>
    %reduce_sum3A_174 = arith.constant dense<0.000000e+00> : vector<1024xf32>
    %reduce_sum3A_175 = vector.multi_reduction <add>, %mul3A_173, %reduce_sum3A_174 [0] : vector<128x1024xf32> to vector<1024xf32>
    %broadcast_in_dim3A_176 = vector.shape_cast %reduce_sum3A_175 : vector<1024xf32> to vector<1x1024xf32>
    %logistic3A_177 = arith.negf %broadcast_in_dim3A_176 : vector<1x1024xf32>
    %logistic3A_178 = math.exp %logistic3A_177 : vector<1x1024xf32>
    %logistic3A_179 = arith.constant 1.000000e+00 : f32
    %logistic3A_180 = vector.broadcast %logistic3A_179 : f32 to vector<1x1024xf32>
    %logistic3A_181 = arith.addf %logistic3A_180, %logistic3A_178 : vector<1x1024xf32>
    %logistic3A_182 = arith.divf %logistic3A_180, %logistic3A_181 : vector<1x1024xf32>
    %jit3A_183 = arith.constant 0.000000e+00 : f32
    %broadcast_in_dim3A_184 = vector.broadcast %jit3A_183 : f32 to vector<1x1024xf32>
    %select_n3A_185 = arith.select %or3A, %logistic3A_182, %broadcast_in_dim3A_184 : vector<1x1024xf32>
    %max3A = arith.maximumf %broadcast_in_dim3A_157, %select_n3A : vector<1x1024xf32>
    %add3A_186 = arith.addf %get3A_170, %broadcast_in_dim3A_155 : vector<1x1024xf32>
    %jit3A_187 = arith.constant -1.000000e+30 : f32
    %broadcast_in_dim3A_188 = vector.broadcast %jit3A_187 : f32 to vector<1x1024xf32>
    %select_n3A_189 = arith.select %or3A, %add3A_186, %broadcast_in_dim3A_188 : vector<1x1024xf32>
    %mul3A_190 = arith.mulf %get3A_165, %add3A_142 : vector<128x1024xf32>
    %reduce_sum3A_191 = arith.constant dense<0.000000e+00> : vector<1024xf32>
    %reduce_sum3A_192 = vector.multi_reduction <add>, %mul3A_190, %reduce_sum3A_191 [0] : vector<128x1024xf32> to vector<1024xf32>
    %broadcast_in_dim3A_193 = vector.shape_cast %reduce_sum3A_192 : vector<1024xf32> to vector<1x1024xf32>
    %logistic3A_194 = arith.negf %broadcast_in_dim3A_193 : vector<1x1024xf32>
    %logistic3A_195 = math.exp %logistic3A_194 : vector<1x1024xf32>
    %logistic3A_196 = arith.constant 1.000000e+00 : f32
    %logistic3A_197 = vector.broadcast %logistic3A_196 : f32 to vector<1x1024xf32>
    %logistic3A_198 = arith.addf %logistic3A_197, %logistic3A_195 : vector<1x1024xf32>
    %logistic3A_199 = arith.divf %logistic3A_197, %logistic3A_198 : vector<1x1024xf32>
    %jit3A_200 = arith.constant 0.000000e+00 : f32
    %broadcast_in_dim3A_201 = vector.broadcast %jit3A_200 : f32 to vector<1x1024xf32>
    %select_n3A_202 = arith.select %or3A, %logistic3A_199, %broadcast_in_dim3A_201 : vector<1x1024xf32>
    %max3A_203 = arith.maximumf %max3A, %select_n3A_189 : vector<1x1024xf32>
    %ge3A_204 = arith.constant 1 : i32
    %ge3A_205 = arith.cmpi sge, %arg0, %ge3A_204 : i32
    %ge3A_206 = arith.constant 10 : i32
    %ge3A_207 = arith.cmpi sge, %arg0, %ge3A_206 : i32
    %or3A_208 = arith.ori %ge3A_205, %ge3A_207 : i1
    %get3A_209 = arith.constant 1 : index
    %get3A_210 = arith.constant 0 : index
    %get3A_211 = arith.constant 0 : index
    %get3A_212 = vector.load %arg21[%get3A_209, %get3A_210, %get3A_211] : memref<10x128x1024xf32, #tpu.memory_space<vmem>>, vector<1x128x1024xf32>
    %get3A_213 = vector.shape_cast %get3A_212 : vector<1x128x1024xf32> to vector<128x1024xf32>
    %get3A_214 = arith.constant 1 : index
    %get3A_215 = arith.constant 0 : index
    %get3A_216 = arith.constant 0 : index
    %get3A_217 = vector.load %arg22[%get3A_214, %get3A_215, %get3A_216] : memref<10x1x1024xf32, #tpu.memory_space<vmem>>, vector<1x1x1024xf32>
    %get3A_218 = vector.shape_cast %get3A_217 : vector<1x1x1024xf32> to vector<1x1024xf32>
    %add3A_219 = arith.addf %get3A_218, %broadcast_in_dim3A_150 : vector<1x1024xf32>
    %jit3A_220 = arith.constant -1.000000e+30 : f32
    %broadcast_in_dim3A_221 = vector.broadcast %jit3A_220 : f32 to vector<1x1024xf32>
    %select_n3A_222 = arith.select %or3A_208, %add3A_219, %broadcast_in_dim3A_221 : vector<1x1024xf32>
    %mul3A_223 = arith.mulf %get3A_213, %add3A_128 : vector<128x1024xf32>
    %reduce_sum3A_224 = arith.constant dense<0.000000e+00> : vector<1024xf32>
    %reduce_sum3A_225 = vector.multi_reduction <add>, %mul3A_223, %reduce_sum3A_224 [0] : vector<128x1024xf32> to vector<1024xf32>
    %broadcast_in_dim3A_226 = vector.shape_cast %reduce_sum3A_225 : vector<1024xf32> to vector<1x1024xf32>
    %logistic3A_227 = arith.negf %broadcast_in_dim3A_226 : vector<1x1024xf32>
    %logistic3A_228 = math.exp %logistic3A_227 : vector<1x1024xf32>
    %logistic3A_229 = arith.constant 1.000000e+00 : f32
    %logistic3A_230 = vector.broadcast %logistic3A_229 : f32 to vector<1x1024xf32>
    %logistic3A_231 = arith.addf %logistic3A_230, %logistic3A_228 : vector<1x1024xf32>
    %logistic3A_232 = arith.divf %logistic3A_230, %logistic3A_231 : vector<1x1024xf32>
    %jit3A_233 = arith.constant 0.000000e+00 : f32
    %broadcast_in_dim3A_234 = vector.broadcast %jit3A_233 : f32 to vector<1x1024xf32>
    %select_n3A_235 = arith.select %or3A_208, %logistic3A_232, %broadcast_in_dim3A_234 : vector<1x1024xf32>
    %max3A_236 = arith.maximumf %max3A_203, %select_n3A_222 : vector<1x1024xf32>
    %add3A_237 = arith.addf %get3A_218, %broadcast_in_dim3A_155 : vector<1x1024xf32>
    %jit3A_238 = arith.constant -1.000000e+30 : f32
    %broadcast_in_dim3A_239 = vector.broadcast %jit3A_238 : f32 to vector<1x1024xf32>
    %select_n3A_240 = arith.select %or3A_208, %add3A_237, %broadcast_in_dim3A_239 : vector<1x1024xf32>
    %mul3A_241 = arith.mulf %get3A_213, %add3A_142 : vector<128x1024xf32>
    %reduce_sum3A_242 = arith.constant dense<0.000000e+00> : vector<1024xf32>
    %reduce_sum3A_243 = vector.multi_reduction <add>, %mul3A_241, %reduce_sum3A_242 [0] : vector<128x1024xf32> to vector<1024xf32>
    %broadcast_in_dim3A_244 = vector.shape_cast %reduce_sum3A_243 : vector<1024xf32> to vector<1x1024xf32>
    %logistic3A_245 = arith.negf %broadcast_in_dim3A_244 : vector<1x1024xf32>
    %logistic3A_246 = math.exp %logistic3A_245 : vector<1x1024xf32>
    %logistic3A_247 = arith.constant 1.000000e+00 : f32
    %logistic3A_248 = vector.broadcast %logistic3A_247 : f32 to vector<1x1024xf32>
    %logistic3A_249 = arith.addf %logistic3A_248, %logistic3A_246 : vector<1x1024xf32>
    %logistic3A_250 = arith.divf %logistic3A_248, %logistic3A_249 : vector<1x1024xf32>
    %jit3A_251 = arith.constant 0.000000e+00 : f32
    %broadcast_in_dim3A_252 = vector.broadcast %jit3A_251 : f32 to vector<1x1024xf32>
    %select_n3A_253 = arith.select %or3A_208, %logistic3A_250, %broadcast_in_dim3A_252 : vector<1x1024xf32>
    %max3A_254 = arith.maximumf %max3A_236, %select_n3A_240 : vector<1x1024xf32>
    %ge3A_255 = arith.constant 2 : i32
    %ge3A_256 = arith.cmpi sge, %arg0, %ge3A_255 : i32
    %ge3A_257 = arith.constant 10 : i32
    %ge3A_258 = arith.cmpi sge, %arg0, %ge3A_257 : i32
    %or3A_259 = arith.ori %ge3A_256, %ge3A_258 : i1
    %get3A_260 = arith.constant 2 : index
    %get3A_261 = arith.constant 0 : index
    %get3A_262 = arith.constant 0 : index
    %get3A_263 = vector.load %arg21[%get3A_260, %get3A_261, %get3A_262] : memref<10x128x1024xf32, #tpu.memory_space<vmem>>, vector<1x128x1024xf32>
    %get3A_264 = vector.shape_cast %get3A_263 : vector<1x128x1024xf32> to vector<128x1024xf32>
    %get3A_265 = arith.constant 2 : index
    %get3A_266 = arith.constant 0 : index
    %get3A_267 = arith.constant 0 : index
    %get3A_268 = vector.load %arg22[%get3A_265, %get3A_266, %get3A_267] : memref<10x1x1024xf32, #tpu.memory_space<vmem>>, vector<1x1x1024xf32>
    %get3A_269 = vector.shape_cast %get3A_268 : vector<1x1x1024xf32> to vector<1x1024xf32>
    %add3A_270 = arith.addf %get3A_269, %broadcast_in_dim3A_150 : vector<1x1024xf32>
    %jit3A_271 = arith.constant -1.000000e+30 : f32
    %broadcast_in_dim3A_272 = vector.broadcast %jit3A_271 : f32 to vector<1x1024xf32>
    %select_n3A_273 = arith.select %or3A_259, %add3A_270, %broadcast_in_dim3A_272 : vector<1x1024xf32>
    %mul3A_274 = arith.mulf %get3A_264, %add3A_128 : vector<128x1024xf32>
    %reduce_sum3A_275 = arith.constant dense<0.000000e+00> : vector<1024xf32>
    %reduce_sum3A_276 = vector.multi_reduction <add>, %mul3A_274, %reduce_sum3A_275 [0] : vector<128x1024xf32> to vector<1024xf32>
    %broadcast_in_dim3A_277 = vector.shape_cast %reduce_sum3A_276 : vector<1024xf32> to vector<1x1024xf32>
    %logistic3A_278 = arith.negf %broadcast_in_dim3A_277 : vector<1x1024xf32>
    %logistic3A_279 = math.exp %logistic3A_278 : vector<1x1024xf32>
    %logistic3A_280 = arith.constant 1.000000e+00 : f32
    %logistic3A_281 = vector.broadcast %logistic3A_280 : f32 to vector<1x1024xf32>
    %logistic3A_282 = arith.addf %logistic3A_281, %logistic3A_279 : vector<1x1024xf32>
    %logistic3A_283 = arith.divf %logistic3A_281, %logistic3A_282 : vector<1x1024xf32>
    %jit3A_284 = arith.constant 0.000000e+00 : f32
    %broadcast_in_dim3A_285 = vector.broadcast %jit3A_284 : f32 to vector<1x1024xf32>
    %select_n3A_286 = arith.select %or3A_259, %logistic3A_283, %broadcast_in_dim3A_285 : vector<1x1024xf32>
    %max3A_287 = arith.maximumf %max3A_254, %select_n3A_273 : vector<1x1024xf32>
    %add3A_288 = arith.addf %get3A_269, %broadcast_in_dim3A_155 : vector<1x1024xf32>
    %jit3A_289 = arith.constant -1.000000e+30 : f32
    %broadcast_in_dim3A_290 = vector.broadcast %jit3A_289 : f32 to vector<1x1024xf32>
    %select_n3A_291 = arith.select %or3A_259, %add3A_288, %broadcast_in_dim3A_290 : vector<1x1024xf32>
    %mul3A_292 = arith.mulf %get3A_264, %add3A_142 : vector<128x1024xf32>
    %reduce_sum3A_293 = arith.constant dense<0.000000e+00> : vector<1024xf32>
    %reduce_sum3A_294 = vector.multi_reduction <add>, %mul3A_292, %reduce_sum3A_293 [0] : vector<128x1024xf32> to vector<1024xf32>
    %broadcast_in_dim3A_295 = vector.shape_cast %reduce_sum3A_294 : vector<1024xf32> to vector<1x1024xf32>
    %logistic3A_296 = arith.negf %broadcast_in_dim3A_295 : vector<1x1024xf32>
    %logistic3A_297 = math.exp %logistic3A_296 : vector<1x1024xf32>
    %logistic3A_298 = arith.constant 1.000000e+00 : f32
    %logistic3A_299 = vector.broadcast %logistic3A_298 : f32 to vector<1x1024xf32>
    %logistic3A_300 = arith.addf %logistic3A_299, %logistic3A_297 : vector<1x1024xf32>
    %logistic3A_301 = arith.divf %logistic3A_299, %logistic3A_300 : vector<1x1024xf32>
    %jit3A_302 = arith.constant 0.000000e+00 : f32
    %broadcast_in_dim3A_303 = vector.broadcast %jit3A_302 : f32 to vector<1x1024xf32>
    %select_n3A_304 = arith.select %or3A_259, %logistic3A_301, %broadcast_in_dim3A_303 : vector<1x1024xf32>
    %max3A_305 = arith.maximumf %max3A_287, %select_n3A_291 : vector<1x1024xf32>
    %ge3A_306 = arith.constant 3 : i32
    %ge3A_307 = arith.cmpi sge, %arg0, %ge3A_306 : i32
    %ge3A_308 = arith.constant 10 : i32
    %ge3A_309 = arith.cmpi sge, %arg0, %ge3A_308 : i32
    %or3A_310 = arith.ori %ge3A_307, %ge3A_309 : i1
    %get3A_311 = arith.constant 3 : index
    %get3A_312 = arith.constant 0 : index
    %get3A_313 = arith.constant 0 : index
    %get3A_314 = vector.load %arg21[%get3A_311, %get3A_312, %get3A_313] : memref<10x128x1024xf32, #tpu.memory_space<vmem>>, vector<1x128x1024xf32>
    %get3A_315 = vector.shape_cast %get3A_314 : vector<1x128x1024xf32> to vector<128x1024xf32>
    %get3A_316 = arith.constant 3 : index
    %get3A_317 = arith.constant 0 : index
    %get3A_318 = arith.constant 0 : index
    %get3A_319 = vector.load %arg22[%get3A_316, %get3A_317, %get3A_318] : memref<10x1x1024xf32, #tpu.memory_space<vmem>>, vector<1x1x1024xf32>
    %get3A_320 = vector.shape_cast %get3A_319 : vector<1x1x1024xf32> to vector<1x1024xf32>
    %add3A_321 = arith.addf %get3A_320, %broadcast_in_dim3A_150 : vector<1x1024xf32>
    %jit3A_322 = arith.constant -1.000000e+30 : f32
    %broadcast_in_dim3A_323 = vector.broadcast %jit3A_322 : f32 to vector<1x1024xf32>
    %select_n3A_324 = arith.select %or3A_310, %add3A_321, %broadcast_in_dim3A_323 : vector<1x1024xf32>
    %mul3A_325 = arith.mulf %get3A_315, %add3A_128 : vector<128x1024xf32>
    %reduce_sum3A_326 = arith.constant dense<0.000000e+00> : vector<1024xf32>
    %reduce_sum3A_327 = vector.multi_reduction <add>, %mul3A_325, %reduce_sum3A_326 [0] : vector<128x1024xf32> to vector<1024xf32>
    %broadcast_in_dim3A_328 = vector.shape_cast %reduce_sum3A_327 : vector<1024xf32> to vector<1x1024xf32>
    %logistic3A_329 = arith.negf %broadcast_in_dim3A_328 : vector<1x1024xf32>
    %logistic3A_330 = math.exp %logistic3A_329 : vector<1x1024xf32>
    %logistic3A_331 = arith.constant 1.000000e+00 : f32
    %logistic3A_332 = vector.broadcast %logistic3A_331 : f32 to vector<1x1024xf32>
    %logistic3A_333 = arith.addf %logistic3A_332, %logistic3A_330 : vector<1x1024xf32>
    %logistic3A_334 = arith.divf %logistic3A_332, %logistic3A_333 : vector<1x1024xf32>
    %jit3A_335 = arith.constant 0.000000e+00 : f32
    %broadcast_in_dim3A_336 = vector.broadcast %jit3A_335 : f32 to vector<1x1024xf32>
    %select_n3A_337 = arith.select %or3A_310, %logistic3A_334, %broadcast_in_dim3A_336 : vector<1x1024xf32>
    %max3A_338 = arith.maximumf %max3A_305, %select_n3A_324 : vector<1x1024xf32>
    %add3A_339 = arith.addf %get3A_320, %broadcast_in_dim3A_155 : vector<1x1024xf32>
    %jit3A_340 = arith.constant -1.000000e+30 : f32
    %broadcast_in_dim3A_341 = vector.broadcast %jit3A_340 : f32 to vector<1x1024xf32>
    %select_n3A_342 = arith.select %or3A_310, %add3A_339, %broadcast_in_dim3A_341 : vector<1x1024xf32>
    %mul3A_343 = arith.mulf %get3A_315, %add3A_142 : vector<128x1024xf32>
    %reduce_sum3A_344 = arith.constant dense<0.000000e+00> : vector<1024xf32>
    %reduce_sum3A_345 = vector.multi_reduction <add>, %mul3A_343, %reduce_sum3A_344 [0] : vector<128x1024xf32> to vector<1024xf32>
    %broadcast_in_dim3A_346 = vector.shape_cast %reduce_sum3A_345 : vector<1024xf32> to vector<1x1024xf32>
    %logistic3A_347 = arith.negf %broadcast_in_dim3A_346 : vector<1x1024xf32>
    %logistic3A_348 = math.exp %logistic3A_347 : vector<1x1024xf32>
    %logistic3A_349 = arith.constant 1.000000e+00 : f32
    %logistic3A_350 = vector.broadcast %logistic3A_349 : f32 to vector<1x1024xf32>
    %logistic3A_351 = arith.addf %logistic3A_350, %logistic3A_348 : vector<1x1024xf32>
    %logistic3A_352 = arith.divf %logistic3A_350, %logistic3A_351 : vector<1x1024xf32>
    %jit3A_353 = arith.constant 0.000000e+00 : f32
    %broadcast_in_dim3A_354 = vector.broadcast %jit3A_353 : f32 to vector<1x1024xf32>
    %select_n3A_355 = arith.select %or3A_310, %logistic3A_352, %broadcast_in_dim3A_354 : vector<1x1024xf32>
    %max3A_356 = arith.maximumf %max3A_338, %select_n3A_342 : vector<1x1024xf32>
    %ge3A_357 = arith.constant 4 : i32
    %ge3A_358 = arith.cmpi sge, %arg0, %ge3A_357 : i32
    %ge3A_359 = arith.constant 10 : i32
    %ge3A_360 = arith.cmpi sge, %arg0, %ge3A_359 : i32
    %or3A_361 = arith.ori %ge3A_358, %ge3A_360 : i1
    %get3A_362 = arith.constant 4 : index
    %get3A_363 = arith.constant 0 : index
    %get3A_364 = arith.constant 0 : index
    %get3A_365 = vector.load %arg21[%get3A_362, %get3A_363, %get3A_364] : memref<10x128x1024xf32, #tpu.memory_space<vmem>>, vector<1x128x1024xf32>
    %get3A_366 = vector.shape_cast %get3A_365 : vector<1x128x1024xf32> to vector<128x1024xf32>
    %get3A_367 = arith.constant 4 : index
    %get3A_368 = arith.constant 0 : index
    %get3A_369 = arith.constant 0 : index
    %get3A_370 = vector.load %arg22[%get3A_367, %get3A_368, %get3A_369] : memref<10x1x1024xf32, #tpu.memory_space<vmem>>, vector<1x1x1024xf32>
    %get3A_371 = vector.shape_cast %get3A_370 : vector<1x1x1024xf32> to vector<1x1024xf32>
    %add3A_372 = arith.addf %get3A_371, %broadcast_in_dim3A_150 : vector<1x1024xf32>
    %jit3A_373 = arith.constant -1.000000e+30 : f32
    %broadcast_in_dim3A_374 = vector.broadcast %jit3A_373 : f32 to vector<1x1024xf32>
    %select_n3A_375 = arith.select %or3A_361, %add3A_372, %broadcast_in_dim3A_374 : vector<1x1024xf32>
    %mul3A_376 = arith.mulf %get3A_366, %add3A_128 : vector<128x1024xf32>
    %reduce_sum3A_377 = arith.constant dense<0.000000e+00> : vector<1024xf32>
    %reduce_sum3A_378 = vector.multi_reduction <add>, %mul3A_376, %reduce_sum3A_377 [0] : vector<128x1024xf32> to vector<1024xf32>
    %broadcast_in_dim3A_379 = vector.shape_cast %reduce_sum3A_378 : vector<1024xf32> to vector<1x1024xf32>
    %logistic3A_380 = arith.negf %broadcast_in_dim3A_379 : vector<1x1024xf32>
    %logistic3A_381 = math.exp %logistic3A_380 : vector<1x1024xf32>
    %logistic3A_382 = arith.constant 1.000000e+00 : f32
    %logistic3A_383 = vector.broadcast %logistic3A_382 : f32 to vector<1x1024xf32>
    %logistic3A_384 = arith.addf %logistic3A_383, %logistic3A_381 : vector<1x1024xf32>
    %logistic3A_385 = arith.divf %logistic3A_383, %logistic3A_384 : vector<1x1024xf32>
    %jit3A_386 = arith.constant 0.000000e+00 : f32
    %broadcast_in_dim3A_387 = vector.broadcast %jit3A_386 : f32 to vector<1x1024xf32>
    %select_n3A_388 = arith.select %or3A_361, %logistic3A_385, %broadcast_in_dim3A_387 : vector<1x1024xf32>
    %max3A_389 = arith.maximumf %max3A_356, %select_n3A_375 : vector<1x1024xf32>
    %add3A_390 = arith.addf %get3A_371, %broadcast_in_dim3A_155 : vector<1x1024xf32>
    %jit3A_391 = arith.constant -1.000000e+30 : f32
    %broadcast_in_dim3A_392 = vector.broadcast %jit3A_391 : f32 to vector<1x1024xf32>
    %select_n3A_393 = arith.select %or3A_361, %add3A_390, %broadcast_in_dim3A_392 : vector<1x1024xf32>
    %mul3A_394 = arith.mulf %get3A_366, %add3A_142 : vector<128x1024xf32>
    %reduce_sum3A_395 = arith.constant dense<0.000000e+00> : vector<1024xf32>
    %reduce_sum3A_396 = vector.multi_reduction <add>, %mul3A_394, %reduce_sum3A_395 [0] : vector<128x1024xf32> to vector<1024xf32>
    %broadcast_in_dim3A_397 = vector.shape_cast %reduce_sum3A_396 : vector<1024xf32> to vector<1x1024xf32>
    %logistic3A_398 = arith.negf %broadcast_in_dim3A_397 : vector<1x1024xf32>
    %logistic3A_399 = math.exp %logistic3A_398 : vector<1x1024xf32>
    %logistic3A_400 = arith.constant 1.000000e+00 : f32
    %logistic3A_401 = vector.broadcast %logistic3A_400 : f32 to vector<1x1024xf32>
    %logistic3A_402 = arith.addf %logistic3A_401, %logistic3A_399 : vector<1x1024xf32>
    %logistic3A_403 = arith.divf %logistic3A_401, %logistic3A_402 : vector<1x1024xf32>
    %jit3A_404 = arith.constant 0.000000e+00 : f32
    %broadcast_in_dim3A_405 = vector.broadcast %jit3A_404 : f32 to vector<1x1024xf32>
    %select_n3A_406 = arith.select %or3A_361, %logistic3A_403, %broadcast_in_dim3A_405 : vector<1x1024xf32>
    %max3A_407 = arith.maximumf %max3A_389, %select_n3A_393 : vector<1x1024xf32>
    %ge3A_408 = arith.constant 5 : i32
    %ge3A_409 = arith.cmpi sge, %arg0, %ge3A_408 : i32
    %ge3A_410 = arith.constant 10 : i32
    %ge3A_411 = arith.cmpi sge, %arg0, %ge3A_410 : i32
    %or3A_412 = arith.ori %ge3A_409, %ge3A_411 : i1
    %get3A_413 = arith.constant 5 : index
    %get3A_414 = arith.constant 0 : index
    %get3A_415 = arith.constant 0 : index
    %get3A_416 = vector.load %arg21[%get3A_413, %get3A_414, %get3A_415] : memref<10x128x1024xf32, #tpu.memory_space<vmem>>, vector<1x128x1024xf32>
    %get3A_417 = vector.shape_cast %get3A_416 : vector<1x128x1024xf32> to vector<128x1024xf32>
    %get3A_418 = arith.constant 5 : index
    %get3A_419 = arith.constant 0 : index
    %get3A_420 = arith.constant 0 : index
    %get3A_421 = vector.load %arg22[%get3A_418, %get3A_419, %get3A_420] : memref<10x1x1024xf32, #tpu.memory_space<vmem>>, vector<1x1x1024xf32>
    %get3A_422 = vector.shape_cast %get3A_421 : vector<1x1x1024xf32> to vector<1x1024xf32>
    %add3A_423 = arith.addf %get3A_422, %broadcast_in_dim3A_150 : vector<1x1024xf32>
    %jit3A_424 = arith.constant -1.000000e+30 : f32
    %broadcast_in_dim3A_425 = vector.broadcast %jit3A_424 : f32 to vector<1x1024xf32>
    %select_n3A_426 = arith.select %or3A_412, %add3A_423, %broadcast_in_dim3A_425 : vector<1x1024xf32>
    %mul3A_427 = arith.mulf %get3A_417, %add3A_128 : vector<128x1024xf32>
    %reduce_sum3A_428 = arith.constant dense<0.000000e+00> : vector<1024xf32>
    %reduce_sum3A_429 = vector.multi_reduction <add>, %mul3A_427, %reduce_sum3A_428 [0] : vector<128x1024xf32> to vector<1024xf32>
    %broadcast_in_dim3A_430 = vector.shape_cast %reduce_sum3A_429 : vector<1024xf32> to vector<1x1024xf32>
    %logistic3A_431 = arith.negf %broadcast_in_dim3A_430 : vector<1x1024xf32>
    %logistic3A_432 = math.exp %logistic3A_431 : vector<1x1024xf32>
    %logistic3A_433 = arith.constant 1.000000e+00 : f32
    %logistic3A_434 = vector.broadcast %logistic3A_433 : f32 to vector<1x1024xf32>
    %logistic3A_435 = arith.addf %logistic3A_434, %logistic3A_432 : vector<1x1024xf32>
    %logistic3A_436 = arith.divf %logistic3A_434, %logistic3A_435 : vector<1x1024xf32>
    %jit3A_437 = arith.constant 0.000000e+00 : f32
    %broadcast_in_dim3A_438 = vector.broadcast %jit3A_437 : f32 to vector<1x1024xf32>
    %select_n3A_439 = arith.select %or3A_412, %logistic3A_436, %broadcast_in_dim3A_438 : vector<1x1024xf32>
    %max3A_440 = arith.maximumf %max3A_407, %select_n3A_426 : vector<1x1024xf32>
    %add3A_441 = arith.addf %get3A_422, %broadcast_in_dim3A_155 : vector<1x1024xf32>
    %jit3A_442 = arith.constant -1.000000e+30 : f32
    %broadcast_in_dim3A_443 = vector.broadcast %jit3A_442 : f32 to vector<1x1024xf32>
    %select_n3A_444 = arith.select %or3A_412, %add3A_441, %broadcast_in_dim3A_443 : vector<1x1024xf32>
    %mul3A_445 = arith.mulf %get3A_417, %add3A_142 : vector<128x1024xf32>
    %reduce_sum3A_446 = arith.constant dense<0.000000e+00> : vector<1024xf32>
    %reduce_sum3A_447 = vector.multi_reduction <add>, %mul3A_445, %reduce_sum3A_446 [0] : vector<128x1024xf32> to vector<1024xf32>
    %broadcast_in_dim3A_448 = vector.shape_cast %reduce_sum3A_447 : vector<1024xf32> to vector<1x1024xf32>
    %logistic3A_449 = arith.negf %broadcast_in_dim3A_448 : vector<1x1024xf32>
    %logistic3A_450 = math.exp %logistic3A_449 : vector<1x1024xf32>
    %logistic3A_451 = arith.constant 1.000000e+00 : f32
    %logistic3A_452 = vector.broadcast %logistic3A_451 : f32 to vector<1x1024xf32>
    %logistic3A_453 = arith.addf %logistic3A_452, %logistic3A_450 : vector<1x1024xf32>
    %logistic3A_454 = arith.divf %logistic3A_452, %logistic3A_453 : vector<1x1024xf32>
    %jit3A_455 = arith.constant 0.000000e+00 : f32
    %broadcast_in_dim3A_456 = vector.broadcast %jit3A_455 : f32 to vector<1x1024xf32>
    %select_n3A_457 = arith.select %or3A_412, %logistic3A_454, %broadcast_in_dim3A_456 : vector<1x1024xf32>
    %max3A_458 = arith.maximumf %max3A_440, %select_n3A_444 : vector<1x1024xf32>
    %ge3A_459 = arith.constant 6 : i32
    %ge3A_460 = arith.cmpi sge, %arg0, %ge3A_459 : i32
    %ge3A_461 = arith.constant 10 : i32
    %ge3A_462 = arith.cmpi sge, %arg0, %ge3A_461 : i32
    %or3A_463 = arith.ori %ge3A_460, %ge3A_462 : i1
    %get3A_464 = arith.constant 6 : index
    %get3A_465 = arith.constant 0 : index
    %get3A_466 = arith.constant 0 : index
    %get3A_467 = vector.load %arg21[%get3A_464, %get3A_465, %get3A_466] : memref<10x128x1024xf32, #tpu.memory_space<vmem>>, vector<1x128x1024xf32>
    %get3A_468 = vector.shape_cast %get3A_467 : vector<1x128x1024xf32> to vector<128x1024xf32>
    %get3A_469 = arith.constant 6 : index
    %get3A_470 = arith.constant 0 : index
    %get3A_471 = arith.constant 0 : index
    %get3A_472 = vector.load %arg22[%get3A_469, %get3A_470, %get3A_471] : memref<10x1x1024xf32, #tpu.memory_space<vmem>>, vector<1x1x1024xf32>
    %get3A_473 = vector.shape_cast %get3A_472 : vector<1x1x1024xf32> to vector<1x1024xf32>
    %add3A_474 = arith.addf %get3A_473, %broadcast_in_dim3A_150 : vector<1x1024xf32>
    %jit3A_475 = arith.constant -1.000000e+30 : f32
    %broadcast_in_dim3A_476 = vector.broadcast %jit3A_475 : f32 to vector<1x1024xf32>
    %select_n3A_477 = arith.select %or3A_463, %add3A_474, %broadcast_in_dim3A_476 : vector<1x1024xf32>
    %mul3A_478 = arith.mulf %get3A_468, %add3A_128 : vector<128x1024xf32>
    %reduce_sum3A_479 = arith.constant dense<0.000000e+00> : vector<1024xf32>
    %reduce_sum3A_480 = vector.multi_reduction <add>, %mul3A_478, %reduce_sum3A_479 [0] : vector<128x1024xf32> to vector<1024xf32>
    %broadcast_in_dim3A_481 = vector.shape_cast %reduce_sum3A_480 : vector<1024xf32> to vector<1x1024xf32>
    %logistic3A_482 = arith.negf %broadcast_in_dim3A_481 : vector<1x1024xf32>
    %logistic3A_483 = math.exp %logistic3A_482 : vector<1x1024xf32>
    %logistic3A_484 = arith.constant 1.000000e+00 : f32
    %logistic3A_485 = vector.broadcast %logistic3A_484 : f32 to vector<1x1024xf32>
    %logistic3A_486 = arith.addf %logistic3A_485, %logistic3A_483 : vector<1x1024xf32>
    %logistic3A_487 = arith.divf %logistic3A_485, %logistic3A_486 : vector<1x1024xf32>
    %jit3A_488 = arith.constant 0.000000e+00 : f32
    %broadcast_in_dim3A_489 = vector.broadcast %jit3A_488 : f32 to vector<1x1024xf32>
    %select_n3A_490 = arith.select %or3A_463, %logistic3A_487, %broadcast_in_dim3A_489 : vector<1x1024xf32>
    %max3A_491 = arith.maximumf %max3A_458, %select_n3A_477 : vector<1x1024xf32>
    %add3A_492 = arith.addf %get3A_473, %broadcast_in_dim3A_155 : vector<1x1024xf32>
    %jit3A_493 = arith.constant -1.000000e+30 : f32
    %broadcast_in_dim3A_494 = vector.broadcast %jit3A_493 : f32 to vector<1x1024xf32>
    %select_n3A_495 = arith.select %or3A_463, %add3A_492, %broadcast_in_dim3A_494 : vector<1x1024xf32>
    %mul3A_496 = arith.mulf %get3A_468, %add3A_142 : vector<128x1024xf32>
    %reduce_sum3A_497 = arith.constant dense<0.000000e+00> : vector<1024xf32>
    %reduce_sum3A_498 = vector.multi_reduction <add>, %mul3A_496, %reduce_sum3A_497 [0] : vector<128x1024xf32> to vector<1024xf32>
    %broadcast_in_dim3A_499 = vector.shape_cast %reduce_sum3A_498 : vector<1024xf32> to vector<1x1024xf32>
    %logistic3A_500 = arith.negf %broadcast_in_dim3A_499 : vector<1x1024xf32>
    %logistic3A_501 = math.exp %logistic3A_500 : vector<1x1024xf32>
    %logistic3A_502 = arith.constant 1.000000e+00 : f32
    %logistic3A_503 = vector.broadcast %logistic3A_502 : f32 to vector<1x1024xf32>
    %logistic3A_504 = arith.addf %logistic3A_503, %logistic3A_501 : vector<1x1024xf32>
    %logistic3A_505 = arith.divf %logistic3A_503, %logistic3A_504 : vector<1x1024xf32>
    %jit3A_506 = arith.constant 0.000000e+00 : f32
    %broadcast_in_dim3A_507 = vector.broadcast %jit3A_506 : f32 to vector<1x1024xf32>
    %select_n3A_508 = arith.select %or3A_463, %logistic3A_505, %broadcast_in_dim3A_507 : vector<1x1024xf32>
    %max3A_509 = arith.maximumf %max3A_491, %select_n3A_495 : vector<1x1024xf32>
    %ge3A_510 = arith.constant 7 : i32
    %ge3A_511 = arith.cmpi sge, %arg0, %ge3A_510 : i32
    %ge3A_512 = arith.constant 10 : i32
    %ge3A_513 = arith.cmpi sge, %arg0, %ge3A_512 : i32
    %or3A_514 = arith.ori %ge3A_511, %ge3A_513 : i1
    %get3A_515 = arith.constant 7 : index
    %get3A_516 = arith.constant 0 : index
    %get3A_517 = arith.constant 0 : index
    %get3A_518 = vector.load %arg21[%get3A_515, %get3A_516, %get3A_517] : memref<10x128x1024xf32, #tpu.memory_space<vmem>>, vector<1x128x1024xf32>
    %get3A_519 = vector.shape_cast %get3A_518 : vector<1x128x1024xf32> to vector<128x1024xf32>
    %get3A_520 = arith.constant 7 : index
    %get3A_521 = arith.constant 0 : index
    %get3A_522 = arith.constant 0 : index
    %get3A_523 = vector.load %arg22[%get3A_520, %get3A_521, %get3A_522] : memref<10x1x1024xf32, #tpu.memory_space<vmem>>, vector<1x1x1024xf32>
    %get3A_524 = vector.shape_cast %get3A_523 : vector<1x1x1024xf32> to vector<1x1024xf32>
    %add3A_525 = arith.addf %get3A_524, %broadcast_in_dim3A_150 : vector<1x1024xf32>
    %jit3A_526 = arith.constant -1.000000e+30 : f32
    %broadcast_in_dim3A_527 = vector.broadcast %jit3A_526 : f32 to vector<1x1024xf32>
    %select_n3A_528 = arith.select %or3A_514, %add3A_525, %broadcast_in_dim3A_527 : vector<1x1024xf32>
    %mul3A_529 = arith.mulf %get3A_519, %add3A_128 : vector<128x1024xf32>
    %reduce_sum3A_530 = arith.constant dense<0.000000e+00> : vector<1024xf32>
    %reduce_sum3A_531 = vector.multi_reduction <add>, %mul3A_529, %reduce_sum3A_530 [0] : vector<128x1024xf32> to vector<1024xf32>
    %broadcast_in_dim3A_532 = vector.shape_cast %reduce_sum3A_531 : vector<1024xf32> to vector<1x1024xf32>
    %logistic3A_533 = arith.negf %broadcast_in_dim3A_532 : vector<1x1024xf32>
    %logistic3A_534 = math.exp %logistic3A_533 : vector<1x1024xf32>
    %logistic3A_535 = arith.constant 1.000000e+00 : f32
    %logistic3A_536 = vector.broadcast %logistic3A_535 : f32 to vector<1x1024xf32>
    %logistic3A_537 = arith.addf %logistic3A_536, %logistic3A_534 : vector<1x1024xf32>
    %logistic3A_538 = arith.divf %logistic3A_536, %logistic3A_537 : vector<1x1024xf32>
    %jit3A_539 = arith.constant 0.000000e+00 : f32
    %broadcast_in_dim3A_540 = vector.broadcast %jit3A_539 : f32 to vector<1x1024xf32>
    %select_n3A_541 = arith.select %or3A_514, %logistic3A_538, %broadcast_in_dim3A_540 : vector<1x1024xf32>
    %max3A_542 = arith.maximumf %max3A_509, %select_n3A_528 : vector<1x1024xf32>
    %add3A_543 = arith.addf %get3A_524, %broadcast_in_dim3A_155 : vector<1x1024xf32>
    %jit3A_544 = arith.constant -1.000000e+30 : f32
    %broadcast_in_dim3A_545 = vector.broadcast %jit3A_544 : f32 to vector<1x1024xf32>
    %select_n3A_546 = arith.select %or3A_514, %add3A_543, %broadcast_in_dim3A_545 : vector<1x1024xf32>
    %mul3A_547 = arith.mulf %get3A_519, %add3A_142 : vector<128x1024xf32>
    %reduce_sum3A_548 = arith.constant dense<0.000000e+00> : vector<1024xf32>
    %reduce_sum3A_549 = vector.multi_reduction <add>, %mul3A_547, %reduce_sum3A_548 [0] : vector<128x1024xf32> to vector<1024xf32>
    %broadcast_in_dim3A_550 = vector.shape_cast %reduce_sum3A_549 : vector<1024xf32> to vector<1x1024xf32>
    %logistic3A_551 = arith.negf %broadcast_in_dim3A_550 : vector<1x1024xf32>
    %logistic3A_552 = math.exp %logistic3A_551 : vector<1x1024xf32>
    %logistic3A_553 = arith.constant 1.000000e+00 : f32
    %logistic3A_554 = vector.broadcast %logistic3A_553 : f32 to vector<1x1024xf32>
    %logistic3A_555 = arith.addf %logistic3A_554, %logistic3A_552 : vector<1x1024xf32>
    %logistic3A_556 = arith.divf %logistic3A_554, %logistic3A_555 : vector<1x1024xf32>
    %jit3A_557 = arith.constant 0.000000e+00 : f32
    %broadcast_in_dim3A_558 = vector.broadcast %jit3A_557 : f32 to vector<1x1024xf32>
    %select_n3A_559 = arith.select %or3A_514, %logistic3A_556, %broadcast_in_dim3A_558 : vector<1x1024xf32>
    %max3A_560 = arith.maximumf %max3A_542, %select_n3A_546 : vector<1x1024xf32>
    %ge3A_561 = arith.constant 8 : i32
    %ge3A_562 = arith.cmpi sge, %arg0, %ge3A_561 : i32
    %ge3A_563 = arith.constant 10 : i32
    %ge3A_564 = arith.cmpi sge, %arg0, %ge3A_563 : i32
    %or3A_565 = arith.ori %ge3A_562, %ge3A_564 : i1
    %get3A_566 = arith.constant 8 : index
    %get3A_567 = arith.constant 0 : index
    %get3A_568 = arith.constant 0 : index
    %get3A_569 = vector.load %arg21[%get3A_566, %get3A_567, %get3A_568] : memref<10x128x1024xf32, #tpu.memory_space<vmem>>, vector<1x128x1024xf32>
    %get3A_570 = vector.shape_cast %get3A_569 : vector<1x128x1024xf32> to vector<128x1024xf32>
    %get3A_571 = arith.constant 8 : index
    %get3A_572 = arith.constant 0 : index
    %get3A_573 = arith.constant 0 : index
    %get3A_574 = vector.load %arg22[%get3A_571, %get3A_572, %get3A_573] : memref<10x1x1024xf32, #tpu.memory_space<vmem>>, vector<1x1x1024xf32>
    %get3A_575 = vector.shape_cast %get3A_574 : vector<1x1x1024xf32> to vector<1x1024xf32>
    %add3A_576 = arith.addf %get3A_575, %broadcast_in_dim3A_150 : vector<1x1024xf32>
    %jit3A_577 = arith.constant -1.000000e+30 : f32
    %broadcast_in_dim3A_578 = vector.broadcast %jit3A_577 : f32 to vector<1x1024xf32>
    %select_n3A_579 = arith.select %or3A_565, %add3A_576, %broadcast_in_dim3A_578 : vector<1x1024xf32>
    %mul3A_580 = arith.mulf %get3A_570, %add3A_128 : vector<128x1024xf32>
    %reduce_sum3A_581 = arith.constant dense<0.000000e+00> : vector<1024xf32>
    %reduce_sum3A_582 = vector.multi_reduction <add>, %mul3A_580, %reduce_sum3A_581 [0] : vector<128x1024xf32> to vector<1024xf32>
    %broadcast_in_dim3A_583 = vector.shape_cast %reduce_sum3A_582 : vector<1024xf32> to vector<1x1024xf32>
    %logistic3A_584 = arith.negf %broadcast_in_dim3A_583 : vector<1x1024xf32>
    %logistic3A_585 = math.exp %logistic3A_584 : vector<1x1024xf32>
    %logistic3A_586 = arith.constant 1.000000e+00 : f32
    %logistic3A_587 = vector.broadcast %logistic3A_586 : f32 to vector<1x1024xf32>
    %logistic3A_588 = arith.addf %logistic3A_587, %logistic3A_585 : vector<1x1024xf32>
    %logistic3A_589 = arith.divf %logistic3A_587, %logistic3A_588 : vector<1x1024xf32>
    %jit3A_590 = arith.constant 0.000000e+00 : f32
    %broadcast_in_dim3A_591 = vector.broadcast %jit3A_590 : f32 to vector<1x1024xf32>
    %select_n3A_592 = arith.select %or3A_565, %logistic3A_589, %broadcast_in_dim3A_591 : vector<1x1024xf32>
    %max3A_593 = arith.maximumf %max3A_560, %select_n3A_579 : vector<1x1024xf32>
    %add3A_594 = arith.addf %get3A_575, %broadcast_in_dim3A_155 : vector<1x1024xf32>
    %jit3A_595 = arith.constant -1.000000e+30 : f32
    %broadcast_in_dim3A_596 = vector.broadcast %jit3A_595 : f32 to vector<1x1024xf32>
    %select_n3A_597 = arith.select %or3A_565, %add3A_594, %broadcast_in_dim3A_596 : vector<1x1024xf32>
    %mul3A_598 = arith.mulf %get3A_570, %add3A_142 : vector<128x1024xf32>
    %reduce_sum3A_599 = arith.constant dense<0.000000e+00> : vector<1024xf32>
    %reduce_sum3A_600 = vector.multi_reduction <add>, %mul3A_598, %reduce_sum3A_599 [0] : vector<128x1024xf32> to vector<1024xf32>
    %broadcast_in_dim3A_601 = vector.shape_cast %reduce_sum3A_600 : vector<1024xf32> to vector<1x1024xf32>
    %logistic3A_602 = arith.negf %broadcast_in_dim3A_601 : vector<1x1024xf32>
    %logistic3A_603 = math.exp %logistic3A_602 : vector<1x1024xf32>
    %logistic3A_604 = arith.constant 1.000000e+00 : f32
    %logistic3A_605 = vector.broadcast %logistic3A_604 : f32 to vector<1x1024xf32>
    %logistic3A_606 = arith.addf %logistic3A_605, %logistic3A_603 : vector<1x1024xf32>
    %logistic3A_607 = arith.divf %logistic3A_605, %logistic3A_606 : vector<1x1024xf32>
    %jit3A_608 = arith.constant 0.000000e+00 : f32
    %broadcast_in_dim3A_609 = vector.broadcast %jit3A_608 : f32 to vector<1x1024xf32>
    %select_n3A_610 = arith.select %or3A_565, %logistic3A_607, %broadcast_in_dim3A_609 : vector<1x1024xf32>
    %max3A_611 = arith.maximumf %max3A_593, %select_n3A_597 : vector<1x1024xf32>
    %ge3A_612 = arith.constant 9 : i32
    %ge3A_613 = arith.cmpi sge, %arg0, %ge3A_612 : i32
    %ge3A_614 = arith.constant 10 : i32
    %ge3A_615 = arith.cmpi sge, %arg0, %ge3A_614 : i32
    %or3A_616 = arith.ori %ge3A_613, %ge3A_615 : i1
    %get3A_617 = arith.constant 9 : index
    %get3A_618 = arith.constant 0 : index
    %get3A_619 = arith.constant 0 : index
    %get3A_620 = vector.load %arg21[%get3A_617, %get3A_618, %get3A_619] : memref<10x128x1024xf32, #tpu.memory_space<vmem>>, vector<1x128x1024xf32>
    %get3A_621 = vector.shape_cast %get3A_620 : vector<1x128x1024xf32> to vector<128x1024xf32>
    %get3A_622 = arith.constant 9 : index
    %get3A_623 = arith.constant 0 : index
    %get3A_624 = arith.constant 0 : index
    %get3A_625 = vector.load %arg22[%get3A_622, %get3A_623, %get3A_624] : memref<10x1x1024xf32, #tpu.memory_space<vmem>>, vector<1x1x1024xf32>
    %get3A_626 = vector.shape_cast %get3A_625 : vector<1x1x1024xf32> to vector<1x1024xf32>
    %add3A_627 = arith.addf %get3A_626, %broadcast_in_dim3A_150 : vector<1x1024xf32>
    %jit3A_628 = arith.constant -1.000000e+30 : f32
    %broadcast_in_dim3A_629 = vector.broadcast %jit3A_628 : f32 to vector<1x1024xf32>
    %select_n3A_630 = arith.select %or3A_616, %add3A_627, %broadcast_in_dim3A_629 : vector<1x1024xf32>
    %mul3A_631 = arith.mulf %get3A_621, %add3A_128 : vector<128x1024xf32>
    %reduce_sum3A_632 = arith.constant dense<0.000000e+00> : vector<1024xf32>
    %reduce_sum3A_633 = vector.multi_reduction <add>, %mul3A_631, %reduce_sum3A_632 [0] : vector<128x1024xf32> to vector<1024xf32>
    %broadcast_in_dim3A_634 = vector.shape_cast %reduce_sum3A_633 : vector<1024xf32> to vector<1x1024xf32>
    %logistic3A_635 = arith.negf %broadcast_in_dim3A_634 : vector<1x1024xf32>
    %logistic3A_636 = math.exp %logistic3A_635 : vector<1x1024xf32>
    %logistic3A_637 = arith.constant 1.000000e+00 : f32
    %logistic3A_638 = vector.broadcast %logistic3A_637 : f32 to vector<1x1024xf32>
    %logistic3A_639 = arith.addf %logistic3A_638, %logistic3A_636 : vector<1x1024xf32>
    %logistic3A_640 = arith.divf %logistic3A_638, %logistic3A_639 : vector<1x1024xf32>
    %jit3A_641 = arith.constant 0.000000e+00 : f32
    %broadcast_in_dim3A_642 = vector.broadcast %jit3A_641 : f32 to vector<1x1024xf32>
    %select_n3A_643 = arith.select %or3A_616, %logistic3A_640, %broadcast_in_dim3A_642 : vector<1x1024xf32>
    %max3A_644 = arith.maximumf %max3A_611, %select_n3A_630 : vector<1x1024xf32>
    %add3A_645 = arith.addf %get3A_626, %broadcast_in_dim3A_155 : vector<1x1024xf32>
    %jit3A_646 = arith.constant -1.000000e+30 : f32
    %broadcast_in_dim3A_647 = vector.broadcast %jit3A_646 : f32 to vector<1x1024xf32>
    %select_n3A_648 = arith.select %or3A_616, %add3A_645, %broadcast_in_dim3A_647 : vector<1x1024xf32>
    %mul3A_649 = arith.mulf %get3A_621, %add3A_142 : vector<128x1024xf32>
    %reduce_sum3A_650 = arith.constant dense<0.000000e+00> : vector<1024xf32>
    %reduce_sum3A_651 = vector.multi_reduction <add>, %mul3A_649, %reduce_sum3A_650 [0] : vector<128x1024xf32> to vector<1024xf32>
    %broadcast_in_dim3A_652 = vector.shape_cast %reduce_sum3A_651 : vector<1024xf32> to vector<1x1024xf32>
    %logistic3A_653 = arith.negf %broadcast_in_dim3A_652 : vector<1x1024xf32>
    %logistic3A_654 = math.exp %logistic3A_653 : vector<1x1024xf32>
    %logistic3A_655 = arith.constant 1.000000e+00 : f32
    %logistic3A_656 = vector.broadcast %logistic3A_655 : f32 to vector<1x1024xf32>
    %logistic3A_657 = arith.addf %logistic3A_656, %logistic3A_654 : vector<1x1024xf32>
    %logistic3A_658 = arith.divf %logistic3A_656, %logistic3A_657 : vector<1x1024xf32>
    %jit3A_659 = arith.constant 0.000000e+00 : f32
    %broadcast_in_dim3A_660 = vector.broadcast %jit3A_659 : f32 to vector<1x1024xf32>
    %select_n3A_661 = arith.select %or3A_616, %logistic3A_658, %broadcast_in_dim3A_660 : vector<1x1024xf32>
    %max3A_662 = arith.maximumf %max3A_644, %select_n3A_648 : vector<1x1024xf32>
    %broadcast_in_dim3A_663 = arith.constant 0.000000e+00 : f32
    %broadcast_in_dim3A_664 = vector.broadcast %broadcast_in_dim3A_663 : f32 to vector<1x1024xf32>
    %broadcast_in_dim3A_665 = arith.constant 0.000000e+00 : f32
    %broadcast_in_dim3A_666 = vector.broadcast %broadcast_in_dim3A_665 : f32 to vector<1x1024xf32>
    %sub3A_667 = arith.subf %select_n3A, %max3A_662 : vector<1x1024xf32>
    %exp3A = math.exp %sub3A_667 : vector<1x1024xf32>
    %mul3A_668 = arith.mulf %exp3A, %select_n3A_185 : vector<1x1024xf32>
    %add3A_669 = arith.addf %broadcast_in_dim3A_664, %mul3A_668 : vector<1x1024xf32>
    %add3A_670 = arith.addf %broadcast_in_dim3A_666, %exp3A : vector<1x1024xf32>
    %sub3A_671 = arith.subf %select_n3A_189, %max3A_662 : vector<1x1024xf32>
    %exp3A_672 = math.exp %sub3A_671 : vector<1x1024xf32>
    %mul3A_673 = arith.mulf %exp3A_672, %select_n3A_202 : vector<1x1024xf32>
    %add3A_674 = arith.addf %add3A_669, %mul3A_673 : vector<1x1024xf32>
    %add3A_675 = arith.addf %add3A_670, %exp3A_672 : vector<1x1024xf32>
    %sub3A_676 = arith.subf %select_n3A_222, %max3A_662 : vector<1x1024xf32>
    %exp3A_677 = math.exp %sub3A_676 : vector<1x1024xf32>
    %mul3A_678 = arith.mulf %exp3A_677, %select_n3A_235 : vector<1x1024xf32>
    %add3A_679 = arith.addf %add3A_674, %mul3A_678 : vector<1x1024xf32>
    %add3A_680 = arith.addf %add3A_675, %exp3A_677 : vector<1x1024xf32>
    %sub3A_681 = arith.subf %select_n3A_240, %max3A_662 : vector<1x1024xf32>
    %exp3A_682 = math.exp %sub3A_681 : vector<1x1024xf32>
    %mul3A_683 = arith.mulf %exp3A_682, %select_n3A_253 : vector<1x1024xf32>
    %add3A_684 = arith.addf %add3A_679, %mul3A_683 : vector<1x1024xf32>
    %add3A_685 = arith.addf %add3A_680, %exp3A_682 : vector<1x1024xf32>
    %sub3A_686 = arith.subf %select_n3A_273, %max3A_662 : vector<1x1024xf32>
    %exp3A_687 = math.exp %sub3A_686 : vector<1x1024xf32>
    %mul3A_688 = arith.mulf %exp3A_687, %select_n3A_286 : vector<1x1024xf32>
    %add3A_689 = arith.addf %add3A_684, %mul3A_688 : vector<1x1024xf32>
    %add3A_690 = arith.addf %add3A_685, %exp3A_687 : vector<1x1024xf32>
    %sub3A_691 = arith.subf %select_n3A_291, %max3A_662 : vector<1x1024xf32>
    %exp3A_692 = math.exp %sub3A_691 : vector<1x1024xf32>
    %mul3A_693 = arith.mulf %exp3A_692, %select_n3A_304 : vector<1x1024xf32>
    %add3A_694 = arith.addf %add3A_689, %mul3A_693 : vector<1x1024xf32>
    %add3A_695 = arith.addf %add3A_690, %exp3A_692 : vector<1x1024xf32>
    %sub3A_696 = arith.subf %select_n3A_324, %max3A_662 : vector<1x1024xf32>
    %exp3A_697 = math.exp %sub3A_696 : vector<1x1024xf32>
    %mul3A_698 = arith.mulf %exp3A_697, %select_n3A_337 : vector<1x1024xf32>
    %add3A_699 = arith.addf %add3A_694, %mul3A_698 : vector<1x1024xf32>
    %add3A_700 = arith.addf %add3A_695, %exp3A_697 : vector<1x1024xf32>
    %sub3A_701 = arith.subf %select_n3A_342, %max3A_662 : vector<1x1024xf32>
    %exp3A_702 = math.exp %sub3A_701 : vector<1x1024xf32>
    %mul3A_703 = arith.mulf %exp3A_702, %select_n3A_355 : vector<1x1024xf32>
    %add3A_704 = arith.addf %add3A_699, %mul3A_703 : vector<1x1024xf32>
    %add3A_705 = arith.addf %add3A_700, %exp3A_702 : vector<1x1024xf32>
    %sub3A_706 = arith.subf %select_n3A_375, %max3A_662 : vector<1x1024xf32>
    %exp3A_707 = math.exp %sub3A_706 : vector<1x1024xf32>
    %mul3A_708 = arith.mulf %exp3A_707, %select_n3A_388 : vector<1x1024xf32>
    %add3A_709 = arith.addf %add3A_704, %mul3A_708 : vector<1x1024xf32>
    %add3A_710 = arith.addf %add3A_705, %exp3A_707 : vector<1x1024xf32>
    %sub3A_711 = arith.subf %select_n3A_393, %max3A_662 : vector<1x1024xf32>
    %exp3A_712 = math.exp %sub3A_711 : vector<1x1024xf32>
    %mul3A_713 = arith.mulf %exp3A_712, %select_n3A_406 : vector<1x1024xf32>
    %add3A_714 = arith.addf %add3A_709, %mul3A_713 : vector<1x1024xf32>
    %add3A_715 = arith.addf %add3A_710, %exp3A_712 : vector<1x1024xf32>
    %sub3A_716 = arith.subf %select_n3A_426, %max3A_662 : vector<1x1024xf32>
    %exp3A_717 = math.exp %sub3A_716 : vector<1x1024xf32>
    %mul3A_718 = arith.mulf %exp3A_717, %select_n3A_439 : vector<1x1024xf32>
    %add3A_719 = arith.addf %add3A_714, %mul3A_718 : vector<1x1024xf32>
    %add3A_720 = arith.addf %add3A_715, %exp3A_717 : vector<1x1024xf32>
    %sub3A_721 = arith.subf %select_n3A_444, %max3A_662 : vector<1x1024xf32>
    %exp3A_722 = math.exp %sub3A_721 : vector<1x1024xf32>
    %mul3A_723 = arith.mulf %exp3A_722, %select_n3A_457 : vector<1x1024xf32>
    %add3A_724 = arith.addf %add3A_719, %mul3A_723 : vector<1x1024xf32>
    %add3A_725 = arith.addf %add3A_720, %exp3A_722 : vector<1x1024xf32>
    %sub3A_726 = arith.subf %select_n3A_477, %max3A_662 : vector<1x1024xf32>
    %exp3A_727 = math.exp %sub3A_726 : vector<1x1024xf32>
    %mul3A_728 = arith.mulf %exp3A_727, %select_n3A_490 : vector<1x1024xf32>
    %add3A_729 = arith.addf %add3A_724, %mul3A_728 : vector<1x1024xf32>
    %add3A_730 = arith.addf %add3A_725, %exp3A_727 : vector<1x1024xf32>
    %sub3A_731 = arith.subf %select_n3A_495, %max3A_662 : vector<1x1024xf32>
    %exp3A_732 = math.exp %sub3A_731 : vector<1x1024xf32>
    %mul3A_733 = arith.mulf %exp3A_732, %select_n3A_508 : vector<1x1024xf32>
    %add3A_734 = arith.addf %add3A_729, %mul3A_733 : vector<1x1024xf32>
    %add3A_735 = arith.addf %add3A_730, %exp3A_732 : vector<1x1024xf32>
    %sub3A_736 = arith.subf %select_n3A_528, %max3A_662 : vector<1x1024xf32>
    %exp3A_737 = math.exp %sub3A_736 : vector<1x1024xf32>
    %mul3A_738 = arith.mulf %exp3A_737, %select_n3A_541 : vector<1x1024xf32>
    %add3A_739 = arith.addf %add3A_734, %mul3A_738 : vector<1x1024xf32>
    %add3A_740 = arith.addf %add3A_735, %exp3A_737 : vector<1x1024xf32>
    %sub3A_741 = arith.subf %select_n3A_546, %max3A_662 : vector<1x1024xf32>
    %exp3A_742 = math.exp %sub3A_741 : vector<1x1024xf32>
    %mul3A_743 = arith.mulf %exp3A_742, %select_n3A_559 : vector<1x1024xf32>
    %add3A_744 = arith.addf %add3A_739, %mul3A_743 : vector<1x1024xf32>
    %add3A_745 = arith.addf %add3A_740, %exp3A_742 : vector<1x1024xf32>
    %sub3A_746 = arith.subf %select_n3A_579, %max3A_662 : vector<1x1024xf32>
    %exp3A_747 = math.exp %sub3A_746 : vector<1x1024xf32>
    %mul3A_748 = arith.mulf %exp3A_747, %select_n3A_592 : vector<1x1024xf32>
    %add3A_749 = arith.addf %add3A_744, %mul3A_748 : vector<1x1024xf32>
    %add3A_750 = arith.addf %add3A_745, %exp3A_747 : vector<1x1024xf32>
    %sub3A_751 = arith.subf %select_n3A_597, %max3A_662 : vector<1x1024xf32>
    %exp3A_752 = math.exp %sub3A_751 : vector<1x1024xf32>
    %mul3A_753 = arith.mulf %exp3A_752, %select_n3A_610 : vector<1x1024xf32>
    %add3A_754 = arith.addf %add3A_749, %mul3A_753 : vector<1x1024xf32>
    %add3A_755 = arith.addf %add3A_750, %exp3A_752 : vector<1x1024xf32>
    %sub3A_756 = arith.subf %select_n3A_630, %max3A_662 : vector<1x1024xf32>
    %exp3A_757 = math.exp %sub3A_756 : vector<1x1024xf32>
    %mul3A_758 = arith.mulf %exp3A_757, %select_n3A_643 : vector<1x1024xf32>
    %add3A_759 = arith.addf %add3A_754, %mul3A_758 : vector<1x1024xf32>
    %add3A_760 = arith.addf %add3A_755, %exp3A_757 : vector<1x1024xf32>
    %sub3A_761 = arith.subf %select_n3A_648, %max3A_662 : vector<1x1024xf32>
    %exp3A_762 = math.exp %sub3A_761 : vector<1x1024xf32>
    %mul3A_763 = arith.mulf %exp3A_762, %select_n3A_661 : vector<1x1024xf32>
    %add3A_764 = arith.addf %add3A_759, %mul3A_763 : vector<1x1024xf32>
    %add3A_765 = arith.addf %add3A_760, %exp3A_762 : vector<1x1024xf32>
    %div3A = arith.divf %add3A_764, %add3A_765 : vector<1x1024xf32>
    %swap3A_766 = arith.constant 0 : index
    %swap3A_767 = arith.constant 0 : index
    %swap3A_768 = arith.constant 0 : index
    %swap3A_769 = vector.load %arg18[%swap3A_766, %swap3A_767, %swap3A_768] : memref<1x1x1024xf32, #tpu.memory_space<vmem>>, vector<1x1x1024xf32>
    %swap3A_770 = vector.shape_cast %swap3A_769 : vector<1x1x1024xf32> to vector<1x1024xf32>
    %swap3A_771 = vector.shape_cast %div3A : vector<1x1024xf32> to vector<1x1x1024xf32>
    tpu.vector_store %arg18[%swap3A_766, %swap3A_767, %swap3A_768], %swap3A_771 {strides = array<i32>} : memref<1x1x1024xf32, #tpu.memory_space<vmem>>, vector<1x1x1024xf32>,
    return
  }
  func.func @transform_0(%arg0: i32) -> (i32, i32, i32, i32) {
    %c0_i32 = arith.constant 0 : i32
    %c0_i32_0 = arith.constant 0 : i32
    %c0_i32_1 = arith.constant 0 : i32
    %c0_i32_2 = arith.constant 0 : i32
    return %c0_i32, %arg0, %c0_i32_0, %c0_i32_1 : i32, i32, i32, i32
  }
  func.func @transform_1(%arg0: i32) -> (i32, i32, i32, i32) {
    %c1_i32 = arith.constant 1 : i32
    %c0_i32 = arith.constant 0 : i32
    %c0_i32_0 = arith.constant 0 : i32
    %c0_i32_1 = arith.constant 0 : i32
    return %c1_i32, %arg0, %c0_i32, %c0_i32_0 : i32, i32, i32, i32
  }
  func.func @transform_2(%arg0: i32) -> (i32, i32, i32, i32) {
    %c2_i32 = arith.constant 2 : i32
    %c0_i32 = arith.constant 0 : i32
    %c0_i32_0 = arith.constant 0 : i32
    %c0_i32_1 = arith.constant 0 : i32
    return %c2_i32, %arg0, %c0_i32, %c0_i32_0 : i32, i32, i32, i32
  }
  func.func @transform_3(%arg0: i32) -> (i32, i32, i32) {
    %c0_i32 = arith.constant 0 : i32
    %c0_i32_0 = arith.constant 0 : i32
    %c0_i32_1 = arith.constant 0 : i32
    return %arg0, %c0_i32, %c0_i32_0 : i32, i32, i32
  }
  func.func @transform_4(%arg0: i32) -> (i32, i32) {
    %c0_i32 = arith.constant 0 : i32
    %c0_i32_0 = arith.constant 0 : i32
    %c0_i32_1 = arith.constant 0 : i32
    return %c0_i32, %c0_i32_0 : i32, i32
  }
  func.func @transform_5(%arg0: i32) -> (i32, i32) {
    %c0_i32 = arith.constant 0 : i32
    %c0_i32_0 = arith.constant 0 : i32
    %c0_i32_1 = arith.constant 0 : i32
    return %c0_i32, %c0_i32_0 : i32, i32
  }
  func.func @transform_6(%arg0: i32) -> (i32, i32) {
    %c0_i32 = arith.constant 0 : i32
    %c0_i32_0 = arith.constant 0 : i32
    %c0_i32_1 = arith.constant 0 : i32
    return %c0_i32, %c0_i32_0 : i32, i32
  }
  func.func @transform_7(%arg0: i32) -> (i32, i32) {
    %c0_i32 = arith.constant 0 : i32
    %c0_i32_0 = arith.constant 0 : i32
    %c0_i32_1 = arith.constant 0 : i32
    return %c0_i32, %c0_i32_0 : i32, i32
  }
  func.func @transform_8(%arg0: i32) -> (i32, i32) {
    %c0_i32 = arith.constant 0 : i32
    %c0_i32_0 = arith.constant 0 : i32
    %c0_i32_1 = arith.constant 0 : i32
    return %c0_i32, %c0_i32_0 : i32, i32
  }
  func.func @transform_9(%arg0: i32) -> (i32, i32) {
    %c0_i32 = arith.constant 0 : i32
    %c0_i32_0 = arith.constant 0 : i32
    %c0_i32_1 = arith.constant 0 : i32
    return %c0_i32, %c0_i32_0 : i32, i32
  }
  func.func @transform_10(%arg0: i32) -> (i32, i32) {
    %c0_i32 = arith.constant 0 : i32
    %c0_i32_0 = arith.constant 0 : i32
    %c0_i32_1 = arith.constant 0 : i32
    return %c0_i32, %c0_i32_0 : i32, i32
  }
  func.func @transform_11(%arg0: i32) -> (i32, i32) {
    %c0_i32 = arith.constant 0 : i32
    %c0_i32_0 = arith.constant 0 : i32
    %c0_i32_1 = arith.constant 0 : i32
    return %c0_i32, %c0_i32_0 : i32, i32
  }
  func.func @transform_12(%arg0: i32) -> (i32, i32) {
    %c0_i32 = arith.constant 0 : i32
    %c0_i32_0 = arith.constant 0 : i32
    %c0_i32_1 = arith.constant 0 : i32
    return %c0_i32, %c0_i32_0 : i32, i32
  }
  func.func @transform_13(%arg0: i32) -> (i32, i32) {
    %c0_i32 = arith.constant 0 : i32
    %c0_i32_0 = arith.constant 0 : i32
    %c0_i32_1 = arith.constant 0 : i32
    return %c0_i32, %c0_i32_0 : i32, i32
  }
  func.func @transform_14(%arg0: i32) -> (i32, i32) {
    %c0_i32 = arith.constant 0 : i32
    %c0_i32_0 = arith.constant 0 : i32
    %c0_i32_1 = arith.constant 0 : i32
    return %c0_i32, %c0_i32_0 : i32, i32
  }
  func.func @transform_15(%arg0: i32) -> (i32, i32) {
    %c0_i32 = arith.constant 0 : i32
    %c0_i32_0 = arith.constant 0 : i32
    %c0_i32_1 = arith.constant 0 : i32
    return %c0_i32, %c0_i32_0 : i32, i32
  }
  func.func @transform_16(%arg0: i32) -> (i32, i32) {
    %c0_i32 = arith.constant 0 : i32
    %c0_i32_0 = arith.constant 0 : i32
    %c0_i32_1 = arith.constant 0 : i32
    return %c0_i32, %c0_i32_0 : i32, i32
  }
  func.func @transform_17(%arg0: i32) -> (i32, i32, i32) {
    %c0_i32 = arith.constant 0 : i32
    %c0_i32_0 = arith.constant 0 : i32
    %c0_i32_1 = arith.constant 0 : i32
    return %arg0, %c0_i32, %c0_i32_0 : i32, i32, i32
  }
}

</mosaic_0001>

<sc_bundles>
// kernel: kernel.11.cloned.1.call-start
scs
__scs_entry_jumppad:
0x0: {  	(pc) =	sbr.rel $0x88, $3  }
0x1: {  	(tag) =	ssettag $0x0;
	lr =	simm.s32 $0x1  }
0x2: {  	[smem:$0x3F89] =	sst lr;
	_ =	strace $0xD0000000  }
0x3: {  	_ = 	snop  }
0x4: {  	_ = 	snop  }
0x5: {  	_ = 	snop  }
0x6: {  	_ = 	snop  }
0x7: {  	_ = 	snop  }
__scs_overlays_trampoline_lowered:
0x8: {  	[smem:$0x3F98] =	sst s0  }
0x9: {  	[smem:$0x3F99] =	sst s1  }
0xa: {  	[smem:$0x3F9A] =	sst s2  }
0xb: {  	[smem:$0x3F9B] =	sst s3  }
0xc: {  	[smem:$0x3F9C] =	sst s4  }
0xd: {  	[smem:$0x3F9D] =	sst s5  }
0xe: {  	[smem:$0x3F9E] =	sst s6  }
0xf: {  	[smem:$0x3F9F] =	sst s7  }
0x10: {  	[smem:$0x3FA0] =	sst s8  }
0x11: {  	[smem:$0x3FA1] =	sst s9;
	s0 =	simm.s32 @!p0 $0x0  }
0x12: {  	s1 =	sld [smem:$0x3F87];
	s0 =	simm.s32 @p0 $0x1  }
0x13: {  	[smem:$0x3FA2] =	sst s0;
	s0 =	simm.s32 @!p1 $0x0  }
0x14: {  	s2 =	sld [smem:$0x3F86];
	s0 =	simm.s32 @p1 $0x1  }
0x15: {  	[smem:$0x3FA3] =	sst s0;
	s0 =	simm.s32 @!p2 $0x0  }
0x16: {  	s3 =	sld [smem:$0x3FDB];
	s0 =	simm.s32 @p2 $0x1  }
0x17: {  	s4 =	simm.s32 $0x1BF5;
	[smem:$0x3FA5] =	sst s0  }
0x18: {  	s0 =	sld [smem:$0x3F88];
	_ =	swait.ge [sflag:s4], $0x0  }
0x19: {  	s7 =	sld [smem:$0x3F89]  }
0x1a: {  	s8 =	sadd.s32 $0xFFFFE003, lr  }
0x1b: {  	s9 =	sadd.s32 $0xFFFFFEF7, lr;
	s5 =	simm.s32 $0xFFFFFFFF;
	p2 =	slt.u32 s8, $0xFFFFF086  }
0x1c: {  	p1 =	slt.u32 s9, $0xF7A;
	s5 =	simm.s32 @!p2 $0x0  }
0x1d: {  	s5 =	simm.s32 @p1 $0x1;
	p0 =	seq.s32 s7, s2  }
0x1e: {  	s7 =	smul.u32 @!p0 $0xF7A, s2;
	p2 =	seq.s32 @!p0 s5, $0x0  }
0x1f: {  	s9 =	smul.u32 $0xF7A, s1;
	s8 =	simm.s32 @!p0 $0x1BF5;
	p2 =	por !p2, p0  }
0x20: {  	[sflag:s8] =	ssyncset.s32 @!p0 $0xFFFFF086;
	s6 =	sadd.s32 @!p0 s3, s7;
	s7 =	simm.s32 @!p0 $0x108  }
0x21: {  	s3 =	sadd.s32 s3, s9;
	s6 =	sadd.s32 @!p0 $0x88, s6;
	s7 =	simm.s32 @p2 $0x1082  }
0x22: {  	[simem:s7], [sflag:s8] =	dma.local @!p0 [hbm:s6], $0xF7A  }
0x23: {  	s9 =	sor.u32 $0xD0000000, s2;
	s6 =	simm.s32 $0x108;
	_ =	swait.ge @!p0 [sflag:s8], $0x0  }
0x24: {  	s3 =	sadd.s32 $0x88, s3;
	s6 =	simm.s32 @!p1 $0x1082;
	[sflag:s4] =	ssyncset.s32 $0xFFFFF086  }
0x25: {  	[simem:s6], [sflag:s4] =	dma.local [hbm:s3], $0xF7A  }
0x26: {  	[smem:$0x3F89] =	sst s1;
	(tag) =	ssettag s2;
	_ =	strace s9  }
0x27: {  	s1 =	sld [smem:$0x3F99]  }
0x28: {  	s2 =	sld [smem:$0x3F9A]  }
0x29: {  	s4 =	sld [smem:$0x3F9C]  }
0x2a: {  	p0 =	seq.s32 s5, $0x0;
	s5 =	sld [smem:$0x3F9D]  }
0x2b: {  	s6 =	sld [smem:$0x3F9E]  }
0x2c: {  	s7 =	sld [smem:$0x3F9F]  }
0x2d: {  	s3 =	simm.s32 $0x108;
	s8 =	sld [smem:$0x3FA0]  }
0x2e: {  	s3 =	simm.s32 @!p0 $0x1082;
	s9 =	sld [smem:$0x3FA1]  }
0x2f: {  	lr =	sadd.s32 s0, s3;
	s0 =	sld [smem:$0x3F98]  }
0x30: {  	s3 =	sld [smem:$0x3F9B]  }
0x31: {  	[smem:$0x3FA4] =	sst s10  }
0x32: {  	s10 =	sld [smem:$0x3FA2];
	_ =	sdelay $0x3  }
0x33: {  	p0 =	seq.s32 s10, $0x1;
	s10 =	sld [smem:$0x3FA4];
	_ =	sdelay $0x3  }
0x34: {  	[smem:$0x3FA4] =	sst s10  }
0x35: {  	s10 =	sld [smem:$0x3FA3];
	_ =	sdelay $0x3  }
0x36: {  	p1 =	seq.s32 s10, $0x1;
	s10 =	sld [smem:$0x3FA4];
	_ =	sdelay $0x3  }
0x37: {  	[smem:$0x3FA4] =	sst s10  }
0x38: {  	s10 =	sld [smem:$0x3FA5]  }
0x39: {  	_ = 	snop;
	(pc) =	sbr.ind lr, $3  }
0x3a: {  	_ = 	snop  }
0x3b: {  	_ = 	snop  }
0x3c: {  	p2 =	seq.s32 s10, $0x1;
	s10 =	sld [smem:$0x3FA4]  }
0x3d: {  	_ =	shalt  }
0x3e: {  	_ =	shalt  }
0x3f: {  	_ =	shalt  }
0x40: {  	_ =	shalt  }
0x41: {  	_ =	shalt  }
0x42: {  	_ =	shalt  }
0x43: {  	_ =	shalt  }
0x44: {  	_ =	shalt  }
0x45: {  	_ =	shalt  }
0x46: {  	_ =	shalt  }
0x47: {  	_ =	shalt  }
0x48: {  	_ =	shalt  }
0x49: {  	_ =	shalt  }
0x4a: {  	_ =	shalt  }
0x4b: {  	_ =	shalt  }
0x4c: {  	_ =	shalt  }
0x4d: {  	_ =	shalt  }
0x4e: {  	_ =	shalt  }
0x4f: {  	_ =	shalt  }
0x50: {  	_ =	shalt  }
0x51: {  	_ =	shalt  }
0x52: {  	_ =	shalt  }
0x53: {  	_ =	shalt  }
0x54: {  	_ =	shalt  }
0x55: {  	_ =	shalt  }
0x56: {  	_ =	shalt  }
0x57: {  	_ =	shalt  }
0x58: {  	_ =	shalt  }
0x59: {  	_ =	shalt  }
0x5a: {  	_ =	shalt  }
0x5b: {  	_ =	shalt  }
0x5c: {  	_ =	shalt  }
0x5d: {  	_ =	shalt  }
0x5e: {  	_ =	shalt  }
0x5f: {  	_ =	shalt  }
0x60: {  	_ =	shalt  }
0x61: {  	_ =	shalt  }
0x62: {  	_ =	shalt  }
0x63: {  	_ =	shalt  }
0x64: {  	_ =	shalt  }
0x65: {  	_ =	shalt  }
0x66: {  	_ =	shalt  }
0x67: {  	_ =	shalt  }
0x68: {  	_ =	shalt  }
0x69: {  	_ =	shalt  }
0x6a: {  	_ =	shalt  }
0x6b: {  	_ =	shalt  }
0x6c: {  	_ =	shalt  }
0x6d: {  	_ =	shalt  }
0x6e: {  	_ =	shalt  }
0x6f: {  	_ =	shalt  }
0x70: {  	_ =	shalt  }
0x71: {  	_ =	shalt  }
0x72: {  	_ =	shalt  }
0x73: {  	_ =	shalt  }
0x74: {  	_ =	shalt  }
0x75: {  	_ =	shalt  }
0x76: {  	_ =	shalt  }
0x77: {  	_ =	shalt  }
0x78: {  	_ =	shalt  }
0x79: {  	_ =	shalt  }
0x7a: {  	_ =	shalt  }
0x7b: {  	_ =	shalt  }
0x7c: {  	_ =	shalt  }
0x7d: {  	_ =	shalt  }
0x7e: {  	_ =	shalt  }
0x7f: {  	_ =	shalt  }
0x80: {  	_ =	shalt  }
0x81: {  	_ =	shalt  }
0x82: {  	_ =	shalt  }
0x83: {  	_ =	shalt  }
0x84: {  	_ =	shalt  }
0x85: {  	_ =	shalt  }
0x86: {  	_ =	shalt  }
0x87: {  	_ =	shalt  }
.Lfunc_end0:
.L_simem_size_0:
called_computation.1_lowered:
.L_overlay_start_0:
0x88: {  	s2 =	sld [smem:$0x3FD9]  }
0x89: {  	s3 =	sld [smem:$0x3FFE];
	_ =	sdelay $0x1  }
0x8a: {  	s1 =	srdreg.scid  }
0x8b: {  	s0 =	sand.u32 $0x1, s1  }
0x8c: {  	s16 =	sshll.u32 s0, $0xA;
	s2 =	sadd.s32 s3, s2  }
0x8d: {  	s2 =	sadd.s32 s2, s16  }
0x8e: {  	[smem:$0x3FB0] =	sst s2  }
0x8f: {  	_ = 	snop  }
0x90: {  	(tm) =	ssettm $0x1  }
0x91: {  	s17 =	sld [smem:$0x3FFB];
	_ =	sdelay $0x3  }
0x92: {  	_ =	strace s17  }
0x93: {  	s2 =	sld [smem:$0x3FFC];
	_ =	sdelay $0x3  }
0x94: {  	_ =	strace s2  }
0x95: {  	s2 =	sld [smem:$0x3FFD];
	_ =	sdelay $0x3  }
0x96: {  	_ =	strace s2  }
0x97: {  	_ =	strace $0x8FFFFFFF  }
0x98: {  	s18 =	sld [smem:$0x3FDB];
	_ =	sdelay $0x1  }
0x99: {  	s19 =	simm.s32 $_scs_section_size  }
0x9a: {  	s4 =	simm.s32 $_size__tile_overlayer_lowered;
	s5 =	simm.s32 $_tile_overlayer_lowered  }
0x9b: {  	s22 =	simm.s32 $0x1BFF;
	s21 =	sshll.u32 s5, $0x1;
	s2 =	sadd.s32 s19, s18  }
0x9c: {  	s6 =	simm.s32 $0x0;
	s20 =	sshll.u32 s4, $0x1;
	s4 =	sadd.s32 s21, s2  }
0x9d: {  	[timem:s6], [sflag:s22] =	dma.local [hbm:s4], s20  }
0x9e: {  	_ =	swait.ge [sflag:s22], s20  }
0x9f: {  	s3 =	ssub.s32 $0x0, s20;
	[sflag:s22] =	ssyncset.done $0x0  }
0xa0: {  	[sflag:s22] =	ssyncadd.s32 s3;
	_ =	sdelay $0x1  }
0xa1: {  	s23 =	simm.s32 $0x1B8B  }
0xa2: {  	_ =	swait.ge [sflag:s23], $0x1  }
0xa3: {  	[sflag:s23] =	ssyncset.done $0x0  }
0xa4: {  	s25 =	simm.s32 $0x1B8E;
	s24 =	sld [smem:$0x3FFE];
	[sflag:s23] =	ssyncadd.s32 $0xFFFFFFFF  }
0xa5: {  	s26 =	simm.s32 $execute0_lowered;
	[smem:$0x3FD2] =	sst s25  }
0xa6: {  	s4 =	sshll.u32 s26, $0x1;
	_ =	strace $0x80000049;
	[dreg:$0x1] =	wrdreg $0xFFFFFFFF  }
0xa7: {  	s28 =	simm.s32 $_size_execute0_lowered;
	s2 =	sadd.s32 s2, s4;
	[dreg:$0x0] =	wrdreg $0x0  }
0xa8: {  	s4 =	sshll.u32 s28, $0x1;
	[dreg:$0x2] =	wrdreg s2  }
0xa9: {  	[dreg:$0x3] =	wrdreg s4  }
0xaa: {  	[dreg:$0x4] =	wrdreg $0xC0  }
0xab: {  	_ =	task [dreg:s6], $0x5FFFF  }
0xac: {  	[dreg:$0x1] =	wrdreg $0xFFFFFFFF  }
0xad: {  	[dreg:$0x0] =	wrdreg $0x60  }
0xae: {  	[dreg:$0x2] =	wrdreg s24  }
0xaf: {  	[dreg:$0x3] =	wrdreg $0x9  }
0xb0: {  	_ =	task.clear_ibuf [dreg:s6], $0x4FFFF;
	_ =	strace $0x90000049  }
0xb1: {  	s29 =	simm.s32 $0x9;
	_ =	strace $0x8000004B  }
0xb2: {  	_ =	swait.ge [sflag:s29], $0x1  }
0xb3: {  	[sflag:s29] =	ssyncadd.s32 $0xFFFFFFFF  }
0xb4: {  	_ =	strace $0x9000004B  }
0xb5: {  	_ =	sfence  }
0xb6: {  	s30 =	sld [smem:$0x0];
	_ =	sdelay $0x2  }
0xb7: {  	s31 =	sshll.u32 s1, $0xD;
	s1 =	sshrl.u32 s1, $0x2  }
0xb8: {  	s3 =	sand.u32 $0x4000, s31;
	s1 =	sadd.s32 s1, s30  }
0xb9: {  	s0 =	sor.u32 s3, s0;
	s1 =	sshll.u32 s1, $0x11  }
0xba: {  	s0 =	sor.u32 s1, s0  }
0xbb: {  	s0 =	sadd.s32 $0x8F2B, s0  }
0xbc: {  	[sflag:s0] =	ssyncadd.remote.s32 $0x1  }
0xbd: {  	_ =	sfence.sel $0xFFFF  }
0xbe: {  	[dreg:$0x0] =	wrdreg $0xFFFFFFFF;
	(pc) =	sbr.abs _section_cstart, $3  }
0xbf: {  	[dreg:$0x1] =	wrdreg $0xFFFFFFFF  }
0xc0: {  	_ =	task.clear_ibuf [dreg:s6], $0x2FFFF;
	_ =	strace $0x9FFFFFFF  }
0xc1: {  	(tm) =	ssettm $0x7FFFFFFF  }
tec
execute0_lowered:
.L_overlay_start_1:
0x0: {  	(tag) =	ssettag $0x1  }
0x1: {  	s1 =	srdreg.scid;
	s0 =	stileid.u32  }
0x2: {  	s1 =	sand.u32 $0x1, s1;
	s3 =	sshll.u32 s0, $0x1  }
0x3: {  	s4 =	rddreg [dreg:$0x0];
	s2 =	simm.s32 $0x0;
	s3 =	sor.u32 s1, s3  }
0x4: {  	[smem:$0x7FF] =	sst s2;
	s30 =	smul.u32 $0x720, s3  }
0x5: {  	s29 =	sadd.s32 $0x238400, s4;
	[dreg:$0x17] =	wrdreg s1;
	s3 =	smul.u32 $0x7200, s3  }
0x6: {  	s31 =	sadd.s32 $0x5600, s4;
	_ =	strace $0x8000004A;
	s5 =	sshrl.u32 s30, $0x3  }
0x7: {  	s6 =	sadd.s32 $0x60, s30;
	s3 =	sadd.s32 s31, s3;
	s10 =	sadd.s32 $0xC0, s30  }
0x8: {  	s12 =	sadd.s32 $0x120, s30;
	s17 =	sadd.s32 $0x180, s30;
	s20 =	sadd.s32 $0x1E0, s30  }
0x9: {  	s25 =	sadd.s32 $0x240, s30;
	s1 =	sadd.s32 $0x2A0, s30;
	s5 =	sadd.s32 s29, s5  }
0xa: {  	s7 =	sshrl.u32 s6, $0x3;
	[dreg:$0x4] =	wrdreg s3;
	s11 =	sshrl.u32 s10, $0x3  }
0xb: {  	s6 =	sshll.u32 s6, $0x4;
	[dreg:$0x2] =	wrdreg s5;
	s9 =	sadd.s32 s29, s7  }
0xc: {  	s14 =	sshrl.u32 s12, $0x3;
	s3 =	sadd.s32 s29, s11;
	[dreg:$0x3] =	wrdreg s9  }
0xd: {  	s18 =	sshrl.u32 s17, $0x3;
	s13 =	sadd.s32 s31, s6;
	[dreg:$0x5] =	wrdreg s3  }
0xe: {  	s19 =	sshll.u32 s12, $0x4;
	s15 =	sadd.s32 s29, s14;
	[dreg:$0x6] =	wrdreg s13  }
0xf: {  	s22 =	sshrl.u32 s20, $0x3;
	s21 =	sadd.s32 s31, s19;
	[dreg:$0x7] =	wrdreg s15  }
0x10: {  	s0 =	sshll.u32 s20, $0x4;
	s23 =	sadd.s32 s29, s22;
	[dreg:$0xa] =	wrdreg s21  }
0x11: {  	s26 =	sshrl.u32 s25, $0x3;
	s8 =	sadd.s32 s31, s0;
	[dreg:$0xb] =	wrdreg s23  }
0x12: {  	s12 =	sadd.s32 $0x300, s30;
	s5 =	sshll.u32 s10, $0x4;
	[dreg:$0xe] =	wrdreg s8  }
0x13: {  	s14 =	sshrl.u32 s12, $0x3;
	s16 =	sadd.s32 s31, s5;
	s21 =	rddreg [dreg:$0x2]  }
0x14: {  	s3 =	sadd.s32 s29, s18;
	s5 =	sshll.u32 s17, $0x4;
	[dreg:$0x8] =	wrdreg s16  }
0x15: {  	s19 =	sshll.u32 s12, $0x4;
	[dreg:$0x9] =	wrdreg s3;
	s24 =	sadd.s32 s31, s5  }
0x16: {  	[tilespmem:s2], [sflag:$0x3] =	stream.linear.gather [hbm4b:s21+s2], $0x60, $0x38;
	[tilespmem:$0x9180] =	vst v63  }
0x17: {  	s9 =	sshrl.u32 s1, $0x3;
	s3 =	sadd.s32 s29, s26;
	[dreg:$0xc] =	wrdreg s24  }
0x18: {  	s15 =	sshll.u32 s1, $0x4;
	s10 =	sadd.s32 s29, s9;
	[dreg:$0xd] =	wrdreg s3  }
0x19: {  	s5 =	sshll.u32 s25, $0x4;
	s16 =	sadd.s32 s31, s15;
	[dreg:$0xf] =	wrdreg s10  }
0x1a: {  	s13 =	sadd.s32 $0x360, s30;
	s11 =	sadd.s32 s31, s5;
	[dreg:$0x12] =	wrdreg s16  }
0x1b: {  	s17 =	sshrl.u32 s13, $0x3;
	s3 =	sadd.s32 s29, s14;
	[dreg:$0x10] =	wrdreg s11  }
0x1c: {  	s15 =	sadd.s32 $0x3C0, s30;
	s18 =	sadd.s32 s29, s17;
	[dreg:$0x11] =	wrdreg s3  }
0x1d: {  	s20 =	sshrl.u32 s15, $0x3;
	[dreg:$0x13] =	wrdreg s18;
	s3 =	sadd.s32 s31, s19  }
0x1e: {  	s22 =	sadd.s32 s29, s20;
	[dreg:$0x14] =	wrdreg s3  }
0x1f: {  	[dreg:$0x15] =	wrdreg s22;
	s3 =	simm.s32 $0x3  }
0x20: {  	_ =	swait.ge [sflag:s3], $0x60  }
0x21: {  	s4 =	sadd.s32 $0x23A200, s4;
	[sflag:s3] =	ssyncset.done $0x0  }
0x22: {  	s6 =	simm.s32 $0x180;
	s5 =	simm.s32 $0x60;
	[sflag:s3] =	ssyncadd.s32 $0xFFFFFFA0  }
0x23: {  	[tilespmem:s6], [sflag:$0x1] =	stream.indirect.gather [hbm4b:s4+s5], $0x80, s2, s5, $0xb8;
	[tilespmem:$0x9180] =	vst v63  }
0x24: {  	s7 =	simm.s32 $0x80;
	s8 =	rddreg [dreg:$0x3]  }
0x25: {  	[tilespmem:s7], [sflag:$0x3] =	stream.linear.gather [hbm4b:s8+s2], $0x60, $0x38;
	[tilespmem:$0x9180] =	vst v63  }
0x26: {  	_ =	swait.ge [sflag:s3], $0x60  }
0x27: {  	[sflag:s3] =	ssyncset.done $0x0  }
0x28: {  	s9 =	simm.s32 $0x1;
	s8 =	simm.s32 $0x3180;
	[sflag:s3] =	ssyncadd.s32 $0xFFFFFFA0  }
0x29: {  	[tilespmem:s8], [sflag:$0x1] =	stream.indirect.gather [hbm4b:s4+s5], $0x80, s7, s5, $0xb8;
	[tilespmem:$0x9180] =	vst v63  }
0x2a: {  	_ =	swait.ge [sflag:s9], $0x3000  }
0x2b: {  	[sflag:s9] =	ssyncset.done $0x0  }
0x2c: {  	s10 =	rddreg [dreg:$0x4];
	[sflag:s9] =	ssyncadd.s32 $0xFFFFD000  }
0x2d: {  	[hbm4b:s10+s2] =	stream.linear.scatter [tilespmem:s6], [sflag:$0x2], $0x3000, $0x38;
	[tilespmem:$0x9180] =	vst v63  }
0x2e: {  	s11 =	rddreg [dreg:$0x5];
	s10 =	simm.s32 $0x100  }
0x2f: {  	[tilespmem:s10], [sflag:$0x3] =	stream.linear.gather [hbm4b:s11+s2], $0x60, $0x38;
	[tilespmem:$0x9180] =	vst v63  }
0x30: {  	_ =	swait.ge [sflag:s3], $0x60  }
0x31: {  	[sflag:s3] =	ssyncset.done $0x0  }
0x32: {  	s11 =	simm.s32 $0x6180;
	[sflag:s3] =	ssyncadd.s32 $0xFFFFFFA0  }
0x33: {  	[tilespmem:s11], [sflag:$0x1] =	stream.indirect.gather [hbm4b:s4+s5], $0x80, s10, s5, $0xb8;
	[tilespmem:$0x9180] =	vst v63  }
0x34: {  	_ =	swait.ge [sflag:s9], $0x3000  }
0x35: {  	[sflag:s9] =	ssyncset.done $0x0  }
0x36: {  	s12 =	simm.s32 $0x2;
	s14 =	rddreg [dreg:$0x6];
	[sflag:s9] =	ssyncadd.s32 $0xFFFFD000  }
0x37: {  	[hbm4b:s14+s2] =	stream.linear.scatter [tilespmem:s8], [sflag:$0x2], $0x3000, $0x38;
	[tilespmem:$0x9180] =	vst v63  }
0x38: {  	_ =	swait.ge [sflag:s12], $0x3000  }
0x39: {  	[sflag:s12] =	ssyncset.done $0x0  }
0x3a: {  	s23 =	rddreg [dreg:$0x7];
	[sflag:s12] =	ssyncadd.s32 $0xFFFFD000  }
0x3b: {  	[tilespmem:s2], [sflag:$0x3] =	stream.linear.gather [hbm4b:s23+s2], $0x60, $0x38;
	[tilespmem:$0x9180] =	vst v63  }
0x3c: {  	_ =	swait.ge [sflag:s3], $0x60  }
0x3d: {  	[sflag:s3] =	ssyncset.done $0x0  }
0x3e: {  	[sflag:s3] =	ssyncadd.s32 $0xFFFFFFA0  }
0x3f: {  	[tilespmem:s6], [sflag:$0x1] =	stream.indirect.gather [hbm4b:s4+s5], $0x80, s2, s5, $0xb8;
	[tilespmem:$0x9180] =	vst v63  }
0x40: {  	_ =	swait.ge [sflag:s9], $0x3000  }
0x41: {  	[sflag:s9] =	ssyncset.done $0x0  }
0x42: {  	s24 =	rddreg [dreg:$0x8];
	[sflag:s9] =	ssyncadd.s32 $0xFFFFD000  }
0x43: {  	[hbm4b:s24+s2] =	stream.linear.scatter [tilespmem:s11], [sflag:$0x2], $0x3000, $0x38;
	[tilespmem:$0x9180] =	vst v63  }
0x44: {  	_ =	swait.ge [sflag:s12], $0x3000  }
0x45: {  	[sflag:s12] =	ssyncset.done $0x0  }
0x46: {  	s25 =	rddreg [dreg:$0x9];
	[sflag:s12] =	ssyncadd.s32 $0xFFFFD000  }
0x47: {  	[tilespmem:s7], [sflag:$0x3] =	stream.linear.gather [hbm4b:s25+s2], $0x60, $0x38;
	[tilespmem:$0x9180] =	vst v63  }
0x48: {  	_ =	swait.ge [sflag:s3], $0x60  }
0x49: {  	[sflag:s3] =	ssyncset.done $0x0  }
0x4a: {  	[sflag:s3] =	ssyncadd.s32 $0xFFFFFFA0  }
0x4b: {  	[tilespmem:s8], [sflag:$0x1] =	stream.indirect.gather [hbm4b:s4+s5], $0x80, s7, s5, $0xb8;
	[tilespmem:$0x9180] =	vst v63  }
0x4c: {  	_ =	swait.ge [sflag:s9], $0x3000  }
0x4d: {  	[sflag:s9] =	ssyncset.done $0x0  }
0x4e: {  	s26 =	rddreg [dreg:$0xa];
	[sflag:s9] =	ssyncadd.s32 $0xFFFFD000  }
0x4f: {  	[hbm4b:s26+s2] =	stream.linear.scatter [tilespmem:s6], [sflag:$0x2], $0x3000, $0x38;
	[tilespmem:$0x9180] =	vst v63  }
0x50: {  	_ =	swait.ge [sflag:s12], $0x3000  }
0x51: {  	[sflag:s12] =	ssyncset.done $0x0  }
0x52: {  	s0 =	rddreg [dreg:$0xb];
	[sflag:s12] =	ssyncadd.s32 $0xFFFFD000  }
0x53: {  	[tilespmem:s10], [sflag:$0x3] =	stream.linear.gather [hbm4b:s0+s2], $0x60, $0x38;
	[tilespmem:$0x9180] =	vst v63  }
0x54: {  	_ =	swait.ge [sflag:s3], $0x60  }
0x55: {  	[sflag:s3] =	ssyncset.done $0x0  }
0x56: {  	[sflag:s3] =	ssyncadd.s32 $0xFFFFFFA0  }
0x57: {  	[tilespmem:s11], [sflag:$0x1] =	stream.indirect.gather [hbm4b:s4+s5], $0x80, s10, s5, $0xb8;
	[tilespmem:$0x9180] =	vst v63  }
0x58: {  	_ =	swait.ge [sflag:s9], $0x3000  }
0x59: {  	[sflag:s9] =	ssyncset.done $0x0  }
0x5a: {  	s1 =	rddreg [dreg:$0xc];
	[sflag:s9] =	ssyncadd.s32 $0xFFFFD000  }
0x5b: {  	[hbm4b:s1+s2] =	stream.linear.scatter [tilespmem:s8], [sflag:$0x2], $0x3000, $0x38;
	[tilespmem:$0x9180] =	vst v63  }
0x5c: {  	_ =	swait.ge [sflag:s12], $0x3000  }
0x5d: {  	[sflag:s12] =	ssyncset.done $0x0  }
0x5e: {  	s16 =	rddreg [dreg:$0xd];
	[sflag:s12] =	ssyncadd.s32 $0xFFFFD000  }
0x5f: {  	[tilespmem:s2], [sflag:$0x3] =	stream.linear.gather [hbm4b:s16+s2], $0x60, $0x38;
	[tilespmem:$0x9180] =	vst v63  }
0x60: {  	_ =	swait.ge [sflag:s3], $0x60  }
0x61: {  	[sflag:s3] =	ssyncset.done $0x0  }
0x62: {  	[sflag:s3] =	ssyncadd.s32 $0xFFFFFFA0  }
0x63: {  	[tilespmem:s6], [sflag:$0x1] =	stream.indirect.gather [hbm4b:s4+s5], $0x80, s2, s5, $0xb8;
	[tilespmem:$0x9180] =	vst v63  }
0x64: {  	_ =	swait.ge [sflag:s9], $0x3000  }
0x65: {  	[sflag:s9] =	ssyncset.done $0x0  }
0x66: {  	s17 =	rddreg [dreg:$0xe];
	[sflag:s9] =	ssyncadd.s32 $0xFFFFD000  }
0x67: {  	[hbm4b:s17+s2] =	stream.linear.scatter [tilespmem:s11], [sflag:$0x2], $0x3000, $0x38;
	[tilespmem:$0x9180] =	vst v63  }
0x68: {  	_ =	swait.ge [sflag:s12], $0x3000  }
0x69: {  	[sflag:s12] =	ssyncset.done $0x0  }
0x6a: {  	s18 =	rddreg [dreg:$0xf];
	[sflag:s12] =	ssyncadd.s32 $0xFFFFD000  }
0x6b: {  	[tilespmem:s7], [sflag:$0x3] =	stream.linear.gather [hbm4b:s18+s2], $0x60, $0x38;
	[tilespmem:$0x9180] =	vst v63  }
0x6c: {  	_ =	swait.ge [sflag:s3], $0x60  }
0x6d: {  	[sflag:s3] =	ssyncset.done $0x0  }
0x6e: {  	[sflag:s3] =	ssyncadd.s32 $0xFFFFFFA0  }
0x6f: {  	[tilespmem:s8], [sflag:$0x1] =	stream.indirect.gather [hbm4b:s4+s5], $0x80, s7, s5, $0xb8;
	[tilespmem:$0x9180] =	vst v63  }
0x70: {  	_ =	swait.ge [sflag:s9], $0x3000  }
0x71: {  	[sflag:s9] =	ssyncset.done $0x0  }
0x72: {  	s19 =	rddreg [dreg:$0x10];
	[sflag:s9] =	ssyncadd.s32 $0xFFFFD000  }
0x73: {  	[hbm4b:s19+s2] =	stream.linear.scatter [tilespmem:s6], [sflag:$0x2], $0x3000, $0x38;
	[tilespmem:$0x9180] =	vst v63  }
0x74: {  	_ =	swait.ge [sflag:s12], $0x3000  }
0x75: {  	[sflag:s12] =	ssyncset.done $0x0  }
0x76: {  	s20 =	rddreg [dreg:$0x11];
	[sflag:s12] =	ssyncadd.s32 $0xFFFFD000  }
0x77: {  	[tilespmem:s10], [sflag:$0x3] =	stream.linear.gather [hbm4b:s20+s2], $0x60, $0x38;
	[tilespmem:$0x9180] =	vst v63  }
0x78: {  	_ =	swait.ge [sflag:s3], $0x60  }
0x79: {  	[sflag:s3] =	ssyncset.done $0x0  }
0x7a: {  	[sflag:s3] =	ssyncadd.s32 $0xFFFFFFA0  }
0x7b: {  	[tilespmem:s11], [sflag:$0x1] =	stream.indirect.gather [hbm4b:s4+s5], $0x80, s10, s5, $0xb8;
	[tilespmem:$0x9180] =	vst v63  }
0x7c: {  	_ =	swait.ge [sflag:s9], $0x3000  }
0x7d: {  	[sflag:s9] =	ssyncset.done $0x0  }
0x7e: {  	s21 =	rddreg [dreg:$0x12];
	[sflag:s9] =	ssyncadd.s32 $0xFFFFD000  }
0x7f: {  	[hbm4b:s21+s2] =	stream.linear.scatter [tilespmem:s8], [sflag:$0x2], $0x3000, $0x38;
	[tilespmem:$0x9180] =	vst v63  }
0x80: {  	_ =	swait.ge [sflag:s12], $0x3000  }
0x81: {  	[sflag:s12] =	ssyncset.done $0x0  }
0x82: {  	s22 =	rddreg [dreg:$0x13];
	[sflag:s12] =	ssyncadd.s32 $0xFFFFD000  }
0x83: {  	[tilespmem:s2], [sflag:$0x3] =	stream.linear.gather [hbm4b:s22+s2], $0x60, $0x38;
	[tilespmem:$0x9180] =	vst v63  }
0x84: {  	_ =	swait.ge [sflag:s3], $0x60  }
0x85: {  	[sflag:s3] =	ssyncset.done $0x0  }
0x86: {  	[sflag:s3] =	ssyncadd.s32 $0xFFFFFFA0  }
0x87: {  	[tilespmem:s6], [sflag:$0x1] =	stream.indirect.gather [hbm4b:s4+s5], $0x80, s2, s5, $0xb8;
	[tilespmem:$0x9180] =	vst v63  }
0x88: {  	_ =	swait.ge [sflag:s9], $0x3000  }
0x89: {  	[sflag:s9] =	ssyncset.done $0x0  }
0x8a: {  	s23 =	rddreg [dreg:$0x14];
	[sflag:s9] =	ssyncadd.s32 $0xFFFFD000  }
0x8b: {  	[hbm4b:s23+s2] =	stream.linear.scatter [tilespmem:s11], [sflag:$0x2], $0x3000, $0x38;
	[tilespmem:$0x9180] =	vst v63  }
0x8c: {  	_ =	swait.ge [sflag:s12], $0x3000  }
0x8d: {  	[sflag:s12] =	ssyncset.done $0x0  }
0x8e: {  	s24 =	rddreg [dreg:$0x15];
	[sflag:s12] =	ssyncadd.s32 $0xFFFFD000  }
0x8f: {  	[tilespmem:s7], [sflag:$0x3] =	stream.linear.gather [hbm4b:s24+s2], $0x60, $0x38;
	[tilespmem:$0x9180] =	vst v63  }
0x90: {  	_ =	swait.ge [sflag:s3], $0x60  }
0x91: {  	[sflag:s3] =	ssyncset.done $0x0  }
0x92: {  	[sflag:s3] =	ssyncadd.s32 $0xFFFFFFA0  }
0x93: {  	[tilespmem:s8], [sflag:$0x1] =	stream.indirect.gather [hbm4b:s4+s5], $0x80, s7, s5, $0xb8;
	[tilespmem:$0x9180] =	vst v63  }
0x94: {  	s13 =	sshll.u32 s13, $0x4;
	_ =	swait.ge [sflag:s9], $0x3000  }
0x95: {  	s25 =	sadd.s32 s31, s13;
	[sflag:s9] =	ssyncset.done $0x0  }
0x96: {  	[dreg:$0x16] =	wrdreg s25;
	[sflag:s9] =	ssyncadd.s32 $0xFFFFD000  }
0x97: {  	[hbm4b:s25+s2] =	stream.linear.scatter [tilespmem:s6], [sflag:$0x2], $0x3000, $0x38;
	[tilespmem:$0x9180] =	vst v63  }
0x98: {  	s17 =	sadd.s32 $0x420, s30;
	_ =	swait.ge [sflag:s12], $0x3000  }
0x99: {  	s26 =	sshrl.u32 s17, $0x3;
	[sflag:s12] =	ssyncset.done $0x0  }
0x9a: {  	s0 =	sadd.s32 s29, s26;
	[sflag:s12] =	ssyncadd.s32 $0xFFFFD000  }
0x9b: {  	[tilespmem:s10], [sflag:$0x3] =	stream.linear.gather [hbm4b:s0+s2], $0x60, $0x38;
	[tilespmem:$0x9180] =	vst v63  }
0x9c: {  	_ =	swait.ge [sflag:s3], $0x60  }
0x9d: {  	[sflag:s3] =	ssyncset.done $0x0  }
0x9e: {  	[sflag:s3] =	ssyncadd.s32 $0xFFFFFFA0  }
0x9f: {  	[tilespmem:s11], [sflag:$0x1] =	stream.indirect.gather [hbm4b:s4+s5], $0x80, s10, s5, $0xb8;
	[tilespmem:$0x9180] =	vst v63  }
0xa0: {  	_ =	swait.ge [sflag:s9], $0x3000  }
0xa1: {  	s15 =	sshll.u32 s15, $0x4;
	[sflag:s9] =	ssyncset.done $0x0  }
0xa2: {  	s15 =	sadd.s32 s31, s15;
	[sflag:s9] =	ssyncadd.s32 $0xFFFFD000  }
0xa3: {  	[hbm4b:s15+s2] =	stream.linear.scatter [tilespmem:s8], [sflag:$0x2], $0x3000, $0x38;
	[tilespmem:$0x9180] =	vst v63  }
0xa4: {  	s19 =	sadd.s32 $0x480, s30;
	_ =	swait.ge [sflag:s12], $0x3000  }
0xa5: {  	s16 =	sshrl.u32 s19, $0x3;
	[sflag:s12] =	ssyncset.done $0x0  }
0xa6: {  	s16 =	sadd.s32 s29, s16;
	[sflag:s12] =	ssyncadd.s32 $0xFFFFD000  }
0xa7: {  	[tilespmem:s2], [sflag:$0x3] =	stream.linear.gather [hbm4b:s16+s2], $0x60, $0x38;
	[tilespmem:$0x9180] =	vst v63  }
0xa8: {  	_ =	swait.ge [sflag:s3], $0x60  }
0xa9: {  	[sflag:s3] =	ssyncset.done $0x0  }
0xaa: {  	[sflag:s3] =	ssyncadd.s32 $0xFFFFFFA0  }
0xab: {  	[tilespmem:s6], [sflag:$0x1] =	stream.indirect.gather [hbm4b:s4+s5], $0x80, s2, s5, $0xb8;
	[tilespmem:$0x9180] =	vst v63  }
0xac: {  	_ =	swait.ge [sflag:s9], $0x3000  }
0xad: {  	s17 =	sshll.u32 s17, $0x4;
	[sflag:s9] =	ssyncset.done $0x0  }
0xae: {  	s17 =	sadd.s32 s31, s17;
	[sflag:s9] =	ssyncadd.s32 $0xFFFFD000  }
0xaf: {  	[hbm4b:s17+s2] =	stream.linear.scatter [tilespmem:s11], [sflag:$0x2], $0x3000, $0x38;
	[tilespmem:$0x9180] =	vst v63  }
0xb0: {  	s21 =	sadd.s32 $0x4E0, s30;
	_ =	swait.ge [sflag:s12], $0x3000  }
0xb1: {  	s18 =	sshrl.u32 s21, $0x3;
	[sflag:s12] =	ssyncset.done $0x0  }
0xb2: {  	s18 =	sadd.s32 s29, s18;
	[sflag:s12] =	ssyncadd.s32 $0xFFFFD000  }
0xb3: {  	[tilespmem:s7], [sflag:$0x3] =	stream.linear.gather [hbm4b:s18+s2], $0x60, $0x38;
	[tilespmem:$0x9180] =	vst v63  }
0xb4: {  	_ =	swait.ge [sflag:s3], $0x60  }
0xb5: {  	[sflag:s3] =	ssyncset.done $0x0  }
0xb6: {  	[sflag:s3] =	ssyncadd.s32 $0xFFFFFFA0  }
0xb7: {  	[tilespmem:s8], [sflag:$0x1] =	stream.indirect.gather [hbm4b:s4+s5], $0x80, s7, s5, $0xb8;
	[tilespmem:$0x9180] =	vst v63  }
0xb8: {  	_ =	swait.ge [sflag:s9], $0x3000  }
0xb9: {  	s19 =	sshll.u32 s19, $0x4;
	[sflag:s9] =	ssyncset.done $0x0  }
0xba: {  	s19 =	sadd.s32 s31, s19;
	[sflag:s9] =	ssyncadd.s32 $0xFFFFD000  }
0xbb: {  	[hbm4b:s19+s2] =	stream.linear.scatter [tilespmem:s6], [sflag:$0x2], $0x3000, $0x38;
	[tilespmem:$0x9180] =	vst v63  }
0xbc: {  	s23 =	sadd.s32 $0x540, s30;
	_ =	swait.ge [sflag:s12], $0x3000  }
0xbd: {  	s20 =	sshrl.u32 s23, $0x3;
	[sflag:s12] =	ssyncset.done $0x0  }
0xbe: {  	s20 =	sadd.s32 s29, s20;
	[sflag:s12] =	ssyncadd.s32 $0xFFFFD000  }
0xbf: {  	[tilespmem:s10], [sflag:$0x3] =	stream.linear.gather [hbm4b:s20+s2], $0x60, $0x38;
	[tilespmem:$0x9180] =	vst v63  }
0xc0: {  	_ =	swait.ge [sflag:s3], $0x60  }
0xc1: {  	[sflag:s3] =	ssyncset.done $0x0  }
0xc2: {  	[sflag:s3] =	ssyncadd.s32 $0xFFFFFFA0  }
0xc3: {  	[tilespmem:s11], [sflag:$0x1] =	stream.indirect.gather [hbm4b:s4+s5], $0x80, s10, s5, $0xb8;
	[tilespmem:$0x9180] =	vst v63  }
0xc4: {  	_ =	swait.ge [sflag:s9], $0x3000  }
0xc5: {  	s21 =	sshll.u32 s21, $0x4;
	[sflag:s9] =	ssyncset.done $0x0  }
0xc6: {  	s21 =	sadd.s32 s31, s21;
	[sflag:s9] =	ssyncadd.s32 $0xFFFFD000  }
0xc7: {  	[hbm4b:s21+s2] =	stream.linear.scatter [tilespmem:s8], [sflag:$0x2], $0x3000, $0x38;
	[tilespmem:$0x9180] =	vst v63  }
0xc8: {  	s25 =	sadd.s32 $0x5A0, s30;
	_ =	swait.ge [sflag:s12], $0x3000  }
0xc9: {  	s22 =	sshrl.u32 s25, $0x3;
	[sflag:s12] =	ssyncset.done $0x0  }
0xca: {  	s22 =	sadd.s32 s29, s22;
	[sflag:s12] =	ssyncadd.s32 $0xFFFFD000  }
0xcb: {  	[tilespmem:s2], [sflag:$0x3] =	stream.linear.gather [hbm4b:s22+s2], $0x60, $0x38;
	[tilespmem:$0x9180] =	vst v63  }
0xcc: {  	_ =	swait.ge [sflag:s3], $0x60  }
0xcd: {  	[sflag:s3] =	ssyncset.done $0x0  }
0xce: {  	[sflag:s3] =	ssyncadd.s32 $0xFFFFFFA0  }
0xcf: {  	[tilespmem:s6], [sflag:$0x1] =	stream.indirect.gather [hbm4b:s4+s5], $0x80, s2, s5, $0xb8;
	[tilespmem:$0x9180] =	vst v63  }
0xd0: {  	_ =	swait.ge [sflag:s9], $0x3000  }
0xd1: {  	s23 =	sshll.u32 s23, $0x4;
	[sflag:s9] =	ssyncset.done $0x0  }
0xd2: {  	s23 =	sadd.s32 s31, s23;
	[sflag:s9] =	ssyncadd.s32 $0xFFFFD000  }
0xd3: {  	[hbm4b:s23+s2] =	stream.linear.scatter [tilespmem:s11], [sflag:$0x2], $0x3000, $0x38;
	[tilespmem:$0x9180] =	vst v63  }
0xd4: {  	s28 =	sadd.s32 $0x600, s30;
	_ =	swait.ge [sflag:s12], $0x3000  }
0xd5: {  	s24 =	sshrl.u32 s28, $0x3;
	[sflag:s12] =	ssyncset.done $0x0  }
0xd6: {  	s24 =	sadd.s32 s29, s24;
	[sflag:s12] =	ssyncadd.s32 $0xFFFFD000  }
0xd7: {  	[tilespmem:s7], [sflag:$0x3] =	stream.linear.gather [hbm4b:s24+s2], $0x60, $0x38;
	[tilespmem:$0x9180] =	vst v63  }
0xd8: {  	_ =	swait.ge [sflag:s3], $0x60  }
0xd9: {  	[sflag:s3] =	ssyncset.done $0x0  }
0xda: {  	[sflag:s3] =	ssyncadd.s32 $0xFFFFFFA0  }
0xdb: {  	[tilespmem:s8], [sflag:$0x1] =	stream.indirect.gather [hbm4b:s4+s5], $0x80, s7, s5, $0xb8;
	[tilespmem:$0x9180] =	vst v63  }
0xdc: {  	_ =	swait.ge [sflag:s9], $0x3000  }
0xdd: {  	s25 =	sshll.u32 s25, $0x4;
	[sflag:s9] =	ssyncset.done $0x0  }
0xde: {  	s25 =	sadd.s32 s31, s25;
	[sflag:s9] =	ssyncadd.s32 $0xFFFFD000  }
0xdf: {  	[hbm4b:s25+s2] =	stream.linear.scatter [tilespmem:s6], [sflag:$0x2], $0x3000, $0x38;
	[tilespmem:$0x9180] =	vst v63  }
0xe0: {  	s14 =	smov.u32 s0;
	s0 =	sadd.s32 $0x660, s30;
	_ =	swait.ge [sflag:s12], $0x3000  }
0xe1: {  	s26 =	sshrl.u32 s0, $0x3;
	[sflag:s12] =	ssyncset.done $0x0  }
0xe2: {  	s26 =	sadd.s32 s29, s26;
	[sflag:s12] =	ssyncadd.s32 $0xFFFFD000  }
0xe3: {  	[tilespmem:s10], [sflag:$0x3] =	stream.linear.gather [hbm4b:s26+s2], $0x60, $0x38;
	[tilespmem:$0x9180] =	vst v63  }
0xe4: {  	_ =	swait.ge [sflag:s3], $0x60  }
0xe5: {  	[sflag:s3] =	ssyncset.done $0x0  }
0xe6: {  	[sflag:s3] =	ssyncadd.s32 $0xFFFFFFA0  }
0xe7: {  	[tilespmem:s11], [sflag:$0x1] =	stream.indirect.gather [hbm4b:s4+s5], $0x80, s10, s5, $0xb8;
	[tilespmem:$0x9180] =	vst v63  }
0xe8: {  	_ =	swait.ge [sflag:s9], $0x3000  }
0xe9: {  	s28 =	sshll.u32 s28, $0x4;
	[sflag:s9] =	ssyncset.done $0x0  }
0xea: {  	s28 =	sadd.s32 s31, s28;
	[sflag:s9] =	ssyncadd.s32 $0xFFFFD000  }
0xeb: {  	[hbm4b:s28+s2] =	stream.linear.scatter [tilespmem:s8], [sflag:$0x2], $0x3000, $0x38;
	[tilespmem:$0x9180] =	vst v63  }
0xec: {  	s13 =	sadd.s32 $0x6C0, s30;
	_ =	swait.ge [sflag:s12], $0x3000  }
0xed: {  	s30 =	sshrl.u32 s13, $0x3;
	[sflag:s12] =	ssyncset.done $0x0  }
0xee: {  	s29 =	sadd.s32 s29, s30;
	[sflag:s12] =	ssyncadd.s32 $0xFFFFD000  }
0xef: {  	[tilespmem:s2], [sflag:$0x3] =	stream.linear.gather [hbm4b:s29+s2], $0x60, $0x38;
	[tilespmem:$0x9180] =	vst v63  }
0xf0: {  	_ =	swait.ge [sflag:s3], $0x60  }
0xf1: {  	[sflag:s3] =	ssyncset.done $0x0  }
0xf2: {  	[sflag:s3] =	ssyncadd.s32 $0xFFFFFFA0  }
0xf3: {  	[tilespmem:s6], [sflag:$0x1] =	stream.indirect.gather [hbm4b:s4+s5], $0x80, s2, s5, $0xb8;
	[tilespmem:$0x9180] =	vst v63  }
0xf4: {  	_ =	swait.ge [sflag:s9], $0x3000  }
0xf5: {  	s1 =	sshll.u32 s0, $0x4;
	[sflag:s9] =	ssyncset.done $0x0  }
0xf6: {  	s30 =	sadd.s32 s31, s1;
	[sflag:s9] =	ssyncadd.s32 $0xFFFFD000  }
0xf7: {  	[hbm4b:s30+s2] =	stream.linear.scatter [tilespmem:s11], [sflag:$0x2], $0x3000, $0x38;
	[tilespmem:$0x9180] =	vst v63  }
0xf8: {  	_ =	swait.ge [sflag:s9], $0x3000  }
0xf9: {  	s0 =	sshll.u32 s13, $0x4;
	[sflag:s9] =	ssyncset.done $0x0  }
0xfa: {  	s31 =	sadd.s32 s31, s0;
	[sflag:s9] =	ssyncadd.s32 $0xFFFFD000  }
0xfb: {  	[hbm4b:s31+s2] =	stream.linear.scatter [tilespmem:s6], [sflag:$0x2], $0x3000, $0x38;
	[tilespmem:$0x9180] =	vst v63  }
0xfc: {  	_ =	swait.ge [sflag:s12], $0x3000  }
0xfd: {  	s1 =	rddreg [dreg:$0x17]  }
0xfe: {  	s0 =	ssub.s32 $0x2, s1  }
0xff: {  	s13 =	sshrl.u32 s0, $0x1  }
0x100: {  	s0 =	ssub.s32 s0, s13  }
0x101: {  	s0 =	smax.u32 s0, $0x1  }
0x102: {  	[sflag:s12] =	ssyncset.done $0x0;
	p0 =	sne.s32 s0, $0x1  }
.Ltmp0:
0x103: {  	[sflag:s12] =	ssyncadd.s32 $0xFFFFD000;
	(pc) =	sbr.rel @!p0 .LBB2_2-.Ltmp0, $4  }
0x104: {  	_ =	swait.ge [sflag:s12], $0x3000  }
0x105: {  	[sflag:s12] =	ssyncset.done $0x0  }
0x106: {  	[sflag:s12] =	ssyncadd.s32 $0xFFFFD000  }
0x107: {  	s1 =	sadd.s32 $0xFFFFFFFF, s0;
	_ =	swait.ge [sflag:s12], $0x3000  }
.LBB2_1:
0x108: {  	[sflag:s12] =	ssyncset.done $0x0  }
0x109: {  	s0 =	rddreg [dreg:$0x2];
	[sflag:s12] =	ssyncadd.s32 $0xFFFFD000  }
0x10a: {  	[tilespmem:s2], [sflag:$0x3] =	stream.linear.gather [hbm4b:s0+s2], $0x60, $0x38;
	[tilespmem:$0x9180] =	vst v63  }
0x10b: {  	_ =	swait.ge [sflag:s3], $0x60  }
0x10c: {  	[sflag:s3] =	ssyncset.done $0x0  }
0x10d: {  	[sflag:s3] =	ssyncadd.s32 $0xFFFFFFA0  }
0x10e: {  	[tilespmem:s6], [sflag:$0x1] =	stream.indirect.gather [hbm4b:s4+s5], $0x80, s2, s5, $0xb8;
	[tilespmem:$0x9180] =	vst v63  }
0x10f: {  	s13 =	rddreg [dreg:$0x3]  }
0x110: {  	[tilespmem:s7], [sflag:$0x3] =	stream.linear.gather [hbm4b:s13+s2], $0x60, $0x38;
	[tilespmem:$0x9180] =	vst v63  }
0x111: {  	_ =	swait.ge [sflag:s3], $0x60  }
0x112: {  	[sflag:s3] =	ssyncset.done $0x0  }
0x113: {  	[sflag:s3] =	ssyncadd.s32 $0xFFFFFFA0  }
0x114: {  	[tilespmem:s8], [sflag:$0x1] =	stream.indirect.gather [hbm4b:s4+s5], $0x80, s7, s5, $0xb8;
	[tilespmem:$0x9180] =	vst v63  }
0x115: {  	_ =	swait.ge [sflag:s9], $0x3000  }
0x116: {  	[sflag:s9] =	ssyncset.done $0x0  }
0x117: {  	s0 =	rddreg [dreg:$0x4];
	[sflag:s9] =	ssyncadd.s32 $0xFFFFD000  }
0x118: {  	[hbm4b:s0+s2] =	stream.linear.scatter [tilespmem:s6], [sflag:$0x2], $0x3000, $0x38;
	[tilespmem:$0x9180] =	vst v63  }
0x119: {  	s13 =	rddreg [dreg:$0x5]  }
0x11a: {  	[tilespmem:s10], [sflag:$0x3] =	stream.linear.gather [hbm4b:s13+s2], $0x60, $0x38;
	[tilespmem:$0x9180] =	vst v63  }
0x11b: {  	_ =	swait.ge [sflag:s3], $0x60  }
0x11c: {  	[sflag:s3] =	ssyncset.done $0x0  }
0x11d: {  	[sflag:s3] =	ssyncadd.s32 $0xFFFFFFA0  }
0x11e: {  	[tilespmem:s11], [sflag:$0x1] =	stream.indirect.gather [hbm4b:s4+s5], $0x80, s10, s5, $0xb8;
	[tilespmem:$0x9180] =	vst v63  }
0x11f: {  	_ =	swait.ge [sflag:s9], $0x3000  }
0x120: {  	[sflag:s9] =	ssyncset.done $0x0  }
0x121: {  	s13 =	rddreg [dreg:$0x6];
	[sflag:s9] =	ssyncadd.s32 $0xFFFFD000  }
0x122: {  	[hbm4b:s13+s2] =	stream.linear.scatter [tilespmem:s8], [sflag:$0x2], $0x3000, $0x38;
	[tilespmem:$0x9180] =	vst v63  }
0x123: {  	_ =	swait.ge [sflag:s12], $0x3000  }
0x124: {  	[sflag:s12] =	ssyncset.done $0x0  }
0x125: {  	s13 =	rddreg [dreg:$0x7];
	[sflag:s12] =	ssyncadd.s32 $0xFFFFD000  }
0x126: {  	[tilespmem:s2], [sflag:$0x3] =	stream.linear.gather [hbm4b:s13+s2], $0x60, $0x38;
	[tilespmem:$0x9180] =	vst v63  }
0x127: {  	_ =	swait.ge [sflag:s3], $0x60  }
0x128: {  	[sflag:s3] =	ssyncset.done $0x0  }
0x129: {  	[sflag:s3] =	ssyncadd.s32 $0xFFFFFFA0  }
0x12a: {  	[tilespmem:s6], [sflag:$0x1] =	stream.indirect.gather [hbm4b:s4+s5], $0x80, s2, s5, $0xb8;
	[tilespmem:$0x9180] =	vst v63  }
0x12b: {  	_ =	swait.ge [sflag:s9], $0x3000  }
0x12c: {  	[sflag:s9] =	ssyncset.done $0x0  }
0x12d: {  	s13 =	rddreg [dreg:$0x8];
	[sflag:s9] =	ssyncadd.s32 $0xFFFFD000  }
0x12e: {  	[hbm4b:s13+s2] =	stream.linear.scatter [tilespmem:s11], [sflag:$0x2], $0x3000, $0x38;
	[tilespmem:$0x9180] =	vst v63  }
0x12f: {  	_ =	swait.ge [sflag:s12], $0x3000  }
0x130: {  	[sflag:s12] =	ssyncset.done $0x0  }
0x131: {  	s13 =	rddreg [dreg:$0x9];
	[sflag:s12] =	ssyncadd.s32 $0xFFFFD000  }
0x132: {  	[tilespmem:s7], [sflag:$0x3] =	stream.linear.gather [hbm4b:s13+s2], $0x60, $0x38;
	[tilespmem:$0x9180] =	vst v63  }
0x133: {  	_ =	swait.ge [sflag:s3], $0x60  }
0x134: {  	[sflag:s3] =	ssyncset.done $0x0  }
0x135: {  	[sflag:s3] =	ssyncadd.s32 $0xFFFFFFA0  }
0x136: {  	[tilespmem:s8], [sflag:$0x1] =	stream.indirect.gather [hbm4b:s4+s5], $0x80, s7, s5, $0xb8;
	[tilespmem:$0x9180] =	vst v63  }
0x137: {  	_ =	swait.ge [sflag:s9], $0x3000  }
0x138: {  	[sflag:s9] =	ssyncset.done $0x0  }
0x139: {  	s13 =	rddreg [dreg:$0xa];
	[sflag:s9] =	ssyncadd.s32 $0xFFFFD000  }
0x13a: {  	[hbm4b:s13+s2] =	stream.linear.scatter [tilespmem:s6], [sflag:$0x2], $0x3000, $0x38;
	[tilespmem:$0x9180] =	vst v63  }
0x13b: {  	_ =	swait.ge [sflag:s12], $0x3000  }
0x13c: {  	[sflag:s12] =	ssyncset.done $0x0  }
0x13d: {  	s13 =	rddreg [dreg:$0xb];
	[sflag:s12] =	ssyncadd.s32 $0xFFFFD000  }
0x13e: {  	[tilespmem:s10], [sflag:$0x3] =	stream.linear.gather [hbm4b:s13+s2], $0x60, $0x38;
	[tilespmem:$0x9180] =	vst v63  }
0x13f: {  	_ =	swait.ge [sflag:s3], $0x60  }
0x140: {  	[sflag:s3] =	ssyncset.done $0x0  }
0x141: {  	[sflag:s3] =	ssyncadd.s32 $0xFFFFFFA0  }
0x142: {  	[tilespmem:s11], [sflag:$0x1] =	stream.indirect.gather [hbm4b:s4+s5], $0x80, s10, s5, $0xb8;
	[tilespmem:$0x9180] =	vst v63  }
0x143: {  	_ =	swait.ge [sflag:s9], $0x3000  }
0x144: {  	[sflag:s9] =	ssyncset.done $0x0  }
0x145: {  	s13 =	rddreg [dreg:$0xc];
	[sflag:s9] =	ssyncadd.s32 $0xFFFFD000  }
0x146: {  	[hbm4b:s13+s2] =	stream.linear.scatter [tilespmem:s8], [sflag:$0x2], $0x3000, $0x38;
	[tilespmem:$0x9180] =	vst v63  }
0x147: {  	_ =	swait.ge [sflag:s12], $0x3000  }
0x148: {  	[sflag:s12] =	ssyncset.done $0x0  }
0x149: {  	s13 =	rddreg [dreg:$0xd];
	[sflag:s12] =	ssyncadd.s32 $0xFFFFD000  }
0x14a: {  	[tilespmem:s2], [sflag:$0x3] =	stream.linear.gather [hbm4b:s13+s2], $0x60, $0x38;
	[tilespmem:$0x9180] =	vst v63  }
0x14b: {  	_ =	swait.ge [sflag:s3], $0x60  }
0x14c: {  	[sflag:s3] =	ssyncset.done $0x0  }
0x14d: {  	[sflag:s3] =	ssyncadd.s32 $0xFFFFFFA0  }
0x14e: {  	[tilespmem:s6], [sflag:$0x1] =	stream.indirect.gather [hbm4b:s4+s5], $0x80, s2, s5, $0xb8;
	[tilespmem:$0x9180] =	vst v63  }
0x14f: {  	_ =	swait.ge [sflag:s9], $0x3000  }
0x150: {  	[sflag:s9] =	ssyncset.done $0x0  }
0x151: {  	s13 =	rddreg [dreg:$0xe];
	[sflag:s9] =	ssyncadd.s32 $0xFFFFD000  }
0x152: {  	[hbm4b:s13+s2] =	stream.linear.scatter [tilespmem:s11], [sflag:$0x2], $0x3000, $0x38;
	[tilespmem:$0x9180] =	vst v63  }
0x153: {  	_ =	swait.ge [sflag:s12], $0x3000  }
0x154: {  	[sflag:s12] =	ssyncset.done $0x0  }
0x155: {  	s13 =	rddreg [dreg:$0xf];
	[sflag:s12] =	ssyncadd.s32 $0xFFFFD000  }
0x156: {  	[tilespmem:s7], [sflag:$0x3] =	stream.linear.gather [hbm4b:s13+s2], $0x60, $0x38;
	[tilespmem:$0x9180] =	vst v63  }
0x157: {  	_ =	swait.ge [sflag:s3], $0x60  }
0x158: {  	[sflag:s3] =	ssyncset.done $0x0  }
0x159: {  	[sflag:s3] =	ssyncadd.s32 $0xFFFFFFA0  }
0x15a: {  	[tilespmem:s8], [sflag:$0x1] =	stream.indirect.gather [hbm4b:s4+s5], $0x80, s7, s5, $0xb8;
	[tilespmem:$0x9180] =	vst v63  }
0x15b: {  	_ =	swait.ge [sflag:s9], $0x3000  }
0x15c: {  	[sflag:s9] =	ssyncset.done $0x0  }
0x15d: {  	s13 =	rddreg [dreg:$0x10];
	[sflag:s9] =	ssyncadd.s32 $0xFFFFD000  }
0x15e: {  	[hbm4b:s13+s2] =	stream.linear.scatter [tilespmem:s6], [sflag:$0x2], $0x3000, $0x38;
	[tilespmem:$0x9180] =	vst v63  }
0x15f: {  	_ =	swait.ge [sflag:s12], $0x3000  }
0x160: {  	[sflag:s12] =	ssyncset.done $0x0  }
0x161: {  	s13 =	rddreg [dreg:$0x11];
	[sflag:s12] =	ssyncadd.s32 $0xFFFFD000  }
0x162: {  	[tilespmem:s10], [sflag:$0x3] =	stream.linear.gather [hbm4b:s13+s2], $0x60, $0x38;
	[tilespmem:$0x9180] =	vst v63  }
0x163: {  	_ =	swait.ge [sflag:s3], $0x60  }
0x164: {  	[sflag:s3] =	ssyncset.done $0x0  }
0x165: {  	[sflag:s3] =	ssyncadd.s32 $0xFFFFFFA0  }
0x166: {  	[tilespmem:s11], [sflag:$0x1] =	stream.indirect.gather [hbm4b:s4+s5], $0x80, s10, s5, $0xb8;
	[tilespmem:$0x9180] =	vst v63  }
0x167: {  	_ =	swait.ge [sflag:s9], $0x3000  }
0x168: {  	[sflag:s9] =	ssyncset.done $0x0  }
0x169: {  	s13 =	rddreg [dreg:$0x12];
	[sflag:s9] =	ssyncadd.s32 $0xFFFFD000  }
0x16a: {  	[hbm4b:s13+s2] =	stream.linear.scatter [tilespmem:s8], [sflag:$0x2], $0x3000, $0x38;
	[tilespmem:$0x9180] =	vst v63  }
0x16b: {  	_ =	swait.ge [sflag:s12], $0x3000  }
0x16c: {  	[sflag:s12] =	ssyncset.done $0x0  }
0x16d: {  	s13 =	rddreg [dreg:$0x13];
	[sflag:s12] =	ssyncadd.s32 $0xFFFFD000  }
0x16e: {  	[tilespmem:s2], [sflag:$0x3] =	stream.linear.gather [hbm4b:s13+s2], $0x60, $0x38;
	[tilespmem:$0x9180] =	vst v63  }
0x16f: {  	_ =	swait.ge [sflag:s3], $0x60  }
0x170: {  	[sflag:s3] =	ssyncset.done $0x0  }
0x171: {  	[sflag:s3] =	ssyncadd.s32 $0xFFFFFFA0  }
0x172: {  	[tilespmem:s6], [sflag:$0x1] =	stream.indirect.gather [hbm4b:s4+s5], $0x80, s2, s5, $0xb8;
	[tilespmem:$0x9180] =	vst v63  }
0x173: {  	_ =	swait.ge [sflag:s9], $0x3000  }
0x174: {  	[sflag:s9] =	ssyncset.done $0x0  }
0x175: {  	s13 =	rddreg [dreg:$0x14];
	[sflag:s9] =	ssyncadd.s32 $0xFFFFD000  }
0x176: {  	[hbm4b:s13+s2] =	stream.linear.scatter [tilespmem:s11], [sflag:$0x2], $0x3000, $0x38;
	[tilespmem:$0x9180] =	vst v63  }
0x177: {  	_ =	swait.ge [sflag:s12], $0x3000  }
0x178: {  	[sflag:s12] =	ssyncset.done $0x0  }
0x179: {  	s13 =	rddreg [dreg:$0x15];
	[sflag:s12] =	ssyncadd.s32 $0xFFFFD000  }
0x17a: {  	[tilespmem:s7], [sflag:$0x3] =	stream.linear.gather [hbm4b:s13+s2], $0x60, $0x38;
	[tilespmem:$0x9180] =	vst v63  }
0x17b: {  	_ =	swait.ge [sflag:s3], $0x60  }
0x17c: {  	[sflag:s3] =	ssyncset.done $0x0  }
0x17d: {  	[sflag:s3] =	ssyncadd.s32 $0xFFFFFFA0  }
0x17e: {  	[tilespmem:s8], [sflag:$0x1] =	stream.indirect.gather [hbm4b:s4+s5], $0x80, s7, s5, $0xb8;
	[tilespmem:$0x9180] =	vst v63  }
0x17f: {  	_ =	swait.ge [sflag:s9], $0x3000  }
0x180: {  	[sflag:s9] =	ssyncset.done $0x0  }
0x181: {  	s13 =	rddreg [dreg:$0x16];
	[sflag:s9] =	ssyncadd.s32 $0xFFFFD000  }
0x182: {  	[hbm4b:s13+s2] =	stream.linear.scatter [tilespmem:s6], [sflag:$0x2], $0x3000, $0x38;
	[tilespmem:$0x9180] =	vst v63  }
0x183: {  	_ =	swait.ge [sflag:s12], $0x3000  }
0x184: {  	[sflag:s12] =	ssyncset.done $0x0  }
0x185: {  	[sflag:s12] =	ssyncadd.s32 $0xFFFFD000  }
0x186: {  	[tilespmem:s10], [sflag:$0x3] =	stream.linear.gather [hbm4b:s14+s2], $0x60, $0x38;
	[tilespmem:$0x9180] =	vst v63  }
0x187: {  	_ =	swait.ge [sflag:s3], $0x60  }
0x188: {  	[sflag:s3] =	ssyncset.done $0x0  }
0x189: {  	[sflag:s3] =	ssyncadd.s32 $0xFFFFFFA0  }
0x18a: {  	[tilespmem:s11], [sflag:$0x1] =	stream.indirect.gather [hbm4b:s4+s5], $0x80, s10, s5, $0xb8;
	[tilespmem:$0x9180] =	vst v63  }
0x18b: {  	_ =	swait.ge [sflag:s9], $0x3000  }
0x18c: {  	[sflag:s9] =	ssyncset.done $0x0  }
0x18d: {  	[sflag:s9] =	ssyncadd.s32 $0xFFFFD000  }
0x18e: {  	[hbm4b:s15+s2] =	stream.linear.scatter [tilespmem:s8], [sflag:$0x2], $0x3000, $0x38;
	[tilespmem:$0x9180] =	vst v63  }
0x18f: {  	_ =	swait.ge [sflag:s12], $0x3000  }
0x190: {  	[sflag:s12] =	ssyncset.done $0x0  }
0x191: {  	[sflag:s12] =	ssyncadd.s32 $0xFFFFD000  }
0x192: {  	[tilespmem:s2], [sflag:$0x3] =	stream.linear.gather [hbm4b:s16+s2], $0x60, $0x38;
	[tilespmem:$0x9180] =	vst v63  }
0x193: {  	_ =	swait.ge [sflag:s3], $0x60  }
0x194: {  	[sflag:s3] =	ssyncset.done $0x0  }
0x195: {  	[sflag:s3] =	ssyncadd.s32 $0xFFFFFFA0  }
0x196: {  	[tilespmem:s6], [sflag:$0x1] =	stream.indirect.gather [hbm4b:s4+s5], $0x80, s2, s5, $0xb8;
	[tilespmem:$0x9180] =	vst v63  }
0x197: {  	_ =	swait.ge [sflag:s9], $0x3000  }
0x198: {  	[sflag:s9] =	ssyncset.done $0x0  }
0x199: {  	[sflag:s9] =	ssyncadd.s32 $0xFFFFD000  }
0x19a: {  	[hbm4b:s17+s2] =	stream.linear.scatter [tilespmem:s11], [sflag:$0x2], $0x3000, $0x38;
	[tilespmem:$0x9180] =	vst v63  }
0x19b: {  	_ =	swait.ge [sflag:s12], $0x3000  }
0x19c: {  	[sflag:s12] =	ssyncset.done $0x0  }
0x19d: {  	[sflag:s12] =	ssyncadd.s32 $0xFFFFD000  }
0x19e: {  	[tilespmem:s7], [sflag:$0x3] =	stream.linear.gather [hbm4b:s18+s2], $0x60, $0x38;
	[tilespmem:$0x9180] =	vst v63  }
0x19f: {  	_ =	swait.ge [sflag:s3], $0x60  }
0x1a0: {  	[sflag:s3] =	ssyncset.done $0x0  }
0x1a1: {  	[sflag:s3] =	ssyncadd.s32 $0xFFFFFFA0  }
0x1a2: {  	[tilespmem:s8], [sflag:$0x1] =	stream.indirect.gather [hbm4b:s4+s5], $0x80, s7, s5, $0xb8;
	[tilespmem:$0x9180] =	vst v63  }
0x1a3: {  	_ =	swait.ge [sflag:s9], $0x3000  }
0x1a4: {  	[sflag:s9] =	ssyncset.done $0x0  }
0x1a5: {  	[sflag:s9] =	ssyncadd.s32 $0xFFFFD000  }
0x1a6: {  	[hbm4b:s19+s2] =	stream.linear.scatter [tilespmem:s6], [sflag:$0x2], $0x3000, $0x38;
	[tilespmem:$0x9180] =	vst v63  }
0x1a7: {  	_ =	swait.ge [sflag:s12], $0x3000  }
0x1a8: {  	[sflag:s12] =	ssyncset.done $0x0  }
0x1a9: {  	[sflag:s12] =	ssyncadd.s32 $0xFFFFD000  }
0x1aa: {  	[tilespmem:s10], [sflag:$0x3] =	stream.linear.gather [hbm4b:s20+s2], $0x60, $0x38;
	[tilespmem:$0x9180] =	vst v63  }
0x1ab: {  	_ =	swait.ge [sflag:s3], $0x60  }
0x1ac: {  	[sflag:s3] =	ssyncset.done $0x0  }
0x1ad: {  	[sflag:s3] =	ssyncadd.s32 $0xFFFFFFA0  }
0x1ae: {  	[tilespmem:s11], [sflag:$0x1] =	stream.indirect.gather [hbm4b:s4+s5], $0x80, s10, s5, $0xb8;
	[tilespmem:$0x9180] =	vst v63  }
0x1af: {  	_ =	swait.ge [sflag:s9], $0x3000  }
0x1b0: {  	[sflag:s9] =	ssyncset.done $0x0  }
0x1b1: {  	[sflag:s9] =	ssyncadd.s32 $0xFFFFD000  }
0x1b2: {  	[hbm4b:s21+s2] =	stream.linear.scatter [tilespmem:s8], [sflag:$0x2], $0x3000, $0x38;
	[tilespmem:$0x9180] =	vst v63  }
0x1b3: {  	_ =	swait.ge [sflag:s12], $0x3000  }
0x1b4: {  	[sflag:s12] =	ssyncset.done $0x0  }
0x1b5: {  	[sflag:s12] =	ssyncadd.s32 $0xFFFFD000  }
0x1b6: {  	[tilespmem:s2], [sflag:$0x3] =	stream.linear.gather [hbm4b:s22+s2], $0x60, $0x38;
	[tilespmem:$0x9180] =	vst v63  }
0x1b7: {  	_ =	swait.ge [sflag:s3], $0x60  }
0x1b8: {  	[sflag:s3] =	ssyncset.done $0x0  }
0x1b9: {  	[sflag:s3] =	ssyncadd.s32 $0xFFFFFFA0  }
0x1ba: {  	[tilespmem:s6], [sflag:$0x1] =	stream.indirect.gather [hbm4b:s4+s5], $0x80, s2, s5, $0xb8;
	[tilespmem:$0x9180] =	vst v63  }
0x1bb: {  	_ =	swait.ge [sflag:s9], $0x3000  }
0x1bc: {  	[sflag:s9] =	ssyncset.done $0x0  }
0x1bd: {  	[sflag:s9] =	ssyncadd.s32 $0xFFFFD000  }
0x1be: {  	[hbm4b:s23+s2] =	stream.linear.scatter [tilespmem:s11], [sflag:$0x2], $0x3000, $0x38;
	[tilespmem:$0x9180] =	vst v63  }
0x1bf: {  	_ =	swait.ge [sflag:s12], $0x3000  }
0x1c0: {  	[sflag:s12] =	ssyncset.done $0x0  }
0x1c1: {  	[sflag:s12] =	ssyncadd.s32 $0xFFFFD000  }
0x1c2: {  	[tilespmem:s7], [sflag:$0x3] =	stream.linear.gather [hbm4b:s24+s2], $0x60, $0x38;
	[tilespmem:$0x9180] =	vst v63  }
0x1c3: {  	_ =	swait.ge [sflag:s3], $0x60  }
0x1c4: {  	[sflag:s3] =	ssyncset.done $0x0  }
0x1c5: {  	[sflag:s3] =	ssyncadd.s32 $0xFFFFFFA0  }
0x1c6: {  	[tilespmem:s8], [sflag:$0x1] =	stream.indirect.gather [hbm4b:s4+s5], $0x80, s7, s5, $0xb8;
	[tilespmem:$0x9180] =	vst v63  }
0x1c7: {  	_ =	swait.ge [sflag:s9], $0x3000  }
0x1c8: {  	[sflag:s9] =	ssyncset.done $0x0  }
0x1c9: {  	[sflag:s9] =	ssyncadd.s32 $0xFFFFD000  }
0x1ca: {  	[hbm4b:s25+s2] =	stream.linear.scatter [tilespmem:s6], [sflag:$0x2], $0x3000, $0x38;
	[tilespmem:$0x9180] =	vst v63  }
0x1cb: {  	_ =	swait.ge [sflag:s12], $0x3000  }
0x1cc: {  	[sflag:s12] =	ssyncset.done $0x0  }
0x1cd: {  	[sflag:s12] =	ssyncadd.s32 $0xFFFFD000  }
0x1ce: {  	[tilespmem:s10], [sflag:$0x3] =	stream.linear.gather [hbm4b:s26+s2], $0x60, $0x38;
	[tilespmem:$0x9180] =	vst v63  }
0x1cf: {  	_ =	swait.ge [sflag:s3], $0x60  }
0x1d0: {  	[sflag:s3] =	ssyncset.done $0x0  }
0x1d1: {  	[sflag:s3] =	ssyncadd.s32 $0xFFFFFFA0  }
0x1d2: {  	[tilespmem:s11], [sflag:$0x1] =	stream.indirect.gather [hbm4b:s4+s5], $0x80, s10, s5, $0xb8;
	[tilespmem:$0x9180] =	vst v63  }
0x1d3: {  	_ =	swait.ge [sflag:s9], $0x3000  }
0x1d4: {  	[sflag:s9] =	ssyncset.done $0x0  }
0x1d5: {  	[sflag:s9] =	ssyncadd.s32 $0xFFFFD000  }
0x1d6: {  	[hbm4b:s28+s2] =	stream.linear.scatter [tilespmem:s8], [sflag:$0x2], $0x3000, $0x38;
	[tilespmem:$0x9180] =	vst v63  }
0x1d7: {  	_ =	swait.ge [sflag:s12], $0x3000  }
0x1d8: {  	[sflag:s12] =	ssyncset.done $0x0  }
0x1d9: {  	[sflag:s12] =	ssyncadd.s32 $0xFFFFD000  }
0x1da: {  	[tilespmem:s2], [sflag:$0x3] =	stream.linear.gather [hbm4b:s29+s2], $0x60, $0x38;
	[tilespmem:$0x9180] =	vst v63  }
0x1db: {  	_ =	swait.ge [sflag:s3], $0x60  }
0x1dc: {  	[sflag:s3] =	ssyncset.done $0x0  }
0x1dd: {  	[sflag:s3] =	ssyncadd.s32 $0xFFFFFFA0  }
0x1de: {  	[tilespmem:s6], [sflag:$0x1] =	stream.indirect.gather [hbm4b:s4+s5], $0x80, s2, s5, $0xb8;
	[tilespmem:$0x9180] =	vst v63  }
0x1df: {  	_ =	swait.ge [sflag:s9], $0x3000  }
0x1e0: {  	[sflag:s9] =	ssyncset.done $0x0  }
0x1e1: {  	[sflag:s9] =	ssyncadd.s32 $0xFFFFD000  }
0x1e2: {  	[hbm4b:s30+s2] =	stream.linear.scatter [tilespmem:s11], [sflag:$0x2], $0x3000, $0x38;
	[tilespmem:$0x9180] =	vst v63  }
0x1e3: {  	_ =	swait.ge [sflag:s9], $0x3000  }
0x1e4: {  	[sflag:s9] =	ssyncset.done $0x0  }
0x1e5: {  	[sflag:s9] =	ssyncadd.s32 $0xFFFFD000  }
0x1e6: {  	[hbm4b:s31+s2] =	stream.linear.scatter [tilespmem:s6], [sflag:$0x2], $0x3000, $0x38;
	[tilespmem:$0x9180] =	vst v63  }
0x1e7: {  	_ =	swait.ge [sflag:s12], $0x3000  }
0x1e8: {  	p0 =	sne.s32 s1, $0x1;
	[sflag:s12] =	ssyncset.done $0x0  }
.Ltmp1:
0x1e9: {  	[sflag:s12] =	ssyncadd.s32 $0xFFFFD000;
	(pc) =	sbr.rel @p0 .LBB2_1-.Ltmp1, $4  }
0x1ea: {  	_ =	swait.ge [sflag:s12], $0x3000  }
0x1eb: {  	[sflag:s12] =	ssyncset.done $0x0  }
0x1ec: {  	[sflag:s12] =	ssyncadd.s32 $0xFFFFD000  }
0x1ed: {  	s1 =	sadd.s32 $0xFFFFFFFF, s1;
	_ =	swait.ge [sflag:s12], $0x3000  }
.LBB2_2:
0x1ee: {  	[sflag:s12] =	ssyncset.done $0x0  }
0x1ef: {  	[sflag:s12] =	ssyncadd.s32 $0xFFFFD000  }
0x1f0: {  	_ =	sfence.sel $0x180000  }
0x1f1: {  	[bflag:$0x0] =	sbarrier.arrive $0xFFFF  }
0x1f2: {  	_ =	strace $0x9000004A  }
0x1f3: {  	s0 =	stileid.u32;
	[bflag:$0x2] =	sbarrier.arrive $0xFFFF  }
0x1f4: {  	p0 =	sne.s32 s0, $0x0;
	s0 =	rddreg [dreg:$0x1]  }
0x1f5: {  	s0 =	sadd.s32 @!p0 $0x100000, s0  }
0x1f6: {  	[sflag:s0] =	ssyncadd.tile.s32 @!p0 $0x1;
	_ =	shalt  }
.Lfunc_end2:
_tile_overlayer_lowered:
.L_overlay_start_2:
0x1f7: {  	(tag) =	ssettag $0x2  }
0x1f8: {  	s0 =	rddreg [dreg:$0x0];
	s2 =	stileid.u32  }
0x1f9: {  	s1 =	rddreg [dreg:$0x1];
	p0 =	sne.s32 s2, $0x0  }
0x1fa: {  	s3 =	rddreg [dreg:$0x2];
	[bflag:$0x3] =	sbarrier.arrive $0xFFFF;
	s2 =	simm.s32 @!p0 $0x1C03  }
0x1fb: {  	[timem:s3], [sflag:s2] =	dma.local @!p0 [hbm:s0], s1  }
0x1fc: {  	s0 =	simm.s32 @!p0 $0x3  }
0x1fd: {  	_ =	swait.ge @!p0 [sflag:s0], s1  }
0x1fe: {  	s1 =	ssub.s32 @!p0 $0x0, s1;
	[sflag:s0] =	ssyncset.done @!p0 $0x0  }
0x1ff: {  	[sflag:s0] =	ssyncadd.s32 @!p0 s1  }
0x200: {  	[bflag:$0x3] =	sbarrier.arrive $0xFFFF  }
0x201: {  	_ =	shalt  }

// kernel: kernel.8.cloned.1.call-start
scs
__scs_entry_jumppad:
0x0: {  	(pc) =	sbr.rel $0x88, $3  }
0x1: {  	(tag) =	ssettag $0x0;
	lr =	simm.s32 $0x1  }
0x2: {  	[smem:$0x3F89] =	sst lr;
	_ =	strace $0xD0000000  }
0x3: {  	_ = 	snop  }
0x4: {  	_ = 	snop  }
0x5: {  	_ = 	snop  }
0x6: {  	_ = 	snop  }
0x7: {  	_ = 	snop  }
__scs_overlays_trampoline_lowered:
0x8: {  	[smem:$0x3F98] =	sst s0  }
0x9: {  	[smem:$0x3F99] =	sst s1  }
0xa: {  	[smem:$0x3F9A] =	sst s2  }
0xb: {  	[smem:$0x3F9B] =	sst s3  }
0xc: {  	[smem:$0x3F9C] =	sst s4  }
0xd: {  	[smem:$0x3F9D] =	sst s5  }
0xe: {  	[smem:$0x3F9E] =	sst s6  }
0xf: {  	[smem:$0x3F9F] =	sst s7  }
0x10: {  	[smem:$0x3FA0] =	sst s8  }
0x11: {  	[smem:$0x3FA1] =	sst s9;
	s0 =	simm.s32 @!p0 $0x0  }
0x12: {  	s1 =	sld [smem:$0x3F87];
	s0 =	simm.s32 @p0 $0x1  }
0x13: {  	[smem:$0x3FA2] =	sst s0;
	s0 =	simm.s32 @!p1 $0x0  }
0x14: {  	s2 =	sld [smem:$0x3F86];
	s0 =	simm.s32 @p1 $0x1  }
0x15: {  	[smem:$0x3FA3] =	sst s0;
	s0 =	simm.s32 @!p2 $0x0  }
0x16: {  	s3 =	sld [smem:$0x3FDB];
	s0 =	simm.s32 @p2 $0x1  }
0x17: {  	s4 =	simm.s32 $0x1BF5;
	[smem:$0x3FA5] =	sst s0  }
0x18: {  	s0 =	sld [smem:$0x3F88];
	_ =	swait.ge [sflag:s4], $0x0  }
0x19: {  	s7 =	sld [smem:$0x3F89]  }
0x1a: {  	s8 =	sadd.s32 $0xFFFFE003, lr  }
0x1b: {  	s9 =	sadd.s32 $0xFFFFFEF7, lr;
	s5 =	simm.s32 $0xFFFFFFFF;
	p2 =	slt.u32 s8, $0xFFFFF086  }
0x1c: {  	p1 =	slt.u32 s9, $0xF7A;
	s5 =	simm.s32 @!p2 $0x0  }
0x1d: {  	s5 =	simm.s32 @p1 $0x1;
	p0 =	seq.s32 s7, s2  }
0x1e: {  	s7 =	smul.u32 @!p0 $0xF7A, s2;
	p2 =	seq.s32 @!p0 s5, $0x0  }
0x1f: {  	s9 =	smul.u32 $0xF7A, s1;
	s8 =	simm.s32 @!p0 $0x1BF5;
	p2 =	por !p2, p0  }
0x20: {  	[sflag:s8] =	ssyncset.s32 @!p0 $0xFFFFF086;
	s6 =	sadd.s32 @!p0 s3, s7;
	s7 =	simm.s32 @!p0 $0x108  }
0x21: {  	s3 =	sadd.s32 s3, s9;
	s6 =	sadd.s32 @!p0 $0x88, s6;
	s7 =	simm.s32 @p2 $0x1082  }
0x22: {  	[simem:s7], [sflag:s8] =	dma.local @!p0 [hbm:s6], $0xF7A  }
0x23: {  	s9 =	sor.u32 $0xD0000000, s2;
	s6 =	simm.s32 $0x108;
	_ =	swait.ge @!p0 [sflag:s8], $0x0  }
0x24: {  	s3 =	sadd.s32 $0x88, s3;
	s6 =	simm.s32 @!p1 $0x1082;
	[sflag:s4] =	ssyncset.s32 $0xFFFFF086  }
0x25: {  	[simem:s6], [sflag:s4] =	dma.local [hbm:s3], $0xF7A  }
0x26: {  	[smem:$0x3F89] =	sst s1;
	(tag) =	ssettag s2;
	_ =	strace s9  }
0x27: {  	s1 =	sld [smem:$0x3F99]  }
0x28: {  	s2 =	sld [smem:$0x3F9A]  }
0x29: {  	s4 =	sld [smem:$0x3F9C]  }
0x2a: {  	p0 =	seq.s32 s5, $0x0;
	s5 =	sld [smem:$0x3F9D]  }
0x2b: {  	s6 =	sld [smem:$0x3F9E]  }
0x2c: {  	s7 =	sld [smem:$0x3F9F]  }
0x2d: {  	s3 =	simm.s32 $0x108;
	s8 =	sld [smem:$0x3FA0]  }
0x2e: {  	s3 =	simm.s32 @!p0 $0x1082;
	s9 =	sld [smem:$0x3FA1]  }
0x2f: {  	lr =	sadd.s32 s0, s3;
	s0 =	sld [smem:$0x3F98]  }
0x30: {  	s3 =	sld [smem:$0x3F9B]  }
0x31: {  	[smem:$0x3FA4] =	sst s10  }
0x32: {  	s10 =	sld [smem:$0x3FA2];
	_ =	sdelay $0x3  }
0x33: {  	p0 =	seq.s32 s10, $0x1;
	s10 =	sld [smem:$0x3FA4];
	_ =	sdelay $0x3  }
0x34: {  	[smem:$0x3FA4] =	sst s10  }
0x35: {  	s10 =	sld [smem:$0x3FA3];
	_ =	sdelay $0x3  }
0x36: {  	p1 =	seq.s32 s10, $0x1;
	s10 =	sld [smem:$0x3FA4];
	_ =	sdelay $0x3  }
0x37: {  	[smem:$0x3FA4] =	sst s10  }
0x38: {  	s10 =	sld [smem:$0x3FA5]  }
0x39: {  	_ = 	snop;
	(pc) =	sbr.ind lr, $3  }
0x3a: {  	_ = 	snop  }
0x3b: {  	_ = 	snop  }
0x3c: {  	p2 =	seq.s32 s10, $0x1;
	s10 =	sld [smem:$0x3FA4]  }
0x3d: {  	_ =	shalt  }
0x3e: {  	_ =	shalt  }
0x3f: {  	_ =	shalt  }
0x40: {  	_ =	shalt  }
0x41: {  	_ =	shalt  }
0x42: {  	_ =	shalt  }
0x43: {  	_ =	shalt  }
0x44: {  	_ =	shalt  }
0x45: {  	_ =	shalt  }
0x46: {  	_ =	shalt  }
0x47: {  	_ =	shalt  }
0x48: {  	_ =	shalt  }
0x49: {  	_ =	shalt  }
0x4a: {  	_ =	shalt  }
0x4b: {  	_ =	shalt  }
0x4c: {  	_ =	shalt  }
0x4d: {  	_ =	shalt  }
0x4e: {  	_ =	shalt  }
0x4f: {  	_ =	shalt  }
0x50: {  	_ =	shalt  }
0x51: {  	_ =	shalt  }
0x52: {  	_ =	shalt  }
0x53: {  	_ =	shalt  }
0x54: {  	_ =	shalt  }
0x55: {  	_ =	shalt  }
0x56: {  	_ =	shalt  }
0x57: {  	_ =	shalt  }
0x58: {  	_ =	shalt  }
0x59: {  	_ =	shalt  }
0x5a: {  	_ =	shalt  }
0x5b: {  	_ =	shalt  }
0x5c: {  	_ =	shalt  }
0x5d: {  	_ =	shalt  }
0x5e: {  	_ =	shalt  }
0x5f: {  	_ =	shalt  }
0x60: {  	_ =	shalt  }
0x61: {  	_ =	shalt  }
0x62: {  	_ =	shalt  }
0x63: {  	_ =	shalt  }
0x64: {  	_ =	shalt  }
0x65: {  	_ =	shalt  }
0x66: {  	_ =	shalt  }
0x67: {  	_ =	shalt  }
0x68: {  	_ =	shalt  }
0x69: {  	_ =	shalt  }
0x6a: {  	_ =	shalt  }
0x6b: {  	_ =	shalt  }
0x6c: {  	_ =	shalt  }
0x6d: {  	_ =	shalt  }
0x6e: {  	_ =	shalt  }
0x6f: {  	_ =	shalt  }
0x70: {  	_ =	shalt  }
0x71: {  	_ =	shalt  }
0x72: {  	_ =	shalt  }
0x73: {  	_ =	shalt  }
0x74: {  	_ =	shalt  }
0x75: {  	_ =	shalt  }
0x76: {  	_ =	shalt  }
0x77: {  	_ =	shalt  }
0x78: {  	_ =	shalt  }
0x79: {  	_ =	shalt  }
0x7a: {  	_ =	shalt  }
0x7b: {  	_ =	shalt  }
0x7c: {  	_ =	shalt  }
0x7d: {  	_ =	shalt  }
0x7e: {  	_ =	shalt  }
0x7f: {  	_ =	shalt  }
0x80: {  	_ =	shalt  }
0x81: {  	_ =	shalt  }
0x82: {  	_ =	shalt  }
0x83: {  	_ =	shalt  }
0x84: {  	_ =	shalt  }
0x85: {  	_ =	shalt  }
0x86: {  	_ =	shalt  }
0x87: {  	_ =	shalt  }
.Lfunc_end0:
.L_simem_size_0:
called_computation_lowered:
.L_overlay_start_0:
0x88: {  	s2 =	sld [smem:$0x3FD9]  }
0x89: {  	s3 =	sld [smem:$0x3FFE];
	_ =	sdelay $0x1  }
0x8a: {  	s1 =	srdreg.scid  }
0x8b: {  	s0 =	sand.u32 $0x1, s1  }
0x8c: {  	s17 =	sshll.u32 s0, $0xA;
	s2 =	sadd.s32 s3, s2  }
0x8d: {  	s2 =	sadd.s32 s2, s17  }
0x8e: {  	[smem:$0x3FB0] =	sst s2  }
0x8f: {  	_ = 	snop  }
0x90: {  	s2 =	sld [smem:$0x3FD0];
	(tm) =	ssettm $0x1  }
0x91: {  	s18 =	sld [smem:$0x3FFB];
	_ =	sdelay $0x3  }
0x92: {  	_ =	strace s18  }
0x93: {  	s3 =	sld [smem:$0x3FFC];
	_ =	sdelay $0x3  }
0x94: {  	_ =	strace s3  }
0x95: {  	s3 =	sld [smem:$0x3FFD];
	_ =	sdelay $0x3  }
0x96: {  	_ =	strace s3  }
0x97: {  	_ =	strace $0x8FFFFFFF  }
0x98: {  	s19 =	sld [smem:$0x3FDB];
	_ =	sdelay $0x1  }
0x99: {  	s4 =	simm.s32 $_scs_section_size  }
0x9a: {  	s5 =	simm.s32 $_size__tile_overlayer_lowered;
	s6 =	simm.s32 $_tile_overlayer_lowered  }
0x9b: {  	s22 =	simm.s32 $0x1BFF;
	s21 =	sshll.u32 s6, $0x1;
	s3 =	sadd.s32 s4, s19  }
0x9c: {  	s7 =	simm.s32 $0x0;
	s20 =	sshll.u32 s5, $0x1;
	s5 =	sadd.s32 s21, s3  }
0x9d: {  	[timem:s7], [sflag:s22] =	dma.local [hbm:s5], s20  }
0x9e: {  	_ =	swait.ge [sflag:s22], s20  }
0x9f: {  	s4 =	ssub.s32 $0x0, s20;
	[sflag:s22] =	ssyncset.done $0x0  }
0xa0: {  	[sflag:s22] =	ssyncadd.s32 s4;
	_ =	sdelay $0x1  }
0xa1: {  	s23 =	simm.s32 $0x1B8B  }
0xa2: {  	_ =	swait.ge [sflag:s23], $0x1  }
0xa3: {  	[sflag:s23] =	ssyncset.done $0x0  }
0xa4: {  	s25 =	simm.s32 $0x1B8E;
	s24 =	sld [smem:$0x3FFE];
	[sflag:s23] =	ssyncadd.s32 $0xFFFFFFFF  }
0xa5: {  	s26 =	simm.s32 $execute0_lowered;
	[smem:$0x3FD2] =	sst s25  }
0xa6: {  	s5 =	sshll.u32 s26, $0x1;
	_ =	strace $0x80000046;
	[dreg:$0x1] =	wrdreg $0xFFFFFFFF  }
0xa7: {  	s28 =	simm.s32 $_size_execute0_lowered;
	s3 =	sadd.s32 s3, s5;
	[dreg:$0x0] =	wrdreg $0x0  }
0xa8: {  	s5 =	sshll.u32 s28, $0x1;
	[dreg:$0x2] =	wrdreg s3  }
0xa9: {  	[dreg:$0x3] =	wrdreg s5  }
0xaa: {  	[dreg:$0x4] =	wrdreg $0xC0  }
0xab: {  	_ =	task [dreg:s7], $0x5FFFF  }
0xac: {  	[dreg:$0x1] =	wrdreg $0xFFFFFFFF  }
0xad: {  	[dreg:$0x0] =	wrdreg $0x60  }
0xae: {  	[dreg:$0x2] =	wrdreg s24  }
0xaf: {  	[dreg:$0x3] =	wrdreg s2  }
0xb0: {  	[dreg:$0x4] =	wrdreg $0x9  }
0xb1: {  	_ =	task.clear_ibuf [dreg:s7], $0x5FFFF;
	_ =	strace $0x90000046  }
0xb2: {  	s29 =	simm.s32 $0x9;
	_ =	strace $0x80000048  }
0xb3: {  	_ =	swait.ge [sflag:s29], $0x1  }
0xb4: {  	[sflag:s29] =	ssyncadd.s32 $0xFFFFFFFF  }
0xb5: {  	_ =	strace $0x90000048  }
0xb6: {  	_ =	sfence  }
0xb7: {  	s30 =	sld [smem:$0x0];
	_ =	sdelay $0x2  }
0xb8: {  	s31 =	sshll.u32 s1, $0xD;
	s1 =	sshrl.u32 s1, $0x2  }
0xb9: {  	s3 =	sand.u32 $0x4000, s31;
	s1 =	sadd.s32 s1, s30  }
0xba: {  	s0 =	sor.u32 s3, s0;
	s1 =	sshll.u32 s1, $0x11  }
0xbb: {  	s0 =	sor.u32 s1, s0  }
0xbc: {  	s0 =	sadd.s32 $0x8F2B, s0  }
0xbd: {  	[sflag:s0] =	ssyncadd.remote.s32 $0x1  }
0xbe: {  	_ =	sfence.sel $0xFFFF  }
0xbf: {  	[dreg:$0x0] =	wrdreg $0xFFFFFFFF;
	(pc) =	sbr.abs _section_cstart, $3  }
0xc0: {  	[dreg:$0x1] =	wrdreg $0xFFFFFFFF  }
0xc1: {  	_ =	task.clear_ibuf [dreg:s7], $0x2FFFF;
	_ =	strace $0x9FFFFFFF  }
0xc2: {  	(tm) =	ssettm $0x7FFFFFFF  }
0xc3: {  	_ =	shalt  }
tec
execute0_lowered:
.L_overlay_start_1:
0x0: {  	(tag) =	ssettag $0x1  }
0x1: {  	s1 =	srdreg.scid  }
0x2: {  	s8 =	rddreg [dreg:$0x0];
	s0 =	stileid.u32  }
0x3: {  	s3 =	rddreg [dreg:$0x1];
	s2 =	simm.s32 $0x0;
	s6 =	sand.u32 $0x1, s1  }
0x4: {  	s4 =	sshll.u32 s0, $0x8;
	[smem:$0x7FF] =	sst s2;
	s5 =	sshll.u32 s6, $0x7  }
0x5: {  	s1 =	rddreg [dreg:$0x2];
	_ =	strace $0x80000047;
	s7 =	sor.u32 s5, s4  }
0x6: {  	s10 =	ssub.s32 $0x2, s6;
	s6 =	simm.s32 $0x80;
	s4 =	sshrl.u32 s7, $0x3  }
0x7: {  	s5 =	sadd.s32 $0x5600, s8;
	s3 =	sadd.s32 s3, s4;
	s4 =	simm.s32 $0x3  }
0x8: {  	[tilespmem:s2], [sflag:$0x3] =	stream.linear.gather [hbm4b:s3+s2], $0x80, $0x38;
	[tilespmem:$0x4080] =	vst v63  }
0x9: {  	s31 =	sshrl.u32 s10, $0x1;
	s9 =	sshll.u32 s7, $0x4;
	_ =	swait.ge [sflag:s4], $0x80  }
0xa: {  	s8 =	sadd.s32 s9, s8;
	s9 =	ssub.s32 s10, s31;
	[sflag:s4] =	ssyncset.done $0x0  }
0xb: {  	s7 =	simm.s32 $0x1;
	s10 =	smax.u32 s9, $0x1;
	[sflag:s4] =	ssyncadd.s32 $0xFFFFFF80  }
0xc: {  	[tilespmem:s6], [sflag:$0x1] =	stream.indirect.gather [hbm4b:s5+s6], $0x80, s2, s6, $0xb8;
	[tilespmem:$0x4080] =	vst v63  }
0xd: {  	p0 =	sne.s32 s10, $0x1;
	_ =	swait.ge [sflag:s7], $0x4000  }
.Ltmp0:
0xe: {  	[sflag:s7] =	ssyncset.done $0x0;
	(pc) =	sbr.rel @!p0 .LBB2_2-.Ltmp0, $4  }
0xf: {  	s8 =	sadd.s32 $0xEFC00, s8;
	s9 =	simm.s32 $0x2;
	[sflag:s7] =	ssyncadd.s32 $0xFFFFC000  }
0x10: {  	[hbm4b:s8+s2] =	stream.linear.scatter [tilespmem:s6], [sflag:$0x2], $0x4000, $0x38;
	[tilespmem:$0x4080] =	vst v63  }
0x11: {  	_ =	swait.ge [sflag:s9], $0x4000  }
0x12: {  	s10 =	sadd.s32 $0xFFFFFFFF, s10;
	[sflag:s9] =	ssyncset.done $0x0  }
.LBB2_1:
0x13: {  	p0 =	sne.s32 s10, $0x1;
	s10 =	sadd.s32 $0xFFFFFFFF, s10;
	[sflag:s9] =	ssyncadd.s32 $0xFFFFC000  }
0x14: {  	[tilespmem:s2], [sflag:$0x3] =	stream.linear.gather [hbm4b:s3+s2], $0x80, $0x38;
	[tilespmem:$0x4080] =	vst v63  }
0x15: {  	_ =	swait.ge [sflag:s4], $0x80  }
0x16: {  	[sflag:s4] =	ssyncset.done $0x0  }
0x17: {  	[sflag:s4] =	ssyncadd.s32 $0xFFFFFF80  }
0x18: {  	[tilespmem:s6], [sflag:$0x1] =	stream.indirect.gather [hbm4b:s5+s6], $0x80, s2, s6, $0xb8;
	[tilespmem:$0x4080] =	vst v63  }
0x19: {  	_ =	swait.ge [sflag:s7], $0x4000  }
.Ltmp1:
0x1a: {  	[sflag:s7] =	ssyncset.done $0x0;
	(pc) =	sbr.rel @p0 .LBB2_1-.Ltmp1, $4  }
0x1b: {  	[sflag:s7] =	ssyncadd.s32 $0xFFFFC000  }
0x1c: {  	[hbm4b:s8+s2] =	stream.linear.scatter [tilespmem:s6], [sflag:$0x2], $0x4000, $0x38;
	[tilespmem:$0x4080] =	vst v63  }
0x1d: {  	_ =	swait.ge [sflag:s9], $0x4000  }
0x1e: {  	[sflag:s9] =	ssyncset.done $0x0  }
.LBB2_2:
0x1f: {  	[sflag:s9] =	ssyncadd.s32 $0xFFFFC000  }
0x20: {  	_ =	sfence.sel $0x180000  }
0x21: {  	[bflag:$0x0] =	sbarrier.arrive $0xFFFF  }
0x22: {  	p0 =	sne.s32 s0, $0x0;
	_ =	strace $0x90000047  }
0x23: {  	s0 =	sadd.s32 @!p0 $0x100000, s1;
	[bflag:$0x2] =	sbarrier.arrive $0xFFFF  }
0x24: {  	[sflag:s0] =	ssyncadd.tile.s32 @!p0 $0x1;
	_ =	shalt  }
.Lfunc_end2:
_tile_overlayer_lowered:
.L_overlay_start_2:
0x25: {  	(tag) =	ssettag $0x2  }
0x26: {  	s0 =	rddreg [dreg:$0x0];
	s2 =	stileid.u32  }
0x27: {  	s1 =	rddreg [dreg:$0x1];
	p0 =	sne.s32 s2, $0x0  }
0x28: {  	s3 =	rddreg [dreg:$0x2];
	[bflag:$0x3] =	sbarrier.arrive $0xFFFF;
	s2 =	simm.s32 @!p0 $0x1C03  }
0x29: {  	[timem:s3], [sflag:s2] =	dma.local @!p0 [hbm:s0], s1  }
0x2a: {  	s0 =	simm.s32 @!p0 $0x3  }
0x2b: {  	_ =	swait.ge @!p0 [sflag:s0], s1  }
0x2c: {  	s1 =	ssub.s32 @!p0 $0x0, s1;
	[sflag:s0] =	ssyncset.done @!p0 $0x0  }
0x2d: {  	[sflag:s0] =	ssyncadd.s32 @!p0 s1  }
0x2e: {  	[bflag:$0x3] =	sbarrier.arrive $0xFFFF  }
0x2f: {  	_ =	shalt  }

</sc_bundles>
